<compile_context>
chip_gen: v7x
topology: tpu7x:2x2x1
jax: 0.10.2.dev20260603
libtpu: 0.0.44.dev20260713+nightly
codegen_flags: <defaults>
</compile_context>

<pallas_src>
import functools

import jax
import jax.numpy as jnp
from jax import lax
from jax.experimental import pallas as pl
from jax.experimental.pallas import tpu as pltpu
from jax.experimental.pallas import tpu_sc as plsc

_BATCH = 16384
_N_FIELDS = 26
_DIM = 64
_VOCAB = 1000000

_NC = 2
_NS = 16
_NW = _NC * _NS

_CBLK = 256
_NBLK = _VOCAB // _CBLK
_TAIL = _VOCAB - _NBLK * _CBLK
_LANES16 = 16


def _transpose_body(embT_hbm, tailT_hbm, flat_hbm, in_v, tail_v, out_v,
                    isems, osems):
    wid = lax.axis_index("s") * _NC + lax.axis_index("c")
    lanes = lax.iota(jnp.int32, _LANES16)
    nblk = (_NBLK - 1 - wid) // _NW + 1

    def start_load(b, t):
        bk = wid + t * _NW
        col0 = pl.multiple_of(bk * _CBLK, _CBLK)
        pltpu.async_copy(
            embT_hbm.at[:, pl.ds(col0, _CBLK)], in_v.at[b], isems.at[b]
        )

    def wait_load(b):
        pltpu.make_async_copy(
            embT_hbm.at[:, pl.ds(0, _CBLK)], in_v.at[b], isems.at[b]
        ).wait()

    def start_store(b, t):
        bk = wid + t * _NW
        off = bk * (_CBLK * _DIM)
        pltpu.async_copy(
            out_v.at[pl.ds(b * (_CBLK * _DIM), _CBLK * _DIM)],
            flat_hbm.at[pl.ds(off, _CBLK * _DIM)],
            osems.at[b],
        )

    def wait_store(b):
        pltpu.make_async_copy(
            out_v.at[pl.ds(b * (_CBLK * _DIM), _CBLK * _DIM)],
            flat_hbm.at[pl.ds(0, _CBLK * _DIM)],
            osems.at[b],
        ).wait()

    def transpose_block(src, nrows, b):
        mask = nrows - 1

        base = b * (_CBLK * _DIM)

        @plsc.parallel_loop(0, nrows, step=1, unroll=4)
        def _(j):
            jw = jnp.bitwise_and(j + lanes, mask)
            jw64 = base + jw * _DIM
            for rr in range(_DIM // _LANES16):
                dvec = rr * _LANES16 + lanes
                v = plsc.load_gather(src, [dvec, jw])
                plsc.store_scatter(out_v, [jw64 + dvec], v)

    start_load(0, 0)

    def step2(t2, carry):
        for b in range(2):
            t = t2 * 2 + b
            wait_load(b)

            @pl.when(t + 1 < nblk)
            def _():
                start_load(1 - b, t + 1)

            @pl.when(t >= 2)
            def _():
                wait_store(b)

            transpose_block(in_v.at[b], _CBLK, b)
            start_store(b, t)
        return carry

    lax.fori_loop(0, nblk // 2, step2, 0)

    @pl.when(lax.rem(nblk, 2) == 1)
    def _():
        t = nblk - 1
        wait_load(0)
        wait_store(0)
        transpose_block(in_v.at[0], _CBLK, 0)
        start_store(0, t)

    @pl.when(wid == 0)
    def _():
        pltpu.sync_copy(tailT_hbm, tail_v)
        wait_store(lax.rem(nblk, 2))
        transpose_block(tail_v, _TAIL, lax.rem(nblk, 2))
        pltpu.async_copy(
            out_v.at[pl.ds(lax.rem(nblk, 2) * (_CBLK * _DIM), _TAIL * _DIM)],
            flat_hbm.at[pl.ds(_NBLK * _CBLK * _DIM, _TAIL * _DIM)],
            osems.at[lax.rem(nblk, 2)],
        )
        pltpu.make_async_copy(
            out_v.at[pl.ds(lax.rem(nblk, 2) * (_CBLK * _DIM), _TAIL * _DIM)],
            flat_hbm.at[pl.ds(0, _TAIL * _DIM)],
            osems.at[lax.rem(nblk, 2)],
        ).wait()

    @pl.when(wid != 0)
    def _():
        wait_store(lax.rem(nblk, 2))
    wait_store(lax.rem(nblk + 1, 2))


@functools.partial(
    pl.kernel,
    mesh=plsc.VectorSubcoreMesh(core_axis_name="c", subcore_axis_name="s"),
    out_type=jax.ShapeDtypeStruct((_VOCAB * _DIM,), jnp.float32),
    scratch_types=[
        pltpu.VMEM((2, _DIM, _CBLK), jnp.float32),
        pltpu.VMEM((_DIM, _TAIL), jnp.float32),
        pltpu.VMEM((2 * _CBLK * _DIM,), jnp.float32),
        pltpu.SemaphoreType.DMA((2,)),
        pltpu.SemaphoreType.DMA((2,)),
    ],
    compiler_params=pltpu.CompilerParams(
        use_tc_tiling_on_sc=True, needs_layout_passes=False
    ),
)
def _transpose_call(embT_hbm, tailT_hbm, flat_hbm, in_v, tail_v, out_v,
                    isems, osems):
    _transpose_body(embT_hbm, tailT_hbm, flat_hbm, in_v, tail_v, out_v,
                    isems, osems)


_B_PER_W = _BATCH // _NW
_NBUF = 2
_N_PAIRS = _N_FIELDS // _NBUF


def _gather_body(idxT_hbm, table_hbm, out_hbm, idx_v, rows_v, gsems, wsems):
    wid = lax.axis_index("s") * _NC + lax.axis_index("c")
    b0 = wid * _B_PER_W

    def start_gather(b, f):
        pltpu.async_copy(
            table_hbm.at[idx_v.at[f]], rows_v.at[b], gsems.at[b]
        )

    def wait_gather(b, f):
        pltpu.make_async_copy(
            table_hbm.at[idx_v.at[f]], rows_v.at[b], gsems.at[b]
        ).wait()

    def start_writeback(b, f):
        pltpu.async_copy(
            rows_v.at[b], out_hbm.at[pl.ds(b0, _B_PER_W), f], wsems.at[b]
        )

    def wait_writeback(b):
        pltpu.make_async_copy(
            rows_v.at[b], out_hbm.at[pl.ds(b0, _B_PER_W), 0], wsems.at[b]
        ).wait()

    pltpu.sync_copy(idxT_hbm.at[:, pl.ds(b0, _B_PER_W)], idx_v)

    for b in range(_NBUF):
        start_gather(b, b)

    def pair(j, carry):
        for b in range(_NBUF):
            f = j * _NBUF + b
            wait_gather(b, f)
            start_writeback(b, f)

            @pl.when(j < _N_PAIRS - 1)
            def _():
                wait_writeback(b)
                start_gather(b, f + _NBUF)

        return carry

    lax.fori_loop(0, _N_PAIRS, pair, 0)

    for b in range(_NBUF):
        wait_writeback(b)


@functools.partial(
    pl.kernel,
    mesh=plsc.VectorSubcoreMesh(core_axis_name="c", subcore_axis_name="s"),
    out_type=jax.ShapeDtypeStruct((_BATCH, _N_FIELDS, _DIM), jnp.float32),
    scratch_types=[
        pltpu.VMEM((_N_FIELDS, _B_PER_W), jnp.int32),
        pltpu.VMEM((_NBUF, _B_PER_W, _DIM), jnp.float32),
        pltpu.SemaphoreType.DMA((_NBUF,)),
        pltpu.SemaphoreType.DMA((_NBUF,)),
    ],
    compiler_params=pltpu.CompilerParams(use_tc_tiling_on_sc=False),
)
def _gather_call(idxT_hbm, table_hbm, out_hbm, idx_v, rows_v, gsems, wsems):
    _gather_body(idxT_hbm, table_hbm, out_hbm, idx_v, rows_v, gsems, wsems)


@jax.jit
def kernel(X, embeddings):
    embT = embeddings.T
    flat = _transpose_call(embT, embT[:, _NBLK * _CBLK:])
    table = flat.reshape(_VOCAB, _DIM)
    return _gather_call(X.T.astype(jnp.int32), table)

# --- scband reference (transcript-rebuilt; emitter-appended) ---
"""Pipeline reference for scband-embedding-58299886076302 (READ-ONLY COPY).

The authoritative reference and input builder live on the scoring server;
editing this copy changes nothing except your own understanding.
"""

import jax, jax.numpy as jnp
import numpy as np

NUM_EMBEDDINGS = 1000000
EMBEDDING_DIM = 64
BATCH = 16384
N_FIELDS = 26


def setup_inputs(seed: int = 0) -> dict:
    key = jax.random.key(seed)
    k1, k2 = jax.random.split(key)
    X = jax.random.randint(k1, (BATCH, N_FIELDS), 0, NUM_EMBEDDINGS, dtype=jnp.int64 if jax.config.jax_enable_x64 else jnp.int32)
    embeddings = jax.random.normal(k2, (NUM_EMBEDDINGS, EMBEDDING_DIM), dtype=jnp.float32) * 0.2
    return {"X": X, "embeddings": embeddings}


def reference(X, embeddings):
    # Faithful translation of Embedding.forward: self.embeddings[X]
    return jnp.take(embeddings, X, axis=0)

if __name__ == "__main__":
    import jax
    _d = setup_inputs()
    print(jax.jit(kernel)(*tuple(_d.values())))

</pallas_src>

<mosaic_0001>
#map = affine_map<(d0, d1) -> (0, 0)>
#map1 = affine_map<(d0, d1) -> (0, 0, 0)>
module attributes {stable_mosaic.version = 14 : i64} {
  func.func @_gather_call(%arg0: i32, %arg1: i32, %arg2: memref<26x16384xi32, #tpu.memory_space<hbm>>, %arg3: memref<1000000x64xf32, #tpu.memory_space<hbm>>, %arg4: memref<16384x26x64xf32, #tpu.memory_space<hbm>>, %arg5: memref<26x512xi32, #tpu.memory_space<vmem>>, %arg6: memref<2x512x64xf32, #tpu.memory_space<vmem>>, %arg7: memref<2x!tpu.dma_semaphore, #tpu.memory_space<semaphore_mem>>, %arg8: memref<2x!tpu.dma_semaphore, #tpu.memory_space<semaphore_mem>>) attributes {dimension_semantics = [#tpu.dimension_semantics<core_parallel>, #tpu.dimension_semantics<subcore_parallel>], iteration_bounds = array<i64: 2, 16>, scalar_prefetch = 0 : i64, scratch_operands = 4 : i64, tpu.core_type = #tpu.core_type<sc_vector_subcore>, window_params = [{transform_indices = #map}, {transform_indices = #map}, {transform_indices = #map1}]} {
    %mul3A = arith.constant 2 : i32
    %mul3A_0 = arith.muli %arg1, %mul3A : i32
    %add3A = arith.addi %mul3A_0, %arg0 : i32
    %mul3A_1 = arith.constant 512 : i32
    %mul3A_2 = arith.muli %add3A, %mul3A_1 : i32
    "tpu.region"() ({
      %run_scoped3A = tpu.sem_alloc : memref<!tpu.dma_semaphore, #tpu.memory_space<semaphore_mem>>
      %dma_start3A_74 = arith.constant 0 : i32
      %dma_start3A_75 = tpu.memref_slice %arg2[%dma_start3A_74, %mul3A_2] : memref<26x16384xi32, #tpu.memory_space<hbm>> -> memref<26x512xi32, #tpu.memory_space<hbm>>
      %dma_start3A_76 = arith.constant 0 : i32
      %dma_start3A_77 = tpu.memref_slice %arg2[%dma_start3A_76, %mul3A_2] : memref<26x16384xi32, #tpu.memory_space<hbm>> -> memref<26x512xi32, #tpu.memory_space<hbm>>
      tpu.enqueue_dma source(%dma_start3A_77 : memref<26x512xi32, #tpu.memory_space<hbm>>) target(%arg5 : memref<26x512xi32, #tpu.memory_space<vmem>>) target_semaphore(%run_scoped3A : memref<!tpu.dma_semaphore, #tpu.memory_space<semaphore_mem>>)
      %dma_wait3A_78 = arith.constant 0 : i32
      %dma_wait3A_79 = tpu.memref_slice %arg2[%dma_wait3A_78, %mul3A_2] : memref<26x16384xi32, #tpu.memory_space<hbm>> -> memref<26x512xi32, #tpu.memory_space<hbm>>
      %dma_wait3A_80 = arith.constant 0 : i32
      %dma_wait3A_81 = tpu.memref_slice %arg2[%dma_wait3A_80, %mul3A_2] : memref<26x16384xi32, #tpu.memory_space<hbm>> -> memref<26x512xi32, #tpu.memory_space<hbm>>
      tpu.wait_dma2 semaphore(%run_scoped3A : memref<!tpu.dma_semaphore, #tpu.memory_space<semaphore_mem>>) src(%dma_wait3A_81 : memref<26x512xi32, #tpu.memory_space<hbm>>) dst(%arg5 : memref<26x512xi32, #tpu.memory_space<vmem>>)
      tpu.yield
    }) : () -> ()
    %dma_start3A = arith.constant 0 : i32
    %dma_start3A_3 = arith.constant 0 : i32
    %dma_start3A_4 = arith.constant 0 : i32
    %dma_start3A_5 = arith.constant 0 : i32
    %dma_start3A_6 = arith.constant 0 : i32
    %dma_start3A_7 = tpu.memref_slice %arg6[%dma_start3A_3, %dma_start3A_5, %dma_start3A_6] : memref<2x512x64xf32, #tpu.memory_space<vmem>> -> memref<1x512x64xf32, #tpu.memory_space<vmem>>
    %dma_start3A_8 = tpu.memref_squeeze %dma_start3A_7 : memref<1x512x64xf32, #tpu.memory_space<vmem>> -> memref<512x64xf32, #tpu.memory_space<vmem>>
    %dma_start3A_9 = arith.constant 0 : i32
    %dma_start3A_10 = tpu.memref_slice %arg5[%dma_start3A, %dma_start3A_9] : memref<26x512xi32, #tpu.memory_space<vmem>> -> memref<1x512xi32, #tpu.memory_space<vmem>>
    %dma_start3A_11 = tpu.memref_squeeze %dma_start3A_10 : memref<1x512xi32, #tpu.memory_space<vmem>> -> memref<512xi32, #tpu.memory_space<vmem>>
    %dma_start3A_12 = arith.constant 0 : i32
    %dma_start3A_13 = arith.constant 0 : i32
    %dma_start3A_14 = tpu.memref_slice %arg3[%dma_start3A_12, %dma_start3A_13] : memref<1000000x64xf32, #tpu.memory_space<hbm>> -> memref<1000000x64xf32, #tpu.memory_space<hbm>>
    %dma_start3A_15 = tpu.memref_slice %arg7[%dma_start3A_4] : memref<2x!tpu.dma_semaphore, #tpu.memory_space<semaphore_mem>> -> memref<1x!tpu.dma_semaphore, #tpu.memory_space<semaphore_mem>>
    %dma_start3A_16 = tpu.memref_squeeze %dma_start3A_15 : memref<1x!tpu.dma_semaphore, #tpu.memory_space<semaphore_mem>> -> memref<!tpu.dma_semaphore, #tpu.memory_space<semaphore_mem>>
    tpu.enqueue_indirect_dma source(%dma_start3A_14 : memref<1000000x64xf32, #tpu.memory_space<hbm>>) target(%dma_start3A_8 : memref<512x64xf32, #tpu.memory_space<vmem>>) offsets(%dma_start3A_11 : memref<512xi32, #tpu.memory_space<vmem>>) semaphore(%dma_start3A_16 : memref<!tpu.dma_semaphore, #tpu.memory_space<semaphore_mem>>)
    %dma_start3A_17 = arith.constant 1 : i32
    %dma_start3A_18 = arith.constant 1 : i32
    %dma_start3A_19 = arith.constant 1 : i32
    %dma_start3A_20 = arith.constant 0 : i32
    %dma_start3A_21 = arith.constant 0 : i32
    %dma_start3A_22 = tpu.memref_slice %arg6[%dma_start3A_18, %dma_start3A_20, %dma_start3A_21] : memref<2x512x64xf32, #tpu.memory_space<vmem>> -> memref<1x512x64xf32, #tpu.memory_space<vmem>>
    %dma_start3A_23 = tpu.memref_squeeze %dma_start3A_22 : memref<1x512x64xf32, #tpu.memory_space<vmem>> -> memref<512x64xf32, #tpu.memory_space<vmem>>
    %dma_start3A_24 = arith.constant 0 : i32
    %dma_start3A_25 = tpu.memref_slice %arg5[%dma_start3A_17, %dma_start3A_24] : memref<26x512xi32, #tpu.memory_space<vmem>> -> memref<1x512xi32, #tpu.memory_space<vmem>>
    %dma_start3A_26 = tpu.memref_squeeze %dma_start3A_25 : memref<1x512xi32, #tpu.memory_space<vmem>> -> memref<512xi32, #tpu.memory_space<vmem>>
    %dma_start3A_27 = arith.constant 0 : i32
    %dma_start3A_28 = arith.constant 0 : i32
    %dma_start3A_29 = tpu.memref_slice %arg3[%dma_start3A_27, %dma_start3A_28] : memref<1000000x64xf32, #tpu.memory_space<hbm>> -> memref<1000000x64xf32, #tpu.memory_space<hbm>>
    %dma_start3A_30 = tpu.memref_slice %arg7[%dma_start3A_19] : memref<2x!tpu.dma_semaphore, #tpu.memory_space<semaphore_mem>> -> memref<1x!tpu.dma_semaphore, #tpu.memory_space<semaphore_mem>>
    %dma_start3A_31 = tpu.memref_squeeze %dma_start3A_30 : memref<1x!tpu.dma_semaphore, #tpu.memory_space<semaphore_mem>> -> memref<!tpu.dma_semaphore, #tpu.memory_space<semaphore_mem>>
    tpu.enqueue_indirect_dma source(%dma_start3A_29 : memref<1000000x64xf32, #tpu.memory_space<hbm>>) target(%dma_start3A_23 : memref<512x64xf32, #tpu.memory_space<vmem>>) offsets(%dma_start3A_26 : memref<512xi32, #tpu.memory_space<vmem>>) semaphore(%dma_start3A_31 : memref<!tpu.dma_semaphore, #tpu.memory_space<semaphore_mem>>)
    %scan3A = arith.constant 0 : i32
    %scan3A_32 = arith.constant 0 : i32
    %scan3A_33 = arith.constant 13 : i32
    %scan3A_34 = arith.addi %scan3A_32, %scan3A_33 : i32
    %scan3A_35 = arith.constant 1 : i32
    scf.for %scan3A_74 = %scan3A_32 to %scan3A_34 step %scan3A_35  : i32 {
      %mul3A_75 = arith.constant 2 : i32
      %mul3A_76 = arith.muli %scan3A_74, %mul3A_75 : i32
      %add3A_77 = arith.constant 0 : i32
      %add3A_78 = arith.addi %mul3A_76, %add3A_77 : i32
      %dma_wait3A_79 = arith.constant 0 : i32
      %dma_wait3A_80 = arith.constant 0 : i32
      %dma_wait3A_81 = arith.constant 0 : i32
      %dma_wait3A_82 = arith.constant 0 : i32
      %dma_wait3A_83 = tpu.memref_slice %arg6[%dma_wait3A_79, %dma_wait3A_81, %dma_wait3A_82] : memref<2x512x64xf32, #tpu.memory_space<vmem>> -> memref<1x512x64xf32, #tpu.memory_space<vmem>>
      %dma_wait3A_84 = tpu.memref_squeeze %dma_wait3A_83 : memref<1x512x64xf32, #tpu.memory_space<vmem>> -> memref<512x64xf32, #tpu.memory_space<vmem>>
      %dma_wait3A_85 = arith.constant 0 : i32
      %dma_wait3A_86 = tpu.memref_slice %arg5[%add3A_78, %dma_wait3A_85] : memref<26x512xi32, #tpu.memory_space<vmem>> -> memref<1x512xi32, #tpu.memory_space<vmem>>
      %dma_wait3A_87 = tpu.memref_squeeze %dma_wait3A_86 : memref<1x512xi32, #tpu.memory_space<vmem>> -> memref<512xi32, #tpu.memory_space<vmem>>
      %dma_wait3A_88 = arith.constant 0 : i32
      %dma_wait3A_89 = arith.constant 0 : i32
      %dma_wait3A_90 = tpu.memref_slice %arg3[%dma_wait3A_88, %dma_wait3A_89] : memref<1000000x64xf32, #tpu.memory_space<hbm>> -> memref<1000000x64xf32, #tpu.memory_space<hbm>>
      %dma_wait3A_91 = tpu.memref_slice %arg7[%dma_wait3A_80] : memref<2x!tpu.dma_semaphore, #tpu.memory_space<semaphore_mem>> -> memref<1x!tpu.dma_semaphore, #tpu.memory_space<semaphore_mem>>
      %dma_wait3A_92 = tpu.memref_squeeze %dma_wait3A_91 : memref<1x!tpu.dma_semaphore, #tpu.memory_space<semaphore_mem>> -> memref<!tpu.dma_semaphore, #tpu.memory_space<semaphore_mem>>
      tpu.wait_indirect_dma semaphore(%dma_wait3A_92 : memref<!tpu.dma_semaphore, #tpu.memory_space<semaphore_mem>>) src(%dma_wait3A_90 : memref<1000000x64xf32, #tpu.memory_space<hbm>>) dst(%dma_wait3A_84 : memref<512x64xf32, #tpu.memory_space<vmem>>)
      %dma_start3A_93 = arith.constant 0 : i32
      %dma_start3A_94 = arith.constant 0 : i32
      %dma_start3A_95 = arith.constant 0 : i32
      %dma_start3A_96 = arith.constant 0 : i32
      %dma_start3A_97 = tpu.memref_slice %arg6[%dma_start3A_93, %dma_start3A_95, %dma_start3A_96] : memref<2x512x64xf32, #tpu.memory_space<vmem>> -> memref<1x512x64xf32, #tpu.memory_space<vmem>>
      %dma_start3A_98 = tpu.memref_squeeze %dma_start3A_97 : memref<1x512x64xf32, #tpu.memory_space<vmem>> -> memref<512x64xf32, #tpu.memory_space<vmem>>
      %dma_start3A_99 = arith.constant 0 : i32
      %dma_start3A_100 = tpu.memref_slice %arg4[%mul3A_2, %add3A_78, %dma_start3A_99] : memref<16384x26x64xf32, #tpu.memory_space<hbm>> -> memref<512x1x64xf32, #tpu.memory_space<hbm>>
      %dma_start3A_101 = tpu.memref_squeeze %dma_start3A_100 : memref<512x1x64xf32, #tpu.memory_space<hbm>> -> memref<512x64xf32, #tpu.memory_space<hbm>>
      %dma_start3A_102 = tpu.memref_slice %arg8[%dma_start3A_94] : memref<2x!tpu.dma_semaphore, #tpu.memory_space<semaphore_mem>> -> memref<1x!tpu.dma_semaphore, #tpu.memory_space<semaphore_mem>>
      %dma_start3A_103 = tpu.memref_squeeze %dma_start3A_102 : memref<1x!tpu.dma_semaphore, #tpu.memory_space<semaphore_mem>> -> memref<!tpu.dma_semaphore, #tpu.memory_space<semaphore_mem>>
      %dma_start3A_104 = arith.constant 0 : i32
      %dma_start3A_105 = tpu.memref_slice %arg4[%mul3A_2, %add3A_78, %dma_start3A_104] : memref<16384x26x64xf32, #tpu.memory_space<hbm>> -> memref<512x1x64xf32, #tpu.memory_space<hbm>>
      %dma_start3A_106 = tpu.memref_squeeze %dma_start3A_105 : memref<512x1x64xf32, #tpu.memory_space<hbm>> -> memref<512x64xf32, #tpu.memory_space<hbm>>
      %dma_start3A_107 = arith.constant 0 : i32
      %dma_start3A_108 = arith.constant 0 : i32
      %dma_start3A_109 = tpu.memref_slice %arg6[%dma_start3A_93, %dma_start3A_107, %dma_start3A_108] : memref<2x512x64xf32, #tpu.memory_space<vmem>> -> memref<1x512x64xf32, #tpu.memory_space<vmem>>
      %dma_start3A_110 = tpu.memref_squeeze %dma_start3A_109 : memref<1x512x64xf32, #tpu.memory_space<vmem>> -> memref<512x64xf32, #tpu.memory_space<vmem>>
      tpu.enqueue_dma source(%dma_start3A_110 : memref<512x64xf32, #tpu.memory_space<vmem>>) target(%dma_start3A_106 : memref<512x64xf32, #tpu.memory_space<hbm>>) target_semaphore(%dma_start3A_103 : memref<!tpu.dma_semaphore, #tpu.memory_space<semaphore_mem>>)
      %lt3A = arith.constant 12 : i32
      %lt3A_111 = arith.cmpi slt, %scan3A_74, %lt3A : i32
      %convert_element_type3A = arith.extui %lt3A_111 : i1 to i32
      %cond3A = arith.constant 0 : i32
      %cond3A_112 = arith.cmpi ne, %convert_element_type3A, %cond3A : i32
      scf.if %cond3A_112 {
        %dma_wait3A_154 = arith.constant 0 : i32
        %dma_wait3A_155 = arith.constant 0 : i32
        %dma_wait3A_156 = arith.constant 0 : i32
        %dma_wait3A_157 = arith.constant 0 : i32
        %dma_wait3A_158 = arith.constant 0 : i32
        %dma_wait3A_159 = tpu.memref_slice %arg6[%dma_wait3A_154, %dma_wait3A_157, %dma_wait3A_158] : memref<2x512x64xf32, #tpu.memory_space<vmem>> -> memref<1x512x64xf32, #tpu.memory_space<vmem>>
        %dma_wait3A_160 = tpu.memref_squeeze %dma_wait3A_159 : memref<1x512x64xf32, #tpu.memory_space<vmem>> -> memref<512x64xf32, #tpu.memory_space<vmem>>
        %dma_wait3A_161 = arith.constant 0 : i32
        %dma_wait3A_162 = tpu.memref_slice %arg4[%mul3A_2, %dma_wait3A_155, %dma_wait3A_161] : memref<16384x26x64xf32, #tpu.memory_space<hbm>> -> memref<512x1x64xf32, #tpu.memory_space<hbm>>
        %dma_wait3A_163 = tpu.memref_squeeze %dma_wait3A_162 : memref<512x1x64xf32, #tpu.memory_space<hbm>> -> memref<512x64xf32, #tpu.memory_space<hbm>>
        %dma_wait3A_164 = tpu.memref_slice %arg8[%dma_wait3A_156] : memref<2x!tpu.dma_semaphore, #tpu.memory_space<semaphore_mem>> -> memref<1x!tpu.dma_semaphore, #tpu.memory_space<semaphore_mem>>
        %dma_wait3A_165 = tpu.memref_squeeze %dma_wait3A_164 : memref<1x!tpu.dma_semaphore, #tpu.memory_space<semaphore_mem>> -> memref<!tpu.dma_semaphore, #tpu.memory_space<semaphore_mem>>
        %dma_wait3A_166 = arith.constant 0 : i32
        %dma_wait3A_167 = tpu.memref_slice %arg4[%mul3A_2, %dma_wait3A_155, %dma_wait3A_166] : memref<16384x26x64xf32, #tpu.memory_space<hbm>> -> memref<512x1x64xf32, #tpu.memory_space<hbm>>
        %dma_wait3A_168 = tpu.memref_squeeze %dma_wait3A_167 : memref<512x1x64xf32, #tpu.memory_space<hbm>> -> memref<512x64xf32, #tpu.memory_space<hbm>>
        %dma_wait3A_169 = arith.constant 0 : i32
        %dma_wait3A_170 = arith.constant 0 : i32
        %dma_wait3A_171 = tpu.memref_slice %arg6[%dma_wait3A_154, %dma_wait3A_169, %dma_wait3A_170] : memref<2x512x64xf32, #tpu.memory_space<vmem>> -> memref<1x512x64xf32, #tpu.memory_space<vmem>>
        %dma_wait3A_172 = tpu.memref_squeeze %dma_wait3A_171 : memref<1x512x64xf32, #tpu.memory_space<vmem>> -> memref<512x64xf32, #tpu.memory_space<vmem>>
        tpu.wait_dma2 semaphore(%dma_wait3A_165 : memref<!tpu.dma_semaphore, #tpu.memory_space<semaphore_mem>>) src(%dma_wait3A_172 : memref<512x64xf32, #tpu.memory_space<vmem>>) dst(%dma_wait3A_168 : memref<512x64xf32, #tpu.memory_space<hbm>>)
        %add3A_173 = arith.constant 2 : i32
        %add3A_174 = arith.addi %add3A_78, %add3A_173 : i32
        %dma_start3A_175 = arith.constant 0 : i32
        %dma_start3A_176 = arith.constant 0 : i32
        %dma_start3A_177 = arith.constant 0 : i32
        %dma_start3A_178 = arith.constant 0 : i32
        %dma_start3A_179 = tpu.memref_slice %arg6[%dma_start3A_175, %dma_start3A_177, %dma_start3A_178] : memref<2x512x64xf32, #tpu.memory_space<vmem>> -> memref<1x512x64xf32, #tpu.memory_space<vmem>>
        %dma_start3A_180 = tpu.memref_squeeze %dma_start3A_179 : memref<1x512x64xf32, #tpu.memory_space<vmem>> -> memref<512x64xf32, #tpu.memory_space<vmem>>
        %dma_start3A_181 = arith.constant 0 : i32
        %dma_start3A_182 = tpu.memref_slice %arg5[%add3A_174, %dma_start3A_181] : memref<26x512xi32, #tpu.memory_space<vmem>> -> memref<1x512xi32, #tpu.memory_space<vmem>>
        %dma_start3A_183 = tpu.memref_squeeze %dma_start3A_182 : memref<1x512xi32, #tpu.memory_space<vmem>> -> memref<512xi32, #tpu.memory_space<vmem>>
        %dma_start3A_184 = arith.constant 0 : i32
        %dma_start3A_185 = arith.constant 0 : i32
        %dma_start3A_186 = tpu.memref_slice %arg3[%dma_start3A_184, %dma_start3A_185] : memref<1000000x64xf32, #tpu.memory_space<hbm>> -> memref<1000000x64xf32, #tpu.memory_space<hbm>>
        %dma_start3A_187 = tpu.memref_slice %arg7[%dma_start3A_176] : memref<2x!tpu.dma_semaphore, #tpu.memory_space<semaphore_mem>> -> memref<1x!tpu.dma_semaphore, #tpu.memory_space<semaphore_mem>>
        %dma_start3A_188 = tpu.memref_squeeze %dma_start3A_187 : memref<1x!tpu.dma_semaphore, #tpu.memory_space<semaphore_mem>> -> memref<!tpu.dma_semaphore, #tpu.memory_space<semaphore_mem>>
        tpu.enqueue_indirect_dma source(%dma_start3A_186 : memref<1000000x64xf32, #tpu.memory_space<hbm>>) target(%dma_start3A_180 : memref<512x64xf32, #tpu.memory_space<vmem>>) offsets(%dma_start3A_183 : memref<512xi32, #tpu.memory_space<vmem>>) semaphore(%dma_start3A_188 : memref<!tpu.dma_semaphore, #tpu.memory_space<semaphore_mem>>)
      } else {
      }
      %mul3A_113 = arith.constant 2 : i32
      %mul3A_114 = arith.muli %scan3A_74, %mul3A_113 : i32
      %add3A_115 = arith.constant 1 : i32
      %add3A_116 = arith.addi %mul3A_114, %add3A_115 : i32
      %dma_wait3A_117 = arith.constant 1 : i32
      %dma_wait3A_118 = arith.constant 1 : i32
      %dma_wait3A_119 = arith.constant 0 : i32
      %dma_wait3A_120 = arith.constant 0 : i32
      %dma_wait3A_121 = tpu.memref_slice %arg6[%dma_wait3A_117, %dma_wait3A_119, %dma_wait3A_120] : memref<2x512x64xf32, #tpu.memory_space<vmem>> -> memref<1x512x64xf32, #tpu.memory_space<vmem>>
      %dma_wait3A_122 = tpu.memref_squeeze %dma_wait3A_121 : memref<1x512x64xf32, #tpu.memory_space<vmem>> -> memref<512x64xf32, #tpu.memory_space<vmem>>
      %dma_wait3A_123 = arith.constant 0 : i32
      %dma_wait3A_124 = tpu.memref_slice %arg5[%add3A_116, %dma_wait3A_123] : memref<26x512xi32, #tpu.memory_space<vmem>> -> memref<1x512xi32, #tpu.memory_space<vmem>>
      %dma_wait3A_125 = tpu.memref_squeeze %dma_wait3A_124 : memref<1x512xi32, #tpu.memory_space<vmem>> -> memref<512xi32, #tpu.memory_space<vmem>>
      %dma_wait3A_126 = arith.constant 0 : i32
      %dma_wait3A_127 = arith.constant 0 : i32
      %dma_wait3A_128 = tpu.memref_slice %arg3[%dma_wait3A_126, %dma_wait3A_127] : memref<1000000x64xf32, #tpu.memory_space<hbm>> -> memref<1000000x64xf32, #tpu.memory_space<hbm>>
      %dma_wait3A_129 = tpu.memref_slice %arg7[%dma_wait3A_118] : memref<2x!tpu.dma_semaphore, #tpu.memory_space<semaphore_mem>> -> memref<1x!tpu.dma_semaphore, #tpu.memory_space<semaphore_mem>>
      %dma_wait3A_130 = tpu.memref_squeeze %dma_wait3A_129 : memref<1x!tpu.dma_semaphore, #tpu.memory_space<semaphore_mem>> -> memref<!tpu.dma_semaphore, #tpu.memory_space<semaphore_mem>>
      tpu.wait_indirect_dma semaphore(%dma_wait3A_130 : memref<!tpu.dma_semaphore, #tpu.memory_space<semaphore_mem>>) src(%dma_wait3A_128 : memref<1000000x64xf32, #tpu.memory_space<hbm>>) dst(%dma_wait3A_122 : memref<512x64xf32, #tpu.memory_space<vmem>>)
      %dma_start3A_131 = arith.constant 1 : i32
      %dma_start3A_132 = arith.constant 1 : i32
      %dma_start3A_133 = arith.constant 0 : i32
      %dma_start3A_134 = arith.constant 0 : i32
      %dma_start3A_135 = tpu.memref_slice %arg6[%dma_start3A_131, %dma_start3A_133, %dma_start3A_134] : memref<2x512x64xf32, #tpu.memory_space<vmem>> -> memref<1x512x64xf32, #tpu.memory_space<vmem>>
      %dma_start3A_136 = tpu.memref_squeeze %dma_start3A_135 : memref<1x512x64xf32, #tpu.memory_space<vmem>> -> memref<512x64xf32, #tpu.memory_space<vmem>>
      %dma_start3A_137 = arith.constant 0 : i32
      %dma_start3A_138 = tpu.memref_slice %arg4[%mul3A_2, %add3A_116, %dma_start3A_137] : memref<16384x26x64xf32, #tpu.memory_space<hbm>> -> memref<512x1x64xf32, #tpu.memory_space<hbm>>
      %dma_start3A_139 = tpu.memref_squeeze %dma_start3A_138 : memref<512x1x64xf32, #tpu.memory_space<hbm>> -> memref<512x64xf32, #tpu.memory_space<hbm>>
      %dma_start3A_140 = tpu.memref_slice %arg8[%dma_start3A_132] : memref<2x!tpu.dma_semaphore, #tpu.memory_space<semaphore_mem>> -> memref<1x!tpu.dma_semaphore, #tpu.memory_space<semaphore_mem>>
      %dma_start3A_141 = tpu.memref_squeeze %dma_start3A_140 : memref<1x!tpu.dma_semaphore, #tpu.memory_space<semaphore_mem>> -> memref<!tpu.dma_semaphore, #tpu.memory_space<semaphore_mem>>
      %dma_start3A_142 = arith.constant 0 : i32
      %dma_start3A_143 = tpu.memref_slice %arg4[%mul3A_2, %add3A_116, %dma_start3A_142] : memref<16384x26x64xf32, #tpu.memory_space<hbm>> -> memref<512x1x64xf32, #tpu.memory_space<hbm>>
      %dma_start3A_144 = tpu.memref_squeeze %dma_start3A_143 : memref<512x1x64xf32, #tpu.memory_space<hbm>> -> memref<512x64xf32, #tpu.memory_space<hbm>>
      %dma_start3A_145 = arith.constant 0 : i32
      %dma_start3A_146 = arith.constant 0 : i32
      %dma_start3A_147 = tpu.memref_slice %arg6[%dma_start3A_131, %dma_start3A_145, %dma_start3A_146] : memref<2x512x64xf32, #tpu.memory_space<vmem>> -> memref<1x512x64xf32, #tpu.memory_space<vmem>>
      %dma_start3A_148 = tpu.memref_squeeze %dma_start3A_147 : memref<1x512x64xf32, #tpu.memory_space<vmem>> -> memref<512x64xf32, #tpu.memory_space<vmem>>
      tpu.enqueue_dma source(%dma_start3A_148 : memref<512x64xf32, #tpu.memory_space<vmem>>) target(%dma_start3A_144 : memref<512x64xf32, #tpu.memory_space<hbm>>) target_semaphore(%dma_start3A_141 : memref<!tpu.dma_semaphore, #tpu.memory_space<semaphore_mem>>)
      %lt3A_149 = arith.constant 12 : i32
      %lt3A_150 = arith.cmpi slt, %scan3A_74, %lt3A_149 : i32
      %convert_element_type3A_151 = arith.extui %lt3A_150 : i1 to i32
      %cond3A_152 = arith.constant 0 : i32
      %cond3A_153 = arith.cmpi ne, %convert_element_type3A_151, %cond3A_152 : i32
      scf.if %cond3A_153 {
        %dma_wait3A_154 = arith.constant 1 : i32
        %dma_wait3A_155 = arith.constant 0 : i32
        %dma_wait3A_156 = arith.constant 1 : i32
        %dma_wait3A_157 = arith.constant 0 : i32
        %dma_wait3A_158 = arith.constant 0 : i32
        %dma_wait3A_159 = tpu.memref_slice %arg6[%dma_wait3A_154, %dma_wait3A_157, %dma_wait3A_158] : memref<2x512x64xf32, #tpu.memory_space<vmem>> -> memref<1x512x64xf32, #tpu.memory_space<vmem>>
        %dma_wait3A_160 = tpu.memref_squeeze %dma_wait3A_159 : memref<1x512x64xf32, #tpu.memory_space<vmem>> -> memref<512x64xf32, #tpu.memory_space<vmem>>
        %dma_wait3A_161 = arith.constant 0 : i32
        %dma_wait3A_162 = tpu.memref_slice %arg4[%mul3A_2, %dma_wait3A_155, %dma_wait3A_161] : memref<16384x26x64xf32, #tpu.memory_space<hbm>> -> memref<512x1x64xf32, #tpu.memory_space<hbm>>
        %dma_wait3A_163 = tpu.memref_squeeze %dma_wait3A_162 : memref<512x1x64xf32, #tpu.memory_space<hbm>> -> memref<512x64xf32, #tpu.memory_space<hbm>>
        %dma_wait3A_164 = tpu.memref_slice %arg8[%dma_wait3A_156] : memref<2x!tpu.dma_semaphore, #tpu.memory_space<semaphore_mem>> -> memref<1x!tpu.dma_semaphore, #tpu.memory_space<semaphore_mem>>
        %dma_wait3A_165 = tpu.memref_squeeze %dma_wait3A_164 : memref<1x!tpu.dma_semaphore, #tpu.memory_space<semaphore_mem>> -> memref<!tpu.dma_semaphore, #tpu.memory_space<semaphore_mem>>
        %dma_wait3A_166 = arith.constant 0 : i32
        %dma_wait3A_167 = tpu.memref_slice %arg4[%mul3A_2, %dma_wait3A_155, %dma_wait3A_166] : memref<16384x26x64xf32, #tpu.memory_space<hbm>> -> memref<512x1x64xf32, #tpu.memory_space<hbm>>
        %dma_wait3A_168 = tpu.memref_squeeze %dma_wait3A_167 : memref<512x1x64xf32, #tpu.memory_space<hbm>> -> memref<512x64xf32, #tpu.memory_space<hbm>>
        %dma_wait3A_169 = arith.constant 0 : i32
        %dma_wait3A_170 = arith.constant 0 : i32
        %dma_wait3A_171 = tpu.memref_slice %arg6[%dma_wait3A_154, %dma_wait3A_169, %dma_wait3A_170] : memref<2x512x64xf32, #tpu.memory_space<vmem>> -> memref<1x512x64xf32, #tpu.memory_space<vmem>>
        %dma_wait3A_172 = tpu.memref_squeeze %dma_wait3A_171 : memref<1x512x64xf32, #tpu.memory_space<vmem>> -> memref<512x64xf32, #tpu.memory_space<vmem>>
        tpu.wait_dma2 semaphore(%dma_wait3A_165 : memref<!tpu.dma_semaphore, #tpu.memory_space<semaphore_mem>>) src(%dma_wait3A_172 : memref<512x64xf32, #tpu.memory_space<vmem>>) dst(%dma_wait3A_168 : memref<512x64xf32, #tpu.memory_space<hbm>>)
        %add3A_173 = arith.constant 2 : i32
        %add3A_174 = arith.addi %add3A_116, %add3A_173 : i32
        %dma_start3A_175 = arith.constant 1 : i32
        %dma_start3A_176 = arith.constant 1 : i32
        %dma_start3A_177 = arith.constant 0 : i32
        %dma_start3A_178 = arith.constant 0 : i32
        %dma_start3A_179 = tpu.memref_slice %arg6[%dma_start3A_175, %dma_start3A_177, %dma_start3A_178] : memref<2x512x64xf32, #tpu.memory_space<vmem>> -> memref<1x512x64xf32, #tpu.memory_space<vmem>>
        %dma_start3A_180 = tpu.memref_squeeze %dma_start3A_179 : memref<1x512x64xf32, #tpu.memory_space<vmem>> -> memref<512x64xf32, #tpu.memory_space<vmem>>
        %dma_start3A_181 = arith.constant 0 : i32
        %dma_start3A_182 = tpu.memref_slice %arg5[%add3A_174, %dma_start3A_181] : memref<26x512xi32, #tpu.memory_space<vmem>> -> memref<1x512xi32, #tpu.memory_space<vmem>>
        %dma_start3A_183 = tpu.memref_squeeze %dma_start3A_182 : memref<1x512xi32, #tpu.memory_space<vmem>> -> memref<512xi32, #tpu.memory_space<vmem>>
        %dma_start3A_184 = arith.constant 0 : i32
        %dma_start3A_185 = arith.constant 0 : i32
        %dma_start3A_186 = tpu.memref_slice %arg3[%dma_start3A_184, %dma_start3A_185] : memref<1000000x64xf32, #tpu.memory_space<hbm>> -> memref<1000000x64xf32, #tpu.memory_space<hbm>>
        %dma_start3A_187 = tpu.memref_slice %arg7[%dma_start3A_176] : memref<2x!tpu.dma_semaphore, #tpu.memory_space<semaphore_mem>> -> memref<1x!tpu.dma_semaphore, #tpu.memory_space<semaphore_mem>>
        %dma_start3A_188 = tpu.memref_squeeze %dma_start3A_187 : memref<1x!tpu.dma_semaphore, #tpu.memory_space<semaphore_mem>> -> memref<!tpu.dma_semaphore, #tpu.memory_space<semaphore_mem>>
        tpu.enqueue_indirect_dma source(%dma_start3A_186 : memref<1000000x64xf32, #tpu.memory_space<hbm>>) target(%dma_start3A_180 : memref<512x64xf32, #tpu.memory_space<vmem>>) offsets(%dma_start3A_183 : memref<512xi32, #tpu.memory_space<vmem>>) semaphore(%dma_start3A_188 : memref<!tpu.dma_semaphore, #tpu.memory_space<semaphore_mem>>)
      } else {
      }
    }
    %scan3A_36 = arith.constant 13 : i32
    %dma_wait3A = arith.constant 0 : i32
    %dma_wait3A_37 = arith.constant 0 : i32
    %dma_wait3A_38 = arith.constant 0 : i32
    %dma_wait3A_39 = arith.constant 0 : i32
    %dma_wait3A_40 = arith.constant 0 : i32
    %dma_wait3A_41 = tpu.memref_slice %arg6[%dma_wait3A, %dma_wait3A_39, %dma_wait3A_40] : memref<2x512x64xf32, #tpu.memory_space<vmem>> -> memref<1x512x64xf32, #tpu.memory_space<vmem>>
    %dma_wait3A_42 = tpu.memref_squeeze %dma_wait3A_41 : memref<1x512x64xf32, #tpu.memory_space<vmem>> -> memref<512x64xf32, #tpu.memory_space<vmem>>
    %dma_wait3A_43 = arith.constant 0 : i32
    %dma_wait3A_44 = tpu.memref_slice %arg4[%mul3A_2, %dma_wait3A_37, %dma_wait3A_43] : memref<16384x26x64xf32, #tpu.memory_space<hbm>> -> memref<512x1x64xf32, #tpu.memory_space<hbm>>
    %dma_wait3A_45 = tpu.memref_squeeze %dma_wait3A_44 : memref<512x1x64xf32, #tpu.memory_space<hbm>> -> memref<512x64xf32, #tpu.memory_space<hbm>>
    %dma_wait3A_46 = tpu.memref_slice %arg8[%dma_wait3A_38] : memref<2x!tpu.dma_semaphore, #tpu.memory_space<semaphore_mem>> -> memref<1x!tpu.dma_semaphore, #tpu.memory_space<semaphore_mem>>
    %dma_wait3A_47 = tpu.memref_squeeze %dma_wait3A_46 : memref<1x!tpu.dma_semaphore, #tpu.memory_space<semaphore_mem>> -> memref<!tpu.dma_semaphore, #tpu.memory_space<semaphore_mem>>
    %dma_wait3A_48 = arith.constant 0 : i32
    %dma_wait3A_49 = tpu.memref_slice %arg4[%mul3A_2, %dma_wait3A_37, %dma_wait3A_48] : memref<16384x26x64xf32, #tpu.memory_space<hbm>> -> memref<512x1x64xf32, #tpu.memory_space<hbm>>
    %dma_wait3A_50 = tpu.memref_squeeze %dma_wait3A_49 : memref<512x1x64xf32, #tpu.memory_space<hbm>> -> memref<512x64xf32, #tpu.memory_space<hbm>>
    %dma_wait3A_51 = arith.constant 0 : i32
    %dma_wait3A_52 = arith.constant 0 : i32
    %dma_wait3A_53 = tpu.memref_slice %arg6[%dma_wait3A, %dma_wait3A_51, %dma_wait3A_52] : memref<2x512x64xf32, #tpu.memory_space<vmem>> -> memref<1x512x64xf32, #tpu.memory_space<vmem>>
    %dma_wait3A_54 = tpu.memref_squeeze %dma_wait3A_53 : memref<1x512x64xf32, #tpu.memory_space<vmem>> -> memref<512x64xf32, #tpu.memory_space<vmem>>
    tpu.wait_dma2 semaphore(%dma_wait3A_47 : memref<!tpu.dma_semaphore, #tpu.memory_space<semaphore_mem>>) src(%dma_wait3A_54 : memref<512x64xf32, #tpu.memory_space<vmem>>) dst(%dma_wait3A_50 : memref<512x64xf32, #tpu.memory_space<hbm>>)
    %dma_wait3A_55 = arith.constant 1 : i32
    %dma_wait3A_56 = arith.constant 0 : i32
    %dma_wait3A_57 = arith.constant 1 : i32
    %dma_wait3A_58 = arith.constant 0 : i32
    %dma_wait3A_59 = arith.constant 0 : i32
    %dma_wait3A_60 = tpu.memref_slice %arg6[%dma_wait3A_55, %dma_wait3A_58, %dma_wait3A_59] : memref<2x512x64xf32, #tpu.memory_space<vmem>> -> memref<1x512x64xf32, #tpu.memory_space<vmem>>
    %dma_wait3A_61 = tpu.memref_squeeze %dma_wait3A_60 : memref<1x512x64xf32, #tpu.memory_space<vmem>> -> memref<512x64xf32, #tpu.memory_space<vmem>>
    %dma_wait3A_62 = arith.constant 0 : i32
    %dma_wait3A_63 = tpu.memref_slice %arg4[%mul3A_2, %dma_wait3A_56, %dma_wait3A_62] : memref<16384x26x64xf32, #tpu.memory_space<hbm>> -> memref<512x1x64xf32, #tpu.memory_space<hbm>>
    %dma_wait3A_64 = tpu.memref_squeeze %dma_wait3A_63 : memref<512x1x64xf32, #tpu.memory_space<hbm>> -> memref<512x64xf32, #tpu.memory_space<hbm>>
    %dma_wait3A_65 = tpu.memref_slice %arg8[%dma_wait3A_57] : memref<2x!tpu.dma_semaphore, #tpu.memory_space<semaphore_mem>> -> memref<1x!tpu.dma_semaphore, #tpu.memory_space<semaphore_mem>>
    %dma_wait3A_66 = tpu.memref_squeeze %dma_wait3A_65 : memref<1x!tpu.dma_semaphore, #tpu.memory_space<semaphore_mem>> -> memref<!tpu.dma_semaphore, #tpu.memory_space<semaphore_mem>>
    %dma_wait3A_67 = arith.constant 0 : i32
    %dma_wait3A_68 = tpu.memref_slice %arg4[%mul3A_2, %dma_wait3A_56, %dma_wait3A_67] : memref<16384x26x64xf32, #tpu.memory_space<hbm>> -> memref<512x1x64xf32, #tpu.memory_space<hbm>>
    %dma_wait3A_69 = tpu.memref_squeeze %dma_wait3A_68 : memref<512x1x64xf32, #tpu.memory_space<hbm>> -> memref<512x64xf32, #tpu.memory_space<hbm>>
    %dma_wait3A_70 = arith.constant 0 : i32
    %dma_wait3A_71 = arith.constant 0 : i32
    %dma_wait3A_72 = tpu.memref_slice %arg6[%dma_wait3A_55, %dma_wait3A_70, %dma_wait3A_71] : memref<2x512x64xf32, #tpu.memory_space<vmem>> -> memref<1x512x64xf32, #tpu.memory_space<vmem>>
    %dma_wait3A_73 = tpu.memref_squeeze %dma_wait3A_72 : memref<1x512x64xf32, #tpu.memory_space<vmem>> -> memref<512x64xf32, #tpu.memory_space<vmem>>
    tpu.wait_dma2 semaphore(%dma_wait3A_66 : memref<!tpu.dma_semaphore, #tpu.memory_space<semaphore_mem>>) src(%dma_wait3A_73 : memref<512x64xf32, #tpu.memory_space<vmem>>) dst(%dma_wait3A_69 : memref<512x64xf32, #tpu.memory_space<hbm>>)
    return
  }
}

#map = affine_map<(d0, d1) -> (0, 0)>
#map1 = affine_map<(d0, d1) -> (0)>
module attributes {stable_mosaic.version = 14 : i64} {
  func.func @_transpose_call(%arg0: i32, %arg1: i32, %arg2: memref<64x1000000xf32, #tpu.memory_space<hbm>>, %arg3: memref<64x64xf32, #tpu.memory_space<hbm>>, %arg4: memref<64000000xf32, #tpu.memory_space<hbm>>, %arg5: memref<2x64x256xf32, #tpu.memory_space<vmem>>, %arg6: memref<64x64xf32, #tpu.memory_space<vmem>>, %arg7: memref<32768xf32, #tpu.memory_space<vmem>>, %arg8: memref<2x!tpu.dma_semaphore, #tpu.memory_space<semaphore_mem>>, %arg9: memref<2x!tpu.dma_semaphore, #tpu.memory_space<semaphore_mem>>) attributes {dimension_semantics = [#tpu.dimension_semantics<core_parallel>, #tpu.dimension_semantics<subcore_parallel>], iteration_bounds = array<i64: 2, 16>, scalar_prefetch = 0 : i64, scratch_operands = 5 : i64, tpu.core_type = #tpu.core_type<sc_vector_subcore>, window_params = [{transform_indices = #map}, {transform_indices = #map}, {transform_indices = #map1}]} {
    %mul3A = arith.constant 2 : i32
    %mul3A_0 = arith.muli %arg1, %mul3A : i32
    %add3A = arith.addi %mul3A_0, %arg0 : i32
    %iota3A = tpu.iota {dimensions = array<i32: 0>} : vector<16xi32>
    %sub3A = arith.constant 3905 : i32
    %sub3A_1 = arith.subi %sub3A, %add3A : i32
    %jit3A = arith.constant 32 : i32
    %div3A = arith.divsi %sub3A_1, %jit3A : i32
    %sign3A = arith.constant 0 : i32
    %sign3A_2 = arith.cmpi sgt, %sub3A_1, %sign3A : i32
    %sign3A_3 = arith.extui %sign3A_2 : i1 to i32
    %sign3A_4 = arith.constant 0 : i32
    %sign3A_5 = arith.cmpi slt, %sub3A_1, %sign3A_4 : i32
    %sign3A_6 = arith.extui %sign3A_5 : i1 to i32
    %sign3A_7 = arith.subi %sign3A_3, %sign3A_6 : i32
    %sign3A_8 = arith.constant 0 : i32
    %sign3A_9 = arith.cmpi sgt, %jit3A, %sign3A_8 : i32
    %sign3A_10 = arith.extui %sign3A_9 : i1 to i32
    %sign3A_11 = arith.constant 0 : i32
    %sign3A_12 = arith.cmpi slt, %jit3A, %sign3A_11 : i32
    %sign3A_13 = arith.extui %sign3A_12 : i1 to i32
    %sign3A_14 = arith.subi %sign3A_10, %sign3A_13 : i32
    %ne3A = arith.cmpi ne, %sign3A_7, %sign3A_14 : i32
    %rem3A = arith.remsi %sub3A_1, %jit3A : i32
    %ne3A_15 = arith.constant 0 : i32
    %ne3A_16 = arith.cmpi ne, %rem3A, %ne3A_15 : i32
    %and3A = arith.andi %ne3A, %ne3A_16 : i1
    %sub3A_17 = arith.constant 1 : i32
    %sub3A_18 = arith.subi %div3A, %sub3A_17 : i32
    %select_n3A = arith.select %and3A, %sub3A_18, %div3A : i32
    %add3A_19 = arith.constant 1 : i32
    %add3A_20 = arith.addi %select_n3A, %add3A_19 : i32
    %add3A_21 = arith.constant 0 : i32
    %add3A_22 = arith.addi %add3A, %add3A_21 : i32
    %mul3A_23 = arith.constant 256 : i32
    %mul3A_24 = arith.muli %add3A_22, %mul3A_23 : i32
    %multiple_of3A = tpu.assume_multiple %mul3A_24, 256 : i32
    %dma_start3A = arith.constant 0 : i32
    %dma_start3A_25 = arith.constant 0 : i32
    %dma_start3A_26 = arith.constant 0 : i32
    %dma_start3A_27 = arith.constant 0 : i32
    %dma_start3A_28 = tpu.memref_slice %arg5[%dma_start3A, %dma_start3A_26, %dma_start3A_27] : memref<2x64x256xf32, #tpu.memory_space<vmem>> -> memref<1x64x256xf32, #tpu.memory_space<vmem>>
    %dma_start3A_29 = tpu.memref_squeeze %dma_start3A_28 : memref<1x64x256xf32, #tpu.memory_space<vmem>> -> memref<64x256xf32, #tpu.memory_space<vmem>>
    %dma_start3A_30 = arith.constant 0 : i32
    %dma_start3A_31 = tpu.memref_slice %arg2[%dma_start3A_30, %multiple_of3A] : memref<64x1000000xf32, #tpu.memory_space<hbm>> -> memref<64x256xf32, #tpu.memory_space<hbm>>
    %dma_start3A_32 = tpu.memref_slice %arg8[%dma_start3A_25] : memref<2x!tpu.dma_semaphore, #tpu.memory_space<semaphore_mem>> -> memref<1x!tpu.dma_semaphore, #tpu.memory_space<semaphore_mem>>
    %dma_start3A_33 = tpu.memref_squeeze %dma_start3A_32 : memref<1x!tpu.dma_semaphore, #tpu.memory_space<semaphore_mem>> -> memref<!tpu.dma_semaphore, #tpu.memory_space<semaphore_mem>>
    %dma_start3A_34 = arith.constant 0 : i32
    %dma_start3A_35 = arith.constant 0 : i32
    %dma_start3A_36 = tpu.memref_slice %arg5[%dma_start3A, %dma_start3A_34, %dma_start3A_35] : memref<2x64x256xf32, #tpu.memory_space<vmem>> -> memref<1x64x256xf32, #tpu.memory_space<vmem>>
    %dma_start3A_37 = tpu.memref_squeeze %dma_start3A_36 : memref<1x64x256xf32, #tpu.memory_space<vmem>> -> memref<64x256xf32, #tpu.memory_space<vmem>>
    %dma_start3A_38 = arith.constant 0 : i32
    %dma_start3A_39 = tpu.memref_slice %arg2[%dma_start3A_38, %multiple_of3A] : memref<64x1000000xf32, #tpu.memory_space<hbm>> -> memref<64x256xf32, #tpu.memory_space<hbm>>
    tpu.enqueue_dma source(%dma_start3A_39 : memref<64x256xf32, #tpu.memory_space<hbm>>) target(%dma_start3A_37 : memref<64x256xf32, #tpu.memory_space<vmem>>) target_semaphore(%dma_start3A_33 : memref<!tpu.dma_semaphore, #tpu.memory_space<semaphore_mem>>)
    %jit3A_40 = arith.constant 2 : i32
    %div3A_41 = arith.divsi %add3A_20, %jit3A_40 : i32
    %sign3A_42 = arith.constant 0 : i32
    %sign3A_43 = arith.cmpi sgt, %add3A_20, %sign3A_42 : i32
    %sign3A_44 = arith.extui %sign3A_43 : i1 to i32
    %sign3A_45 = arith.constant 0 : i32
    %sign3A_46 = arith.cmpi slt, %add3A_20, %sign3A_45 : i32
    %sign3A_47 = arith.extui %sign3A_46 : i1 to i32
    %sign3A_48 = arith.subi %sign3A_44, %sign3A_47 : i32
    %sign3A_49 = arith.constant 0 : i32
    %sign3A_50 = arith.cmpi sgt, %jit3A_40, %sign3A_49 : i32
    %sign3A_51 = arith.extui %sign3A_50 : i1 to i32
    %sign3A_52 = arith.constant 0 : i32
    %sign3A_53 = arith.cmpi slt, %jit3A_40, %sign3A_52 : i32
    %sign3A_54 = arith.extui %sign3A_53 : i1 to i32
    %sign3A_55 = arith.subi %sign3A_51, %sign3A_54 : i32
    %ne3A_56 = arith.cmpi ne, %sign3A_48, %sign3A_55 : i32
    %rem3A_57 = arith.remsi %add3A_20, %jit3A_40 : i32
    %ne3A_58 = arith.constant 0 : i32
    %ne3A_59 = arith.cmpi ne, %rem3A_57, %ne3A_58 : i32
    %and3A_60 = arith.andi %ne3A_56, %ne3A_59 : i1
    %sub3A_61 = arith.constant 1 : i32
    %sub3A_62 = arith.subi %div3A_41, %sub3A_61 : i32
    %select_n3A_63 = arith.select %and3A_60, %sub3A_62, %div3A_41 : i32
    %while3A = arith.constant 0 : i32
    %while3A_64 = arith.constant 0 : i32
    %while3A_65 = arith.subi %select_n3A_63, %while3A_64 : i32
    %while3A_66 = arith.addi %while3A_64, %while3A_65 : i32
    %while3A_67 = arith.constant 1 : i32
    %while3A_68 = arith.divsi %while3A_65, %while3A_67 : i32
    %while3A_69 = arith.muli %while3A_68, %while3A_67 : i32
    %while3A_70 = arith.addi %while3A_64, %while3A_69 : i32
    %while3A_71 = arith.constant 1 : i32
    scf.for %while3A_100 = %while3A_64 to %while3A_70 step %while3A_71  : i32 {
      %mul3A_101 = arith.constant 2 : i32
      %mul3A_102 = arith.muli %while3A_100, %mul3A_101 : i32
      %add3A_103 = arith.constant 0 : i32
      %add3A_104 = arith.addi %mul3A_102, %add3A_103 : i32
      %dma_wait3A_105 = arith.constant 0 : i32
      %dma_wait3A_106 = arith.constant 0 : i32
      %dma_wait3A_107 = arith.constant 0 : i32
      %dma_wait3A_108 = arith.constant 0 : i32
      %dma_wait3A_109 = tpu.memref_slice %arg5[%dma_wait3A_105, %dma_wait3A_107, %dma_wait3A_108] : memref<2x64x256xf32, #tpu.memory_space<vmem>> -> memref<1x64x256xf32, #tpu.memory_space<vmem>>
      %dma_wait3A_110 = tpu.memref_squeeze %dma_wait3A_109 : memref<1x64x256xf32, #tpu.memory_space<vmem>> -> memref<64x256xf32, #tpu.memory_space<vmem>>
      %dma_wait3A_111 = arith.constant 0 : i32
      %dma_wait3A_112 = arith.constant 0 : i32
      %dma_wait3A_113 = tpu.memref_slice %arg2[%dma_wait3A_111, %dma_wait3A_112] : memref<64x1000000xf32, #tpu.memory_space<hbm>> -> memref<64x256xf32, #tpu.memory_space<hbm>>
      %dma_wait3A_114 = tpu.memref_slice %arg8[%dma_wait3A_106] : memref<2x!tpu.dma_semaphore, #tpu.memory_space<semaphore_mem>> -> memref<1x!tpu.dma_semaphore, #tpu.memory_space<semaphore_mem>>
      %dma_wait3A_115 = tpu.memref_squeeze %dma_wait3A_114 : memref<1x!tpu.dma_semaphore, #tpu.memory_space<semaphore_mem>> -> memref<!tpu.dma_semaphore, #tpu.memory_space<semaphore_mem>>
      %dma_wait3A_116 = arith.constant 0 : i32
      %dma_wait3A_117 = arith.constant 0 : i32
      %dma_wait3A_118 = tpu.memref_slice %arg5[%dma_wait3A_105, %dma_wait3A_116, %dma_wait3A_117] : memref<2x64x256xf32, #tpu.memory_space<vmem>> -> memref<1x64x256xf32, #tpu.memory_space<vmem>>
      %dma_wait3A_119 = tpu.memref_squeeze %dma_wait3A_118 : memref<1x64x256xf32, #tpu.memory_space<vmem>> -> memref<64x256xf32, #tpu.memory_space<vmem>>
      %dma_wait3A_120 = arith.constant 0 : i32
      %dma_wait3A_121 = arith.constant 0 : i32
      %dma_wait3A_122 = tpu.memref_slice %arg2[%dma_wait3A_120, %dma_wait3A_121] : memref<64x1000000xf32, #tpu.memory_space<hbm>> -> memref<64x256xf32, #tpu.memory_space<hbm>>
      tpu.wait_dma2 semaphore(%dma_wait3A_115 : memref<!tpu.dma_semaphore, #tpu.memory_space<semaphore_mem>>) src(%dma_wait3A_122 : memref<64x256xf32, #tpu.memory_space<hbm>>) dst(%dma_wait3A_119 : memref<64x256xf32, #tpu.memory_space<vmem>>)
      %add3A_123 = arith.constant 1 : i32
      %add3A_124 = arith.addi %add3A_104, %add3A_123 : i32
      %lt3A = arith.cmpi slt, %add3A_124, %add3A_20 : i32
      %convert_element_type3A_125 = arith.extui %lt3A : i1 to i32
      %cond3A_126 = arith.constant 0 : i32
      %cond3A_127 = arith.cmpi ne, %convert_element_type3A_125, %cond3A_126 : i32
      scf.if %cond3A_127 {
        %add3A_200 = arith.constant 1 : i32
        %add3A_201 = arith.addi %add3A_104, %add3A_200 : i32
        %mul3A_202 = arith.constant 32 : i32
        %mul3A_203 = arith.muli %add3A_201, %mul3A_202 : i32
        %add3A_204 = arith.addi %add3A, %mul3A_203 : i32
        %mul3A_205 = arith.constant 256 : i32
        %mul3A_206 = arith.muli %add3A_204, %mul3A_205 : i32
        %multiple_of3A_207 = tpu.assume_multiple %mul3A_206, 256 : i32
        %dma_start3A_208 = arith.constant 1 : i32
        %dma_start3A_209 = arith.constant 1 : i32
        %dma_start3A_210 = arith.constant 0 : i32
        %dma_start3A_211 = arith.constant 0 : i32
        %dma_start3A_212 = tpu.memref_slice %arg5[%dma_start3A_208, %dma_start3A_210, %dma_start3A_211] : memref<2x64x256xf32, #tpu.memory_space<vmem>> -> memref<1x64x256xf32, #tpu.memory_space<vmem>>
        %dma_start3A_213 = tpu.memref_squeeze %dma_start3A_212 : memref<1x64x256xf32, #tpu.memory_space<vmem>> -> memref<64x256xf32, #tpu.memory_space<vmem>>
        %dma_start3A_214 = arith.constant 0 : i32
        %dma_start3A_215 = tpu.memref_slice %arg2[%dma_start3A_214, %multiple_of3A_207] : memref<64x1000000xf32, #tpu.memory_space<hbm>> -> memref<64x256xf32, #tpu.memory_space<hbm>>
        %dma_start3A_216 = tpu.memref_slice %arg8[%dma_start3A_209] : memref<2x!tpu.dma_semaphore, #tpu.memory_space<semaphore_mem>> -> memref<1x!tpu.dma_semaphore, #tpu.memory_space<semaphore_mem>>
        %dma_start3A_217 = tpu.memref_squeeze %dma_start3A_216 : memref<1x!tpu.dma_semaphore, #tpu.memory_space<semaphore_mem>> -> memref<!tpu.dma_semaphore, #tpu.memory_space<semaphore_mem>>
        %dma_start3A_218 = arith.constant 0 : i32
        %dma_start3A_219 = arith.constant 0 : i32
        %dma_start3A_220 = tpu.memref_slice %arg5[%dma_start3A_208, %dma_start3A_218, %dma_start3A_219] : memref<2x64x256xf32, #tpu.memory_space<vmem>> -> memref<1x64x256xf32, #tpu.memory_space<vmem>>
        %dma_start3A_221 = tpu.memref_squeeze %dma_start3A_220 : memref<1x64x256xf32, #tpu.memory_space<vmem>> -> memref<64x256xf32, #tpu.memory_space<vmem>>
        %dma_start3A_222 = arith.constant 0 : i32
        %dma_start3A_223 = tpu.memref_slice %arg2[%dma_start3A_222, %multiple_of3A_207] : memref<64x1000000xf32, #tpu.memory_space<hbm>> -> memref<64x256xf32, #tpu.memory_space<hbm>>
        tpu.enqueue_dma source(%dma_start3A_223 : memref<64x256xf32, #tpu.memory_space<hbm>>) target(%dma_start3A_221 : memref<64x256xf32, #tpu.memory_space<vmem>>) target_semaphore(%dma_start3A_217 : memref<!tpu.dma_semaphore, #tpu.memory_space<semaphore_mem>>)
      } else {
      }
      %ge3A = arith.constant 2 : i32
      %ge3A_128 = arith.cmpi sge, %add3A_104, %ge3A : i32
      %convert_element_type3A_129 = arith.extui %ge3A_128 : i1 to i32
      %cond3A_130 = arith.constant 0 : i32
      %cond3A_131 = arith.cmpi ne, %convert_element_type3A_129, %cond3A_130 : i32
      scf.if %cond3A_131 {
        %dma_wait3A_200 = arith.constant 0 : i32
        %dma_wait3A_201 = arith.constant 0 : i32
        %dma_wait3A_202 = tpu.memref_slice %arg7[%dma_wait3A_201] : memref<32768xf32, #tpu.memory_space<vmem>> -> memref<16384xf32, #tpu.memory_space<vmem>>
        %dma_wait3A_203 = arith.constant 0 : i32
        %dma_wait3A_204 = tpu.memref_slice %arg4[%dma_wait3A_203] : memref<64000000xf32, #tpu.memory_space<hbm>> -> memref<16384xf32, #tpu.memory_space<hbm>>
        %dma_wait3A_205 = tpu.memref_slice %arg9[%dma_wait3A_200] : memref<2x!tpu.dma_semaphore, #tpu.memory_space<semaphore_mem>> -> memref<1x!tpu.dma_semaphore, #tpu.memory_space<semaphore_mem>>
        %dma_wait3A_206 = tpu.memref_squeeze %dma_wait3A_205 : memref<1x!tpu.dma_semaphore, #tpu.memory_space<semaphore_mem>> -> memref<!tpu.dma_semaphore, #tpu.memory_space<semaphore_mem>>
        %dma_wait3A_207 = arith.constant 0 : i32
        %dma_wait3A_208 = tpu.memref_slice %arg4[%dma_wait3A_207] : memref<64000000xf32, #tpu.memory_space<hbm>> -> memref<16384xf32, #tpu.memory_space<hbm>>
        %dma_wait3A_209 = arith.constant 0 : i32
        %dma_wait3A_210 = tpu.memref_slice %arg7[%dma_wait3A_209] : memref<32768xf32, #tpu.memory_space<vmem>> -> memref<16384xf32, #tpu.memory_space<vmem>>
        tpu.wait_dma2 semaphore(%dma_wait3A_206 : memref<!tpu.dma_semaphore, #tpu.memory_space<semaphore_mem>>) src(%dma_wait3A_210 : memref<16384xf32, #tpu.memory_space<vmem>>) dst(%dma_wait3A_208 : memref<16384xf32, #tpu.memory_space<hbm>>)
      } else {
      }
      %parallel_loop3A = arith.constant 0 : i32
      %parallel_loop3A_132 = arith.constant 256 : i32
      %parallel_loop3A_133 = arith.constant 1 : i32
      %parallel_loop3A_134 = arith.constant 0 : i32
      scf.for %parallel_loop3A_200 = %parallel_loop3A to %parallel_loop3A_132 step %parallel_loop3A_133  : i32 {
        %parallel_loop3A_201 = vector.broadcast %parallel_loop3A_200 : i32 to vector<16xi32>
        %parallel_loop3A_202 = arith.addi %parallel_loop3A_201, %iota3A : vector<16xi32>
        %parallel_loop3A_203 = arith.constant 255 : i32
        %parallel_loop3A_204 = vector.broadcast %parallel_loop3A_203 : i32 to vector<16xi32>
        %parallel_loop3A_205 = arith.andi %parallel_loop3A_202, %parallel_loop3A_204 : vector<16xi32>
        %parallel_loop3A_206 = arith.constant 64 : i32
        %parallel_loop3A_207 = vector.broadcast %parallel_loop3A_206 : i32 to vector<16xi32>
        %parallel_loop3A_208 = arith.muli %parallel_loop3A_205, %parallel_loop3A_207 : vector<16xi32>
        %parallel_loop3A_209 = arith.constant 0 : i32
        %parallel_loop3A_210 = vector.broadcast %parallel_loop3A_209 : i32 to vector<16xi32>
        %parallel_loop3A_211 = arith.addi %parallel_loop3A_210, %parallel_loop3A_208 : vector<16xi32>
        %parallel_loop3A_212 = arith.constant 0 : i32
        %parallel_loop3A_213 = vector.broadcast %parallel_loop3A_212 : i32 to vector<16xi32>
        %parallel_loop3A_214 = arith.addi %parallel_loop3A_213, %iota3A : vector<16xi32>
        %parallel_loop3A_215 = arith.constant 0 : i32
        %parallel_loop3A_216 = arith.constant 0 : i32
        %parallel_loop3A_217 = tpu.memref_slice %arg5[%parallel_loop3A_134, %parallel_loop3A_215, %parallel_loop3A_216] : memref<2x64x256xf32, #tpu.memory_space<vmem>> -> memref<1x64x256xf32, #tpu.memory_space<vmem>>
        %parallel_loop3A_218 = tpu.memref_squeeze %parallel_loop3A_217 : memref<1x64x256xf32, #tpu.memory_space<vmem>> -> memref<64x256xf32, #tpu.memory_space<vmem>>
        %parallel_loop3A_219 = tpu.vector_load_idx %parallel_loop3A_218[%parallel_loop3A_214, %parallel_loop3A_205] : memref<64x256xf32, #tpu.memory_space<vmem>>[vector<16xi32>, vector<16xi32>], vector<16xf32>,
        %parallel_loop3A_220 = arith.addi %parallel_loop3A_211, %parallel_loop3A_214 : vector<16xi32>
        tpu.vector_store_idx %arg7[%parallel_loop3A_220], %parallel_loop3A_219 : memref<32768xf32, #tpu.memory_space<vmem>>[vector<16xi32>], vector<16xf32>,
        %parallel_loop3A_221 = arith.constant 16 : i32
        %parallel_loop3A_222 = vector.broadcast %parallel_loop3A_221 : i32 to vector<16xi32>
        %parallel_loop3A_223 = arith.addi %parallel_loop3A_222, %iota3A : vector<16xi32>
        %parallel_loop3A_224 = arith.constant 0 : i32
        %parallel_loop3A_225 = arith.constant 0 : i32
        %parallel_loop3A_226 = tpu.memref_slice %arg5[%parallel_loop3A_134, %parallel_loop3A_224, %parallel_loop3A_225] : memref<2x64x256xf32, #tpu.memory_space<vmem>> -> memref<1x64x256xf32, #tpu.memory_space<vmem>>
        %parallel_loop3A_227 = tpu.memref_squeeze %parallel_loop3A_226 : memref<1x64x256xf32, #tpu.memory_space<vmem>> -> memref<64x256xf32, #tpu.memory_space<vmem>>
        %parallel_loop3A_228 = tpu.vector_load_idx %parallel_loop3A_227[%parallel_loop3A_223, %parallel_loop3A_205] : memref<64x256xf32, #tpu.memory_space<vmem>>[vector<16xi32>, vector<16xi32>], vector<16xf32>,
        %parallel_loop3A_229 = arith.addi %parallel_loop3A_211, %parallel_loop3A_223 : vector<16xi32>
        tpu.vector_store_idx %arg7[%parallel_loop3A_229], %parallel_loop3A_228 : memref<32768xf32, #tpu.memory_space<vmem>>[vector<16xi32>], vector<16xf32>,
        %parallel_loop3A_230 = arith.constant 32 : i32
        %parallel_loop3A_231 = vector.broadcast %parallel_loop3A_230 : i32 to vector<16xi32>
        %parallel_loop3A_232 = arith.addi %parallel_loop3A_231, %iota3A : vector<16xi32>
        %parallel_loop3A_233 = arith.constant 0 : i32
        %parallel_loop3A_234 = arith.constant 0 : i32
        %parallel_loop3A_235 = tpu.memref_slice %arg5[%parallel_loop3A_134, %parallel_loop3A_233, %parallel_loop3A_234] : memref<2x64x256xf32, #tpu.memory_space<vmem>> -> memref<1x64x256xf32, #tpu.memory_space<vmem>>
        %parallel_loop3A_236 = tpu.memref_squeeze %parallel_loop3A_235 : memref<1x64x256xf32, #tpu.memory_space<vmem>> -> memref<64x256xf32, #tpu.memory_space<vmem>>
        %parallel_loop3A_237 = tpu.vector_load_idx %parallel_loop3A_236[%parallel_loop3A_232, %parallel_loop3A_205] : memref<64x256xf32, #tpu.memory_space<vmem>>[vector<16xi32>, vector<16xi32>], vector<16xf32>,
        %parallel_loop3A_238 = arith.addi %parallel_loop3A_211, %parallel_loop3A_232 : vector<16xi32>
        tpu.vector_store_idx %arg7[%parallel_loop3A_238], %parallel_loop3A_237 : memref<32768xf32, #tpu.memory_space<vmem>>[vector<16xi32>], vector<16xf32>,
        %parallel_loop3A_239 = arith.constant 48 : i32
        %parallel_loop3A_240 = vector.broadcast %parallel_loop3A_239 : i32 to vector<16xi32>
        %parallel_loop3A_241 = arith.addi %parallel_loop3A_240, %iota3A : vector<16xi32>
        %parallel_loop3A_242 = arith.constant 0 : i32
        %parallel_loop3A_243 = arith.constant 0 : i32
        %parallel_loop3A_244 = tpu.memref_slice %arg5[%parallel_loop3A_134, %parallel_loop3A_242, %parallel_loop3A_243] : memref<2x64x256xf32, #tpu.memory_space<vmem>> -> memref<1x64x256xf32, #tpu.memory_space<vmem>>
        %parallel_loop3A_245 = tpu.memref_squeeze %parallel_loop3A_244 : memref<1x64x256xf32, #tpu.memory_space<vmem>> -> memref<64x256xf32, #tpu.memory_space<vmem>>
        %parallel_loop3A_246 = tpu.vector_load_idx %parallel_loop3A_245[%parallel_loop3A_241, %parallel_loop3A_205] : memref<64x256xf32, #tpu.memory_space<vmem>>[vector<16xi32>, vector<16xi32>], vector<16xf32>,
        %parallel_loop3A_247 = arith.addi %parallel_loop3A_211, %parallel_loop3A_241 : vector<16xi32>
        tpu.vector_store_idx %arg7[%parallel_loop3A_247], %parallel_loop3A_246 : memref<32768xf32, #tpu.memory_space<vmem>>[vector<16xi32>], vector<16xf32>,
      } {sc.loop_unroll_factor = 4 : i64, sc.parallel_access}
      %mul3A_135 = arith.constant 32 : i32
      %mul3A_136 = arith.muli %add3A_104, %mul3A_135 : i32
      %add3A_137 = arith.addi %add3A, %mul3A_136 : i32
      %mul3A_138 = arith.constant 16384 : i32
      %mul3A_139 = arith.muli %add3A_137, %mul3A_138 : i32
      %dma_start3A_140 = arith.constant 0 : i32
      %dma_start3A_141 = arith.constant 0 : i32
      %dma_start3A_142 = tpu.memref_slice %arg7[%dma_start3A_141] : memref<32768xf32, #tpu.memory_space<vmem>> -> memref<16384xf32, #tpu.memory_space<vmem>>
      %dma_start3A_143 = tpu.memref_slice %arg4[%mul3A_139] : memref<64000000xf32, #tpu.memory_space<hbm>> -> memref<16384xf32, #tpu.memory_space<hbm>>
      %dma_start3A_144 = tpu.memref_slice %arg9[%dma_start3A_140] : memref<2x!tpu.dma_semaphore, #tpu.memory_space<semaphore_mem>> -> memref<1x!tpu.dma_semaphore, #tpu.memory_space<semaphore_mem>>
      %dma_start3A_145 = tpu.memref_squeeze %dma_start3A_144 : memref<1x!tpu.dma_semaphore, #tpu.memory_space<semaphore_mem>> -> memref<!tpu.dma_semaphore, #tpu.memory_space<semaphore_mem>>
      %dma_start3A_146 = tpu.memref_slice %arg4[%mul3A_139] : memref<64000000xf32, #tpu.memory_space<hbm>> -> memref<16384xf32, #tpu.memory_space<hbm>>
      %dma_start3A_147 = arith.constant 0 : i32
      %dma_start3A_148 = tpu.memref_slice %arg7[%dma_start3A_147] : memref<32768xf32, #tpu.memory_space<vmem>> -> memref<16384xf32, #tpu.memory_space<vmem>>
      tpu.enqueue_dma source(%dma_start3A_148 : memref<16384xf32, #tpu.memory_space<vmem>>) target(%dma_start3A_146 : memref<16384xf32, #tpu.memory_space<hbm>>) target_semaphore(%dma_start3A_145 : memref<!tpu.dma_semaphore, #tpu.memory_space<semaphore_mem>>)
      %mul3A_149 = arith.constant 2 : i32
      %mul3A_150 = arith.muli %while3A_100, %mul3A_149 : i32
      %add3A_151 = arith.constant 1 : i32
      %add3A_152 = arith.addi %mul3A_150, %add3A_151 : i32
      %dma_wait3A_153 = arith.constant 1 : i32
      %dma_wait3A_154 = arith.constant 1 : i32
      %dma_wait3A_155 = arith.constant 0 : i32
      %dma_wait3A_156 = arith.constant 0 : i32
      %dma_wait3A_157 = tpu.memref_slice %arg5[%dma_wait3A_153, %dma_wait3A_155, %dma_wait3A_156] : memref<2x64x256xf32, #tpu.memory_space<vmem>> -> memref<1x64x256xf32, #tpu.memory_space<vmem>>
      %dma_wait3A_158 = tpu.memref_squeeze %dma_wait3A_157 : memref<1x64x256xf32, #tpu.memory_space<vmem>> -> memref<64x256xf32, #tpu.memory_space<vmem>>
      %dma_wait3A_159 = arith.constant 0 : i32
      %dma_wait3A_160 = arith.constant 0 : i32
      %dma_wait3A_161 = tpu.memref_slice %arg2[%dma_wait3A_159, %dma_wait3A_160] : memref<64x1000000xf32, #tpu.memory_space<hbm>> -> memref<64x256xf32, #tpu.memory_space<hbm>>
      %dma_wait3A_162 = tpu.memref_slice %arg8[%dma_wait3A_154] : memref<2x!tpu.dma_semaphore, #tpu.memory_space<semaphore_mem>> -> memref<1x!tpu.dma_semaphore, #tpu.memory_space<semaphore_mem>>
      %dma_wait3A_163 = tpu.memref_squeeze %dma_wait3A_162 : memref<1x!tpu.dma_semaphore, #tpu.memory_space<semaphore_mem>> -> memref<!tpu.dma_semaphore, #tpu.memory_space<semaphore_mem>>
      %dma_wait3A_164 = arith.constant 0 : i32
      %dma_wait3A_165 = arith.constant 0 : i32
      %dma_wait3A_166 = tpu.memref_slice %arg5[%dma_wait3A_153, %dma_wait3A_164, %dma_wait3A_165] : memref<2x64x256xf32, #tpu.memory_space<vmem>> -> memref<1x64x256xf32, #tpu.memory_space<vmem>>
      %dma_wait3A_167 = tpu.memref_squeeze %dma_wait3A_166 : memref<1x64x256xf32, #tpu.memory_space<vmem>> -> memref<64x256xf32, #tpu.memory_space<vmem>>
      %dma_wait3A_168 = arith.constant 0 : i32
      %dma_wait3A_169 = arith.constant 0 : i32
      %dma_wait3A_170 = tpu.memref_slice %arg2[%dma_wait3A_168, %dma_wait3A_169] : memref<64x1000000xf32, #tpu.memory_space<hbm>> -> memref<64x256xf32, #tpu.memory_space<hbm>>
      tpu.wait_dma2 semaphore(%dma_wait3A_163 : memref<!tpu.dma_semaphore, #tpu.memory_space<semaphore_mem>>) src(%dma_wait3A_170 : memref<64x256xf32, #tpu.memory_space<hbm>>) dst(%dma_wait3A_167 : memref<64x256xf32, #tpu.memory_space<vmem>>)
      %add3A_171 = arith.constant 1 : i32
      %add3A_172 = arith.addi %add3A_152, %add3A_171 : i32
      %lt3A_173 = arith.cmpi slt, %add3A_172, %add3A_20 : i32
      %convert_element_type3A_174 = arith.extui %lt3A_173 : i1 to i32
      %cond3A_175 = arith.constant 0 : i32
      %cond3A_176 = arith.cmpi ne, %convert_element_type3A_174, %cond3A_175 : i32
      scf.if %cond3A_176 {
        %add3A_200 = arith.constant 1 : i32
        %add3A_201 = arith.addi %add3A_152, %add3A_200 : i32
        %mul3A_202 = arith.constant 32 : i32
        %mul3A_203 = arith.muli %add3A_201, %mul3A_202 : i32
        %add3A_204 = arith.addi %add3A, %mul3A_203 : i32
        %mul3A_205 = arith.constant 256 : i32
        %mul3A_206 = arith.muli %add3A_204, %mul3A_205 : i32
        %multiple_of3A_207 = tpu.assume_multiple %mul3A_206, 256 : i32
        %dma_start3A_208 = arith.constant 0 : i32
        %dma_start3A_209 = arith.constant 0 : i32
        %dma_start3A_210 = arith.constant 0 : i32
        %dma_start3A_211 = arith.constant 0 : i32
        %dma_start3A_212 = tpu.memref_slice %arg5[%dma_start3A_208, %dma_start3A_210, %dma_start3A_211] : memref<2x64x256xf32, #tpu.memory_space<vmem>> -> memref<1x64x256xf32, #tpu.memory_space<vmem>>
        %dma_start3A_213 = tpu.memref_squeeze %dma_start3A_212 : memref<1x64x256xf32, #tpu.memory_space<vmem>> -> memref<64x256xf32, #tpu.memory_space<vmem>>
        %dma_start3A_214 = arith.constant 0 : i32
        %dma_start3A_215 = tpu.memref_slice %arg2[%dma_start3A_214, %multiple_of3A_207] : memref<64x1000000xf32, #tpu.memory_space<hbm>> -> memref<64x256xf32, #tpu.memory_space<hbm>>
        %dma_start3A_216 = tpu.memref_slice %arg8[%dma_start3A_209] : memref<2x!tpu.dma_semaphore, #tpu.memory_space<semaphore_mem>> -> memref<1x!tpu.dma_semaphore, #tpu.memory_space<semaphore_mem>>
        %dma_start3A_217 = tpu.memref_squeeze %dma_start3A_216 : memref<1x!tpu.dma_semaphore, #tpu.memory_space<semaphore_mem>> -> memref<!tpu.dma_semaphore, #tpu.memory_space<semaphore_mem>>
        %dma_start3A_218 = arith.constant 0 : i32
        %dma_start3A_219 = arith.constant 0 : i32
        %dma_start3A_220 = tpu.memref_slice %arg5[%dma_start3A_208, %dma_start3A_218, %dma_start3A_219] : memref<2x64x256xf32, #tpu.memory_space<vmem>> -> memref<1x64x256xf32, #tpu.memory_space<vmem>>
        %dma_start3A_221 = tpu.memref_squeeze %dma_start3A_220 : memref<1x64x256xf32, #tpu.memory_space<vmem>> -> memref<64x256xf32, #tpu.memory_space<vmem>>
        %dma_start3A_222 = arith.constant 0 : i32
        %dma_start3A_223 = tpu.memref_slice %arg2[%dma_start3A_222, %multiple_of3A_207] : memref<64x1000000xf32, #tpu.memory_space<hbm>> -> memref<64x256xf32, #tpu.memory_space<hbm>>
        tpu.enqueue_dma source(%dma_start3A_223 : memref<64x256xf32, #tpu.memory_space<hbm>>) target(%dma_start3A_221 : memref<64x256xf32, #tpu.memory_space<vmem>>) target_semaphore(%dma_start3A_217 : memref<!tpu.dma_semaphore, #tpu.memory_space<semaphore_mem>>)
      } else {
      }
      %ge3A_177 = arith.constant 2 : i32
      %ge3A_178 = arith.cmpi sge, %add3A_152, %ge3A_177 : i32
      %convert_element_type3A_179 = arith.extui %ge3A_178 : i1 to i32
      %cond3A_180 = arith.constant 0 : i32
      %cond3A_181 = arith.cmpi ne, %convert_element_type3A_179, %cond3A_180 : i32
      scf.if %cond3A_181 {
        %dma_wait3A_200 = arith.constant 1 : i32
        %dma_wait3A_201 = arith.constant 16384 : i32
        %dma_wait3A_202 = tpu.memref_slice %arg7[%dma_wait3A_201] : memref<32768xf32, #tpu.memory_space<vmem>> -> memref<16384xf32, #tpu.memory_space<vmem>>
        %dma_wait3A_203 = arith.constant 0 : i32
        %dma_wait3A_204 = tpu.memref_slice %arg4[%dma_wait3A_203] : memref<64000000xf32, #tpu.memory_space<hbm>> -> memref<16384xf32, #tpu.memory_space<hbm>>
        %dma_wait3A_205 = tpu.memref_slice %arg9[%dma_wait3A_200] : memref<2x!tpu.dma_semaphore, #tpu.memory_space<semaphore_mem>> -> memref<1x!tpu.dma_semaphore, #tpu.memory_space<semaphore_mem>>
        %dma_wait3A_206 = tpu.memref_squeeze %dma_wait3A_205 : memref<1x!tpu.dma_semaphore, #tpu.memory_space<semaphore_mem>> -> memref<!tpu.dma_semaphore, #tpu.memory_space<semaphore_mem>>
        %dma_wait3A_207 = arith.constant 0 : i32
        %dma_wait3A_208 = tpu.memref_slice %arg4[%dma_wait3A_207] : memref<64000000xf32, #tpu.memory_space<hbm>> -> memref<16384xf32, #tpu.memory_space<hbm>>
        %dma_wait3A_209 = arith.constant 16384 : i32
        %dma_wait3A_210 = tpu.memref_slice %arg7[%dma_wait3A_209] : memref<32768xf32, #tpu.memory_space<vmem>> -> memref<16384xf32, #tpu.memory_space<vmem>>
        tpu.wait_dma2 semaphore(%dma_wait3A_206 : memref<!tpu.dma_semaphore, #tpu.memory_space<semaphore_mem>>) src(%dma_wait3A_210 : memref<16384xf32, #tpu.memory_space<vmem>>) dst(%dma_wait3A_208 : memref<16384xf32, #tpu.memory_space<hbm>>)
      } else {
      }
      %parallel_loop3A_182 = arith.constant 0 : i32
      %parallel_loop3A_183 = arith.constant 256 : i32
      %parallel_loop3A_184 = arith.constant 1 : i32
      %parallel_loop3A_185 = arith.constant 1 : i32
      scf.for %parallel_loop3A_200 = %parallel_loop3A_182 to %parallel_loop3A_183 step %parallel_loop3A_184  : i32 {
        %parallel_loop3A_201 = vector.broadcast %parallel_loop3A_200 : i32 to vector<16xi32>
        %parallel_loop3A_202 = arith.addi %parallel_loop3A_201, %iota3A : vector<16xi32>
        %parallel_loop3A_203 = arith.constant 255 : i32
        %parallel_loop3A_204 = vector.broadcast %parallel_loop3A_203 : i32 to vector<16xi32>
        %parallel_loop3A_205 = arith.andi %parallel_loop3A_202, %parallel_loop3A_204 : vector<16xi32>
        %parallel_loop3A_206 = arith.constant 64 : i32
        %parallel_loop3A_207 = vector.broadcast %parallel_loop3A_206 : i32 to vector<16xi32>
        %parallel_loop3A_208 = arith.muli %parallel_loop3A_205, %parallel_loop3A_207 : vector<16xi32>
        %parallel_loop3A_209 = arith.constant 16384 : i32
        %parallel_loop3A_210 = vector.broadcast %parallel_loop3A_209 : i32 to vector<16xi32>
        %parallel_loop3A_211 = arith.addi %parallel_loop3A_210, %parallel_loop3A_208 : vector<16xi32>
        %parallel_loop3A_212 = arith.constant 0 : i32
        %parallel_loop3A_213 = vector.broadcast %parallel_loop3A_212 : i32 to vector<16xi32>
        %parallel_loop3A_214 = arith.addi %parallel_loop3A_213, %iota3A : vector<16xi32>
        %parallel_loop3A_215 = arith.constant 0 : i32
        %parallel_loop3A_216 = arith.constant 0 : i32
        %parallel_loop3A_217 = tpu.memref_slice %arg5[%parallel_loop3A_185, %parallel_loop3A_215, %parallel_loop3A_216] : memref<2x64x256xf32, #tpu.memory_space<vmem>> -> memref<1x64x256xf32, #tpu.memory_space<vmem>>
        %parallel_loop3A_218 = tpu.memref_squeeze %parallel_loop3A_217 : memref<1x64x256xf32, #tpu.memory_space<vmem>> -> memref<64x256xf32, #tpu.memory_space<vmem>>
        %parallel_loop3A_219 = tpu.vector_load_idx %parallel_loop3A_218[%parallel_loop3A_214, %parallel_loop3A_205] : memref<64x256xf32, #tpu.memory_space<vmem>>[vector<16xi32>, vector<16xi32>], vector<16xf32>,
        %parallel_loop3A_220 = arith.addi %parallel_loop3A_211, %parallel_loop3A_214 : vector<16xi32>
        tpu.vector_store_idx %arg7[%parallel_loop3A_220], %parallel_loop3A_219 : memref<32768xf32, #tpu.memory_space<vmem>>[vector<16xi32>], vector<16xf32>,
        %parallel_loop3A_221 = arith.constant 16 : i32
        %parallel_loop3A_222 = vector.broadcast %parallel_loop3A_221 : i32 to vector<16xi32>
        %parallel_loop3A_223 = arith.addi %parallel_loop3A_222, %iota3A : vector<16xi32>
        %parallel_loop3A_224 = arith.constant 0 : i32
        %parallel_loop3A_225 = arith.constant 0 : i32
        %parallel_loop3A_226 = tpu.memref_slice %arg5[%parallel_loop3A_185, %parallel_loop3A_224, %parallel_loop3A_225] : memref<2x64x256xf32, #tpu.memory_space<vmem>> -> memref<1x64x256xf32, #tpu.memory_space<vmem>>
        %parallel_loop3A_227 = tpu.memref_squeeze %parallel_loop3A_226 : memref<1x64x256xf32, #tpu.memory_space<vmem>> -> memref<64x256xf32, #tpu.memory_space<vmem>>
        %parallel_loop3A_228 = tpu.vector_load_idx %parallel_loop3A_227[%parallel_loop3A_223, %parallel_loop3A_205] : memref<64x256xf32, #tpu.memory_space<vmem>>[vector<16xi32>, vector<16xi32>], vector<16xf32>,
        %parallel_loop3A_229 = arith.addi %parallel_loop3A_211, %parallel_loop3A_223 : vector<16xi32>
        tpu.vector_store_idx %arg7[%parallel_loop3A_229], %parallel_loop3A_228 : memref<32768xf32, #tpu.memory_space<vmem>>[vector<16xi32>], vector<16xf32>,
        %parallel_loop3A_230 = arith.constant 32 : i32
        %parallel_loop3A_231 = vector.broadcast %parallel_loop3A_230 : i32 to vector<16xi32>
        %parallel_loop3A_232 = arith.addi %parallel_loop3A_231, %iota3A : vector<16xi32>
        %parallel_loop3A_233 = arith.constant 0 : i32
        %parallel_loop3A_234 = arith.constant 0 : i32
        %parallel_loop3A_235 = tpu.memref_slice %arg5[%parallel_loop3A_185, %parallel_loop3A_233, %parallel_loop3A_234] : memref<2x64x256xf32, #tpu.memory_space<vmem>> -> memref<1x64x256xf32, #tpu.memory_space<vmem>>
        %parallel_loop3A_236 = tpu.memref_squeeze %parallel_loop3A_235 : memref<1x64x256xf32, #tpu.memory_space<vmem>> -> memref<64x256xf32, #tpu.memory_space<vmem>>
        %parallel_loop3A_237 = tpu.vector_load_idx %parallel_loop3A_236[%parallel_loop3A_232, %parallel_loop3A_205] : memref<64x256xf32, #tpu.memory_space<vmem>>[vector<16xi32>, vector<16xi32>], vector<16xf32>,
        %parallel_loop3A_238 = arith.addi %parallel_loop3A_211, %parallel_loop3A_232 : vector<16xi32>
        tpu.vector_store_idx %arg7[%parallel_loop3A_238], %parallel_loop3A_237 : memref<32768xf32, #tpu.memory_space<vmem>>[vector<16xi32>], vector<16xf32>,
        %parallel_loop3A_239 = arith.constant 48 : i32
        %parallel_loop3A_240 = vector.broadcast %parallel_loop3A_239 : i32 to vector<16xi32>
        %parallel_loop3A_241 = arith.addi %parallel_loop3A_240, %iota3A : vector<16xi32>
        %parallel_loop3A_242 = arith.constant 0 : i32
        %parallel_loop3A_243 = arith.constant 0 : i32
        %parallel_loop3A_244 = tpu.memref_slice %arg5[%parallel_loop3A_185, %parallel_loop3A_242, %parallel_loop3A_243] : memref<2x64x256xf32, #tpu.memory_space<vmem>> -> memref<1x64x256xf32, #tpu.memory_space<vmem>>
        %parallel_loop3A_245 = tpu.memref_squeeze %parallel_loop3A_244 : memref<1x64x256xf32, #tpu.memory_space<vmem>> -> memref<64x256xf32, #tpu.memory_space<vmem>>
        %parallel_loop3A_246 = tpu.vector_load_idx %parallel_loop3A_245[%parallel_loop3A_241, %parallel_loop3A_205] : memref<64x256xf32, #tpu.memory_space<vmem>>[vector<16xi32>, vector<16xi32>], vector<16xf32>,
        %parallel_loop3A_247 = arith.addi %parallel_loop3A_211, %parallel_loop3A_241 : vector<16xi32>
        tpu.vector_store_idx %arg7[%parallel_loop3A_247], %parallel_loop3A_246 : memref<32768xf32, #tpu.memory_space<vmem>>[vector<16xi32>], vector<16xf32>,
      } {sc.loop_unroll_factor = 4 : i64, sc.parallel_access}
      %mul3A_186 = arith.constant 32 : i32
      %mul3A_187 = arith.muli %add3A_152, %mul3A_186 : i32
      %add3A_188 = arith.addi %add3A, %mul3A_187 : i32
      %mul3A_189 = arith.constant 16384 : i32
      %mul3A_190 = arith.muli %add3A_188, %mul3A_189 : i32
      %dma_start3A_191 = arith.constant 1 : i32
      %dma_start3A_192 = arith.constant 16384 : i32
      %dma_start3A_193 = tpu.memref_slice %arg7[%dma_start3A_192] : memref<32768xf32, #tpu.memory_space<vmem>> -> memref<16384xf32, #tpu.memory_space<vmem>>
      %dma_start3A_194 = tpu.memref_slice %arg4[%mul3A_190] : memref<64000000xf32, #tpu.memory_space<hbm>> -> memref<16384xf32, #tpu.memory_space<hbm>>
      %dma_start3A_195 = tpu.memref_slice %arg9[%dma_start3A_191] : memref<2x!tpu.dma_semaphore, #tpu.memory_space<semaphore_mem>> -> memref<1x!tpu.dma_semaphore, #tpu.memory_space<semaphore_mem>>
      %dma_start3A_196 = tpu.memref_squeeze %dma_start3A_195 : memref<1x!tpu.dma_semaphore, #tpu.memory_space<semaphore_mem>> -> memref<!tpu.dma_semaphore, #tpu.memory_space<semaphore_mem>>
      %dma_start3A_197 = tpu.memref_slice %arg4[%mul3A_190] : memref<64000000xf32, #tpu.memory_space<hbm>> -> memref<16384xf32, #tpu.memory_space<hbm>>
      %dma_start3A_198 = arith.constant 16384 : i32
      %dma_start3A_199 = tpu.memref_slice %arg7[%dma_start3A_198] : memref<32768xf32, #tpu.memory_space<vmem>> -> memref<16384xf32, #tpu.memory_space<vmem>>
      tpu.enqueue_dma source(%dma_start3A_199 : memref<16384xf32, #tpu.memory_space<vmem>>) target(%dma_start3A_197 : memref<16384xf32, #tpu.memory_space<hbm>>) target_semaphore(%dma_start3A_196 : memref<!tpu.dma_semaphore, #tpu.memory_space<semaphore_mem>>)
    }
    %while3A_72 = arith.constant 1 : i32
    scf.for %while3A_100 = %while3A_70 to %while3A_66 step %while3A_72  : i32 {
      %mul3A_101 = arith.constant 2 : i32
      %mul3A_102 = arith.muli %while3A_100, %mul3A_101 : i32
      %add3A_103 = arith.constant 0 : i32
      %add3A_104 = arith.addi %mul3A_102, %add3A_103 : i32
      %dma_wait3A_105 = arith.constant 0 : i32
      %dma_wait3A_106 = arith.constant 0 : i32
      %dma_wait3A_107 = arith.constant 0 : i32
      %dma_wait3A_108 = arith.constant 0 : i32
      %dma_wait3A_109 = tpu.memref_slice %arg5[%dma_wait3A_105, %dma_wait3A_107, %dma_wait3A_108] : memref<2x64x256xf32, #tpu.memory_space<vmem>> -> memref<1x64x256xf32, #tpu.memory_space<vmem>>
      %dma_wait3A_110 = tpu.memref_squeeze %dma_wait3A_109 : memref<1x64x256xf32, #tpu.memory_space<vmem>> -> memref<64x256xf32, #tpu.memory_space<vmem>>
      %dma_wait3A_111 = arith.constant 0 : i32
      %dma_wait3A_112 = arith.constant 0 : i32
      %dma_wait3A_113 = tpu.memref_slice %arg2[%dma_wait3A_111, %dma_wait3A_112] : memref<64x1000000xf32, #tpu.memory_space<hbm>> -> memref<64x256xf32, #tpu.memory_space<hbm>>
      %dma_wait3A_114 = tpu.memref_slice %arg8[%dma_wait3A_106] : memref<2x!tpu.dma_semaphore, #tpu.memory_space<semaphore_mem>> -> memref<1x!tpu.dma_semaphore, #tpu.memory_space<semaphore_mem>>
      %dma_wait3A_115 = tpu.memref_squeeze %dma_wait3A_114 : memref<1x!tpu.dma_semaphore, #tpu.memory_space<semaphore_mem>> -> memref<!tpu.dma_semaphore, #tpu.memory_space<semaphore_mem>>
      %dma_wait3A_116 = arith.constant 0 : i32
      %dma_wait3A_117 = arith.constant 0 : i32
      %dma_wait3A_118 = tpu.memref_slice %arg5[%dma_wait3A_105, %dma_wait3A_116, %dma_wait3A_117] : memref<2x64x256xf32, #tpu.memory_space<vmem>> -> memref<1x64x256xf32, #tpu.memory_space<vmem>>
      %dma_wait3A_119 = tpu.memref_squeeze %dma_wait3A_118 : memref<1x64x256xf32, #tpu.memory_space<vmem>> -> memref<64x256xf32, #tpu.memory_space<vmem>>
      %dma_wait3A_120 = arith.constant 0 : i32
      %dma_wait3A_121 = arith.constant 0 : i32
      %dma_wait3A_122 = tpu.memref_slice %arg2[%dma_wait3A_120, %dma_wait3A_121] : memref<64x1000000xf32, #tpu.memory_space<hbm>> -> memref<64x256xf32, #tpu.memory_space<hbm>>
      tpu.wait_dma2 semaphore(%dma_wait3A_115 : memref<!tpu.dma_semaphore, #tpu.memory_space<semaphore_mem>>) src(%dma_wait3A_122 : memref<64x256xf32, #tpu.memory_space<hbm>>) dst(%dma_wait3A_119 : memref<64x256xf32, #tpu.memory_space<vmem>>)
      %add3A_123 = arith.constant 1 : i32
      %add3A_124 = arith.addi %add3A_104, %add3A_123 : i32
      %lt3A = arith.cmpi slt, %add3A_124, %add3A_20 : i32
      %convert_element_type3A_125 = arith.extui %lt3A : i1 to i32
      %cond3A_126 = arith.constant 0 : i32
      %cond3A_127 = arith.cmpi ne, %convert_element_type3A_125, %cond3A_126 : i32
      scf.if %cond3A_127 {
        %add3A_200 = arith.constant 1 : i32
        %add3A_201 = arith.addi %add3A_104, %add3A_200 : i32
        %mul3A_202 = arith.constant 32 : i32
        %mul3A_203 = arith.muli %add3A_201, %mul3A_202 : i32
        %add3A_204 = arith.addi %add3A, %mul3A_203 : i32
        %mul3A_205 = arith.constant 256 : i32
        %mul3A_206 = arith.muli %add3A_204, %mul3A_205 : i32
        %multiple_of3A_207 = tpu.assume_multiple %mul3A_206, 256 : i32
        %dma_start3A_208 = arith.constant 1 : i32
        %dma_start3A_209 = arith.constant 1 : i32
        %dma_start3A_210 = arith.constant 0 : i32
        %dma_start3A_211 = arith.constant 0 : i32
        %dma_start3A_212 = tpu.memref_slice %arg5[%dma_start3A_208, %dma_start3A_210, %dma_start3A_211] : memref<2x64x256xf32, #tpu.memory_space<vmem>> -> memref<1x64x256xf32, #tpu.memory_space<vmem>>
        %dma_start3A_213 = tpu.memref_squeeze %dma_start3A_212 : memref<1x64x256xf32, #tpu.memory_space<vmem>> -> memref<64x256xf32, #tpu.memory_space<vmem>>
        %dma_start3A_214 = arith.constant 0 : i32
        %dma_start3A_215 = tpu.memref_slice %arg2[%dma_start3A_214, %multiple_of3A_207] : memref<64x1000000xf32, #tpu.memory_space<hbm>> -> memref<64x256xf32, #tpu.memory_space<hbm>>
        %dma_start3A_216 = tpu.memref_slice %arg8[%dma_start3A_209] : memref<2x!tpu.dma_semaphore, #tpu.memory_space<semaphore_mem>> -> memref<1x!tpu.dma_semaphore, #tpu.memory_space<semaphore_mem>>
        %dma_start3A_217 = tpu.memref_squeeze %dma_start3A_216 : memref<1x!tpu.dma_semaphore, #tpu.memory_space<semaphore_mem>> -> memref<!tpu.dma_semaphore, #tpu.memory_space<semaphore_mem>>
        %dma_start3A_218 = arith.constant 0 : i32
        %dma_start3A_219 = arith.constant 0 : i32
        %dma_start3A_220 = tpu.memref_slice %arg5[%dma_start3A_208, %dma_start3A_218, %dma_start3A_219] : memref<2x64x256xf32, #tpu.memory_space<vmem>> -> memref<1x64x256xf32, #tpu.memory_space<vmem>>
        %dma_start3A_221 = tpu.memref_squeeze %dma_start3A_220 : memref<1x64x256xf32, #tpu.memory_space<vmem>> -> memref<64x256xf32, #tpu.memory_space<vmem>>
        %dma_start3A_222 = arith.constant 0 : i32
        %dma_start3A_223 = tpu.memref_slice %arg2[%dma_start3A_222, %multiple_of3A_207] : memref<64x1000000xf32, #tpu.memory_space<hbm>> -> memref<64x256xf32, #tpu.memory_space<hbm>>
        tpu.enqueue_dma source(%dma_start3A_223 : memref<64x256xf32, #tpu.memory_space<hbm>>) target(%dma_start3A_221 : memref<64x256xf32, #tpu.memory_space<vmem>>) target_semaphore(%dma_start3A_217 : memref<!tpu.dma_semaphore, #tpu.memory_space<semaphore_mem>>)
      } else {
      }
      %ge3A = arith.constant 2 : i32
      %ge3A_128 = arith.cmpi sge, %add3A_104, %ge3A : i32
      %convert_element_type3A_129 = arith.extui %ge3A_128 : i1 to i32
      %cond3A_130 = arith.constant 0 : i32
      %cond3A_131 = arith.cmpi ne, %convert_element_type3A_129, %cond3A_130 : i32
      scf.if %cond3A_131 {
        %dma_wait3A_200 = arith.constant 0 : i32
        %dma_wait3A_201 = arith.constant 0 : i32
        %dma_wait3A_202 = tpu.memref_slice %arg7[%dma_wait3A_201] : memref<32768xf32, #tpu.memory_space<vmem>> -> memref<16384xf32, #tpu.memory_space<vmem>>
        %dma_wait3A_203 = arith.constant 0 : i32
        %dma_wait3A_204 = tpu.memref_slice %arg4[%dma_wait3A_203] : memref<64000000xf32, #tpu.memory_space<hbm>> -> memref<16384xf32, #tpu.memory_space<hbm>>
        %dma_wait3A_205 = tpu.memref_slice %arg9[%dma_wait3A_200] : memref<2x!tpu.dma_semaphore, #tpu.memory_space<semaphore_mem>> -> memref<1x!tpu.dma_semaphore, #tpu.memory_space<semaphore_mem>>
        %dma_wait3A_206 = tpu.memref_squeeze %dma_wait3A_205 : memref<1x!tpu.dma_semaphore, #tpu.memory_space<semaphore_mem>> -> memref<!tpu.dma_semaphore, #tpu.memory_space<semaphore_mem>>
        %dma_wait3A_207 = arith.constant 0 : i32
        %dma_wait3A_208 = tpu.memref_slice %arg4[%dma_wait3A_207] : memref<64000000xf32, #tpu.memory_space<hbm>> -> memref<16384xf32, #tpu.memory_space<hbm>>
        %dma_wait3A_209 = arith.constant 0 : i32
        %dma_wait3A_210 = tpu.memref_slice %arg7[%dma_wait3A_209] : memref<32768xf32, #tpu.memory_space<vmem>> -> memref<16384xf32, #tpu.memory_space<vmem>>
        tpu.wait_dma2 semaphore(%dma_wait3A_206 : memref<!tpu.dma_semaphore, #tpu.memory_space<semaphore_mem>>) src(%dma_wait3A_210 : memref<16384xf32, #tpu.memory_space<vmem>>) dst(%dma_wait3A_208 : memref<16384xf32, #tpu.memory_space<hbm>>)
      } else {
      }
      %parallel_loop3A = arith.constant 0 : i32
      %parallel_loop3A_132 = arith.constant 256 : i32
      %parallel_loop3A_133 = arith.constant 1 : i32
      %parallel_loop3A_134 = arith.constant 0 : i32
      scf.for %parallel_loop3A_200 = %parallel_loop3A to %parallel_loop3A_132 step %parallel_loop3A_133  : i32 {
        %parallel_loop3A_201 = vector.broadcast %parallel_loop3A_200 : i32 to vector<16xi32>
        %parallel_loop3A_202 = arith.addi %parallel_loop3A_201, %iota3A : vector<16xi32>
        %parallel_loop3A_203 = arith.constant 255 : i32
        %parallel_loop3A_204 = vector.broadcast %parallel_loop3A_203 : i32 to vector<16xi32>
        %parallel_loop3A_205 = arith.andi %parallel_loop3A_202, %parallel_loop3A_204 : vector<16xi32>
        %parallel_loop3A_206 = arith.constant 64 : i32
        %parallel_loop3A_207 = vector.broadcast %parallel_loop3A_206 : i32 to vector<16xi32>
        %parallel_loop3A_208 = arith.muli %parallel_loop3A_205, %parallel_loop3A_207 : vector<16xi32>
        %parallel_loop3A_209 = arith.constant 0 : i32
        %parallel_loop3A_210 = vector.broadcast %parallel_loop3A_209 : i32 to vector<16xi32>
        %parallel_loop3A_211 = arith.addi %parallel_loop3A_210, %parallel_loop3A_208 : vector<16xi32>
        %parallel_loop3A_212 = arith.constant 0 : i32
        %parallel_loop3A_213 = vector.broadcast %parallel_loop3A_212 : i32 to vector<16xi32>
        %parallel_loop3A_214 = arith.addi %parallel_loop3A_213, %iota3A : vector<16xi32>
        %parallel_loop3A_215 = arith.constant 0 : i32
        %parallel_loop3A_216 = arith.constant 0 : i32
        %parallel_loop3A_217 = tpu.memref_slice %arg5[%parallel_loop3A_134, %parallel_loop3A_215, %parallel_loop3A_216] : memref<2x64x256xf32, #tpu.memory_space<vmem>> -> memref<1x64x256xf32, #tpu.memory_space<vmem>>
        %parallel_loop3A_218 = tpu.memref_squeeze %parallel_loop3A_217 : memref<1x64x256xf32, #tpu.memory_space<vmem>> -> memref<64x256xf32, #tpu.memory_space<vmem>>
        %parallel_loop3A_219 = tpu.vector_load_idx %parallel_loop3A_218[%parallel_loop3A_214, %parallel_loop3A_205] : memref<64x256xf32, #tpu.memory_space<vmem>>[vector<16xi32>, vector<16xi32>], vector<16xf32>,
        %parallel_loop3A_220 = arith.addi %parallel_loop3A_211, %parallel_loop3A_214 : vector<16xi32>
        tpu.vector_store_idx %arg7[%parallel_loop3A_220], %parallel_loop3A_219 : memref<32768xf32, #tpu.memory_space<vmem>>[vector<16xi32>], vector<16xf32>,
        %parallel_loop3A_221 = arith.constant 16 : i32
        %parallel_loop3A_222 = vector.broadcast %parallel_loop3A_221 : i32 to vector<16xi32>
        %parallel_loop3A_223 = arith.addi %parallel_loop3A_222, %iota3A : vector<16xi32>
        %parallel_loop3A_224 = arith.constant 0 : i32
        %parallel_loop3A_225 = arith.constant 0 : i32
        %parallel_loop3A_226 = tpu.memref_slice %arg5[%parallel_loop3A_134, %parallel_loop3A_224, %parallel_loop3A_225] : memref<2x64x256xf32, #tpu.memory_space<vmem>> -> memref<1x64x256xf32, #tpu.memory_space<vmem>>
        %parallel_loop3A_227 = tpu.memref_squeeze %parallel_loop3A_226 : memref<1x64x256xf32, #tpu.memory_space<vmem>> -> memref<64x256xf32, #tpu.memory_space<vmem>>
        %parallel_loop3A_228 = tpu.vector_load_idx %parallel_loop3A_227[%parallel_loop3A_223, %parallel_loop3A_205] : memref<64x256xf32, #tpu.memory_space<vmem>>[vector<16xi32>, vector<16xi32>], vector<16xf32>,
        %parallel_loop3A_229 = arith.addi %parallel_loop3A_211, %parallel_loop3A_223 : vector<16xi32>
        tpu.vector_store_idx %arg7[%parallel_loop3A_229], %parallel_loop3A_228 : memref<32768xf32, #tpu.memory_space<vmem>>[vector<16xi32>], vector<16xf32>,
        %parallel_loop3A_230 = arith.constant 32 : i32
        %parallel_loop3A_231 = vector.broadcast %parallel_loop3A_230 : i32 to vector<16xi32>
        %parallel_loop3A_232 = arith.addi %parallel_loop3A_231, %iota3A : vector<16xi32>
        %parallel_loop3A_233 = arith.constant 0 : i32
        %parallel_loop3A_234 = arith.constant 0 : i32
        %parallel_loop3A_235 = tpu.memref_slice %arg5[%parallel_loop3A_134, %parallel_loop3A_233, %parallel_loop3A_234] : memref<2x64x256xf32, #tpu.memory_space<vmem>> -> memref<1x64x256xf32, #tpu.memory_space<vmem>>
        %parallel_loop3A_236 = tpu.memref_squeeze %parallel_loop3A_235 : memref<1x64x256xf32, #tpu.memory_space<vmem>> -> memref<64x256xf32, #tpu.memory_space<vmem>>
        %parallel_loop3A_237 = tpu.vector_load_idx %parallel_loop3A_236[%parallel_loop3A_232, %parallel_loop3A_205] : memref<64x256xf32, #tpu.memory_space<vmem>>[vector<16xi32>, vector<16xi32>], vector<16xf32>,
        %parallel_loop3A_238 = arith.addi %parallel_loop3A_211, %parallel_loop3A_232 : vector<16xi32>
        tpu.vector_store_idx %arg7[%parallel_loop3A_238], %parallel_loop3A_237 : memref<32768xf32, #tpu.memory_space<vmem>>[vector<16xi32>], vector<16xf32>,
        %parallel_loop3A_239 = arith.constant 48 : i32
        %parallel_loop3A_240 = vector.broadcast %parallel_loop3A_239 : i32 to vector<16xi32>
        %parallel_loop3A_241 = arith.addi %parallel_loop3A_240, %iota3A : vector<16xi32>
        %parallel_loop3A_242 = arith.constant 0 : i32
        %parallel_loop3A_243 = arith.constant 0 : i32
        %parallel_loop3A_244 = tpu.memref_slice %arg5[%parallel_loop3A_134, %parallel_loop3A_242, %parallel_loop3A_243] : memref<2x64x256xf32, #tpu.memory_space<vmem>> -> memref<1x64x256xf32, #tpu.memory_space<vmem>>
        %parallel_loop3A_245 = tpu.memref_squeeze %parallel_loop3A_244 : memref<1x64x256xf32, #tpu.memory_space<vmem>> -> memref<64x256xf32, #tpu.memory_space<vmem>>
        %parallel_loop3A_246 = tpu.vector_load_idx %parallel_loop3A_245[%parallel_loop3A_241, %parallel_loop3A_205] : memref<64x256xf32, #tpu.memory_space<vmem>>[vector<16xi32>, vector<16xi32>], vector<16xf32>,
        %parallel_loop3A_247 = arith.addi %parallel_loop3A_211, %parallel_loop3A_241 : vector<16xi32>
        tpu.vector_store_idx %arg7[%parallel_loop3A_247], %parallel_loop3A_246 : memref<32768xf32, #tpu.memory_space<vmem>>[vector<16xi32>], vector<16xf32>,
      } {sc.loop_unroll_factor = 4 : i64, sc.parallel_access}
      %mul3A_135 = arith.constant 32 : i32
      %mul3A_136 = arith.muli %add3A_104, %mul3A_135 : i32
      %add3A_137 = arith.addi %add3A, %mul3A_136 : i32
      %mul3A_138 = arith.constant 16384 : i32
      %mul3A_139 = arith.muli %add3A_137, %mul3A_138 : i32
      %dma_start3A_140 = arith.constant 0 : i32
      %dma_start3A_141 = arith.constant 0 : i32
      %dma_start3A_142 = tpu.memref_slice %arg7[%dma_start3A_141] : memref<32768xf32, #tpu.memory_space<vmem>> -> memref<16384xf32, #tpu.memory_space<vmem>>
      %dma_start3A_143 = tpu.memref_slice %arg4[%mul3A_139] : memref<64000000xf32, #tpu.memory_space<hbm>> -> memref<16384xf32, #tpu.memory_space<hbm>>
      %dma_start3A_144 = tpu.memref_slice %arg9[%dma_start3A_140] : memref<2x!tpu.dma_semaphore, #tpu.memory_space<semaphore_mem>> -> memref<1x!tpu.dma_semaphore, #tpu.memory_space<semaphore_mem>>
      %dma_start3A_145 = tpu.memref_squeeze %dma_start3A_144 : memref<1x!tpu.dma_semaphore, #tpu.memory_space<semaphore_mem>> -> memref<!tpu.dma_semaphore, #tpu.memory_space<semaphore_mem>>
      %dma_start3A_146 = tpu.memref_slice %arg4[%mul3A_139] : memref<64000000xf32, #tpu.memory_space<hbm>> -> memref<16384xf32, #tpu.memory_space<hbm>>
      %dma_start3A_147 = arith.constant 0 : i32
      %dma_start3A_148 = tpu.memref_slice %arg7[%dma_start3A_147] : memref<32768xf32, #tpu.memory_space<vmem>> -> memref<16384xf32, #tpu.memory_space<vmem>>
      tpu.enqueue_dma source(%dma_start3A_148 : memref<16384xf32, #tpu.memory_space<vmem>>) target(%dma_start3A_146 : memref<16384xf32, #tpu.memory_space<hbm>>) target_semaphore(%dma_start3A_145 : memref<!tpu.dma_semaphore, #tpu.memory_space<semaphore_mem>>)
      %mul3A_149 = arith.constant 2 : i32
      %mul3A_150 = arith.muli %while3A_100, %mul3A_149 : i32
      %add3A_151 = arith.constant 1 : i32
      %add3A_152 = arith.addi %mul3A_150, %add3A_151 : i32
      %dma_wait3A_153 = arith.constant 1 : i32
      %dma_wait3A_154 = arith.constant 1 : i32
      %dma_wait3A_155 = arith.constant 0 : i32
      %dma_wait3A_156 = arith.constant 0 : i32
      %dma_wait3A_157 = tpu.memref_slice %arg5[%dma_wait3A_153, %dma_wait3A_155, %dma_wait3A_156] : memref<2x64x256xf32, #tpu.memory_space<vmem>> -> memref<1x64x256xf32, #tpu.memory_space<vmem>>
      %dma_wait3A_158 = tpu.memref_squeeze %dma_wait3A_157 : memref<1x64x256xf32, #tpu.memory_space<vmem>> -> memref<64x256xf32, #tpu.memory_space<vmem>>
      %dma_wait3A_159 = arith.constant 0 : i32
      %dma_wait3A_160 = arith.constant 0 : i32
      %dma_wait3A_161 = tpu.memref_slice %arg2[%dma_wait3A_159, %dma_wait3A_160] : memref<64x1000000xf32, #tpu.memory_space<hbm>> -> memref<64x256xf32, #tpu.memory_space<hbm>>
      %dma_wait3A_162 = tpu.memref_slice %arg8[%dma_wait3A_154] : memref<2x!tpu.dma_semaphore, #tpu.memory_space<semaphore_mem>> -> memref<1x!tpu.dma_semaphore, #tpu.memory_space<semaphore_mem>>
      %dma_wait3A_163 = tpu.memref_squeeze %dma_wait3A_162 : memref<1x!tpu.dma_semaphore, #tpu.memory_space<semaphore_mem>> -> memref<!tpu.dma_semaphore, #tpu.memory_space<semaphore_mem>>
      %dma_wait3A_164 = arith.constant 0 : i32
      %dma_wait3A_165 = arith.constant 0 : i32
      %dma_wait3A_166 = tpu.memref_slice %arg5[%dma_wait3A_153, %dma_wait3A_164, %dma_wait3A_165] : memref<2x64x256xf32, #tpu.memory_space<vmem>> -> memref<1x64x256xf32, #tpu.memory_space<vmem>>
      %dma_wait3A_167 = tpu.memref_squeeze %dma_wait3A_166 : memref<1x64x256xf32, #tpu.memory_space<vmem>> -> memref<64x256xf32, #tpu.memory_space<vmem>>
      %dma_wait3A_168 = arith.constant 0 : i32
      %dma_wait3A_169 = arith.constant 0 : i32
      %dma_wait3A_170 = tpu.memref_slice %arg2[%dma_wait3A_168, %dma_wait3A_169] : memref<64x1000000xf32, #tpu.memory_space<hbm>> -> memref<64x256xf32, #tpu.memory_space<hbm>>
      tpu.wait_dma2 semaphore(%dma_wait3A_163 : memref<!tpu.dma_semaphore, #tpu.memory_space<semaphore_mem>>) src(%dma_wait3A_170 : memref<64x256xf32, #tpu.memory_space<hbm>>) dst(%dma_wait3A_167 : memref<64x256xf32, #tpu.memory_space<vmem>>)
      %add3A_171 = arith.constant 1 : i32
      %add3A_172 = arith.addi %add3A_152, %add3A_171 : i32
      %lt3A_173 = arith.cmpi slt, %add3A_172, %add3A_20 : i32
      %convert_element_type3A_174 = arith.extui %lt3A_173 : i1 to i32
      %cond3A_175 = arith.constant 0 : i32
      %cond3A_176 = arith.cmpi ne, %convert_element_type3A_174, %cond3A_175 : i32
      scf.if %cond3A_176 {
        %add3A_200 = arith.constant 1 : i32
        %add3A_201 = arith.addi %add3A_152, %add3A_200 : i32
        %mul3A_202 = arith.constant 32 : i32
        %mul3A_203 = arith.muli %add3A_201, %mul3A_202 : i32
        %add3A_204 = arith.addi %add3A, %mul3A_203 : i32
        %mul3A_205 = arith.constant 256 : i32
        %mul3A_206 = arith.muli %add3A_204, %mul3A_205 : i32
        %multiple_of3A_207 = tpu.assume_multiple %mul3A_206, 256 : i32
        %dma_start3A_208 = arith.constant 0 : i32
        %dma_start3A_209 = arith.constant 0 : i32
        %dma_start3A_210 = arith.constant 0 : i32
        %dma_start3A_211 = arith.constant 0 : i32
        %dma_start3A_212 = tpu.memref_slice %arg5[%dma_start3A_208, %dma_start3A_210, %dma_start3A_211] : memref<2x64x256xf32, #tpu.memory_space<vmem>> -> memref<1x64x256xf32, #tpu.memory_space<vmem>>
        %dma_start3A_213 = tpu.memref_squeeze %dma_start3A_212 : memref<1x64x256xf32, #tpu.memory_space<vmem>> -> memref<64x256xf32, #tpu.memory_space<vmem>>
        %dma_start3A_214 = arith.constant 0 : i32
        %dma_start3A_215 = tpu.memref_slice %arg2[%dma_start3A_214, %multiple_of3A_207] : memref<64x1000000xf32, #tpu.memory_space<hbm>> -> memref<64x256xf32, #tpu.memory_space<hbm>>
        %dma_start3A_216 = tpu.memref_slice %arg8[%dma_start3A_209] : memref<2x!tpu.dma_semaphore, #tpu.memory_space<semaphore_mem>> -> memref<1x!tpu.dma_semaphore, #tpu.memory_space<semaphore_mem>>
        %dma_start3A_217 = tpu.memref_squeeze %dma_start3A_216 : memref<1x!tpu.dma_semaphore, #tpu.memory_space<semaphore_mem>> -> memref<!tpu.dma_semaphore, #tpu.memory_space<semaphore_mem>>
        %dma_start3A_218 = arith.constant 0 : i32
        %dma_start3A_219 = arith.constant 0 : i32
        %dma_start3A_220 = tpu.memref_slice %arg5[%dma_start3A_208, %dma_start3A_218, %dma_start3A_219] : memref<2x64x256xf32, #tpu.memory_space<vmem>> -> memref<1x64x256xf32, #tpu.memory_space<vmem>>
        %dma_start3A_221 = tpu.memref_squeeze %dma_start3A_220 : memref<1x64x256xf32, #tpu.memory_space<vmem>> -> memref<64x256xf32, #tpu.memory_space<vmem>>
        %dma_start3A_222 = arith.constant 0 : i32
        %dma_start3A_223 = tpu.memref_slice %arg2[%dma_start3A_222, %multiple_of3A_207] : memref<64x1000000xf32, #tpu.memory_space<hbm>> -> memref<64x256xf32, #tpu.memory_space<hbm>>
        tpu.enqueue_dma source(%dma_start3A_223 : memref<64x256xf32, #tpu.memory_space<hbm>>) target(%dma_start3A_221 : memref<64x256xf32, #tpu.memory_space<vmem>>) target_semaphore(%dma_start3A_217 : memref<!tpu.dma_semaphore, #tpu.memory_space<semaphore_mem>>)
      } else {
      }
      %ge3A_177 = arith.constant 2 : i32
      %ge3A_178 = arith.cmpi sge, %add3A_152, %ge3A_177 : i32
      %convert_element_type3A_179 = arith.extui %ge3A_178 : i1 to i32
      %cond3A_180 = arith.constant 0 : i32
      %cond3A_181 = arith.cmpi ne, %convert_element_type3A_179, %cond3A_180 : i32
      scf.if %cond3A_181 {
        %dma_wait3A_200 = arith.constant 1 : i32
        %dma_wait3A_201 = arith.constant 16384 : i32
        %dma_wait3A_202 = tpu.memref_slice %arg7[%dma_wait3A_201] : memref<32768xf32, #tpu.memory_space<vmem>> -> memref<16384xf32, #tpu.memory_space<vmem>>
        %dma_wait3A_203 = arith.constant 0 : i32
        %dma_wait3A_204 = tpu.memref_slice %arg4[%dma_wait3A_203] : memref<64000000xf32, #tpu.memory_space<hbm>> -> memref<16384xf32, #tpu.memory_space<hbm>>
        %dma_wait3A_205 = tpu.memref_slice %arg9[%dma_wait3A_200] : memref<2x!tpu.dma_semaphore, #tpu.memory_space<semaphore_mem>> -> memref<1x!tpu.dma_semaphore, #tpu.memory_space<semaphore_mem>>
        %dma_wait3A_206 = tpu.memref_squeeze %dma_wait3A_205 : memref<1x!tpu.dma_semaphore, #tpu.memory_space<semaphore_mem>> -> memref<!tpu.dma_semaphore, #tpu.memory_space<semaphore_mem>>
        %dma_wait3A_207 = arith.constant 0 : i32
        %dma_wait3A_208 = tpu.memref_slice %arg4[%dma_wait3A_207] : memref<64000000xf32, #tpu.memory_space<hbm>> -> memref<16384xf32, #tpu.memory_space<hbm>>
        %dma_wait3A_209 = arith.constant 16384 : i32
        %dma_wait3A_210 = tpu.memref_slice %arg7[%dma_wait3A_209] : memref<32768xf32, #tpu.memory_space<vmem>> -> memref<16384xf32, #tpu.memory_space<vmem>>
        tpu.wait_dma2 semaphore(%dma_wait3A_206 : memref<!tpu.dma_semaphore, #tpu.memory_space<semaphore_mem>>) src(%dma_wait3A_210 : memref<16384xf32, #tpu.memory_space<vmem>>) dst(%dma_wait3A_208 : memref<16384xf32, #tpu.memory_space<hbm>>)
      } else {
      }
      %parallel_loop3A_182 = arith.constant 0 : i32
      %parallel_loop3A_183 = arith.constant 256 : i32
      %parallel_loop3A_184 = arith.constant 1 : i32
      %parallel_loop3A_185 = arith.constant 1 : i32
      scf.for %parallel_loop3A_200 = %parallel_loop3A_182 to %parallel_loop3A_183 step %parallel_loop3A_184  : i32 {
        %parallel_loop3A_201 = vector.broadcast %parallel_loop3A_200 : i32 to vector<16xi32>
        %parallel_loop3A_202 = arith.addi %parallel_loop3A_201, %iota3A : vector<16xi32>
        %parallel_loop3A_203 = arith.constant 255 : i32
        %parallel_loop3A_204 = vector.broadcast %parallel_loop3A_203 : i32 to vector<16xi32>
        %parallel_loop3A_205 = arith.andi %parallel_loop3A_202, %parallel_loop3A_204 : vector<16xi32>
        %parallel_loop3A_206 = arith.constant 64 : i32
        %parallel_loop3A_207 = vector.broadcast %parallel_loop3A_206 : i32 to vector<16xi32>
        %parallel_loop3A_208 = arith.muli %parallel_loop3A_205, %parallel_loop3A_207 : vector<16xi32>
        %parallel_loop3A_209 = arith.constant 16384 : i32
        %parallel_loop3A_210 = vector.broadcast %parallel_loop3A_209 : i32 to vector<16xi32>
        %parallel_loop3A_211 = arith.addi %parallel_loop3A_210, %parallel_loop3A_208 : vector<16xi32>
        %parallel_loop3A_212 = arith.constant 0 : i32
        %parallel_loop3A_213 = vector.broadcast %parallel_loop3A_212 : i32 to vector<16xi32>
        %parallel_loop3A_214 = arith.addi %parallel_loop3A_213, %iota3A : vector<16xi32>
        %parallel_loop3A_215 = arith.constant 0 : i32
        %parallel_loop3A_216 = arith.constant 0 : i32
        %parallel_loop3A_217 = tpu.memref_slice %arg5[%parallel_loop3A_185, %parallel_loop3A_215, %parallel_loop3A_216] : memref<2x64x256xf32, #tpu.memory_space<vmem>> -> memref<1x64x256xf32, #tpu.memory_space<vmem>>
        %parallel_loop3A_218 = tpu.memref_squeeze %parallel_loop3A_217 : memref<1x64x256xf32, #tpu.memory_space<vmem>> -> memref<64x256xf32, #tpu.memory_space<vmem>>
        %parallel_loop3A_219 = tpu.vector_load_idx %parallel_loop3A_218[%parallel_loop3A_214, %parallel_loop3A_205] : memref<64x256xf32, #tpu.memory_space<vmem>>[vector<16xi32>, vector<16xi32>], vector<16xf32>,
        %parallel_loop3A_220 = arith.addi %parallel_loop3A_211, %parallel_loop3A_214 : vector<16xi32>
        tpu.vector_store_idx %arg7[%parallel_loop3A_220], %parallel_loop3A_219 : memref<32768xf32, #tpu.memory_space<vmem>>[vector<16xi32>], vector<16xf32>,
        %parallel_loop3A_221 = arith.constant 16 : i32
        %parallel_loop3A_222 = vector.broadcast %parallel_loop3A_221 : i32 to vector<16xi32>
        %parallel_loop3A_223 = arith.addi %parallel_loop3A_222, %iota3A : vector<16xi32>
        %parallel_loop3A_224 = arith.constant 0 : i32
        %parallel_loop3A_225 = arith.constant 0 : i32
        %parallel_loop3A_226 = tpu.memref_slice %arg5[%parallel_loop3A_185, %parallel_loop3A_224, %parallel_loop3A_225] : memref<2x64x256xf32, #tpu.memory_space<vmem>> -> memref<1x64x256xf32, #tpu.memory_space<vmem>>
        %parallel_loop3A_227 = tpu.memref_squeeze %parallel_loop3A_226 : memref<1x64x256xf32, #tpu.memory_space<vmem>> -> memref<64x256xf32, #tpu.memory_space<vmem>>
        %parallel_loop3A_228 = tpu.vector_load_idx %parallel_loop3A_227[%parallel_loop3A_223, %parallel_loop3A_205] : memref<64x256xf32, #tpu.memory_space<vmem>>[vector<16xi32>, vector<16xi32>], vector<16xf32>,
        %parallel_loop3A_229 = arith.addi %parallel_loop3A_211, %parallel_loop3A_223 : vector<16xi32>
        tpu.vector_store_idx %arg7[%parallel_loop3A_229], %parallel_loop3A_228 : memref<32768xf32, #tpu.memory_space<vmem>>[vector<16xi32>], vector<16xf32>,
        %parallel_loop3A_230 = arith.constant 32 : i32
        %parallel_loop3A_231 = vector.broadcast %parallel_loop3A_230 : i32 to vector<16xi32>
        %parallel_loop3A_232 = arith.addi %parallel_loop3A_231, %iota3A : vector<16xi32>
        %parallel_loop3A_233 = arith.constant 0 : i32
        %parallel_loop3A_234 = arith.constant 0 : i32
        %parallel_loop3A_235 = tpu.memref_slice %arg5[%parallel_loop3A_185, %parallel_loop3A_233, %parallel_loop3A_234] : memref<2x64x256xf32, #tpu.memory_space<vmem>> -> memref<1x64x256xf32, #tpu.memory_space<vmem>>
        %parallel_loop3A_236 = tpu.memref_squeeze %parallel_loop3A_235 : memref<1x64x256xf32, #tpu.memory_space<vmem>> -> memref<64x256xf32, #tpu.memory_space<vmem>>
        %parallel_loop3A_237 = tpu.vector_load_idx %parallel_loop3A_236[%parallel_loop3A_232, %parallel_loop3A_205] : memref<64x256xf32, #tpu.memory_space<vmem>>[vector<16xi32>, vector<16xi32>], vector<16xf32>,
        %parallel_loop3A_238 = arith.addi %parallel_loop3A_211, %parallel_loop3A_232 : vector<16xi32>
        tpu.vector_store_idx %arg7[%parallel_loop3A_238], %parallel_loop3A_237 : memref<32768xf32, #tpu.memory_space<vmem>>[vector<16xi32>], vector<16xf32>,
        %parallel_loop3A_239 = arith.constant 48 : i32
        %parallel_loop3A_240 = vector.broadcast %parallel_loop3A_239 : i32 to vector<16xi32>
        %parallel_loop3A_241 = arith.addi %parallel_loop3A_240, %iota3A : vector<16xi32>
        %parallel_loop3A_242 = arith.constant 0 : i32
        %parallel_loop3A_243 = arith.constant 0 : i32
        %parallel_loop3A_244 = tpu.memref_slice %arg5[%parallel_loop3A_185, %parallel_loop3A_242, %parallel_loop3A_243] : memref<2x64x256xf32, #tpu.memory_space<vmem>> -> memref<1x64x256xf32, #tpu.memory_space<vmem>>
        %parallel_loop3A_245 = tpu.memref_squeeze %parallel_loop3A_244 : memref<1x64x256xf32, #tpu.memory_space<vmem>> -> memref<64x256xf32, #tpu.memory_space<vmem>>
        %parallel_loop3A_246 = tpu.vector_load_idx %parallel_loop3A_245[%parallel_loop3A_241, %parallel_loop3A_205] : memref<64x256xf32, #tpu.memory_space<vmem>>[vector<16xi32>, vector<16xi32>], vector<16xf32>,
        %parallel_loop3A_247 = arith.addi %parallel_loop3A_211, %parallel_loop3A_241 : vector<16xi32>
        tpu.vector_store_idx %arg7[%parallel_loop3A_247], %parallel_loop3A_246 : memref<32768xf32, #tpu.memory_space<vmem>>[vector<16xi32>], vector<16xf32>,
      } {sc.loop_unroll_factor = 4 : i64, sc.parallel_access}
      %mul3A_186 = arith.constant 32 : i32
      %mul3A_187 = arith.muli %add3A_152, %mul3A_186 : i32
      %add3A_188 = arith.addi %add3A, %mul3A_187 : i32
      %mul3A_189 = arith.constant 16384 : i32
      %mul3A_190 = arith.muli %add3A_188, %mul3A_189 : i32
      %dma_start3A_191 = arith.constant 1 : i32
      %dma_start3A_192 = arith.constant 16384 : i32
      %dma_start3A_193 = tpu.memref_slice %arg7[%dma_start3A_192] : memref<32768xf32, #tpu.memory_space<vmem>> -> memref<16384xf32, #tpu.memory_space<vmem>>
      %dma_start3A_194 = tpu.memref_slice %arg4[%mul3A_190] : memref<64000000xf32, #tpu.memory_space<hbm>> -> memref<16384xf32, #tpu.memory_space<hbm>>
      %dma_start3A_195 = tpu.memref_slice %arg9[%dma_start3A_191] : memref<2x!tpu.dma_semaphore, #tpu.memory_space<semaphore_mem>> -> memref<1x!tpu.dma_semaphore, #tpu.memory_space<semaphore_mem>>
      %dma_start3A_196 = tpu.memref_squeeze %dma_start3A_195 : memref<1x!tpu.dma_semaphore, #tpu.memory_space<semaphore_mem>> -> memref<!tpu.dma_semaphore, #tpu.memory_space<semaphore_mem>>
      %dma_start3A_197 = tpu.memref_slice %arg4[%mul3A_190] : memref<64000000xf32, #tpu.memory_space<hbm>> -> memref<16384xf32, #tpu.memory_space<hbm>>
      %dma_start3A_198 = arith.constant 16384 : i32
      %dma_start3A_199 = tpu.memref_slice %arg7[%dma_start3A_198] : memref<32768xf32, #tpu.memory_space<vmem>> -> memref<16384xf32, #tpu.memory_space<vmem>>
      tpu.enqueue_dma source(%dma_start3A_199 : memref<16384xf32, #tpu.memory_space<vmem>>) target(%dma_start3A_197 : memref<16384xf32, #tpu.memory_space<hbm>>) target_semaphore(%dma_start3A_196 : memref<!tpu.dma_semaphore, #tpu.memory_space<semaphore_mem>>)
    }
    %rem3A_73 = arith.constant 2 : i32
    %rem3A_74 = arith.remsi %add3A_20, %rem3A_73 : i32
    %eq3A = arith.constant 1 : i32
    %eq3A_75 = arith.cmpi eq, %rem3A_74, %eq3A : i32
    %convert_element_type3A = arith.extui %eq3A_75 : i1 to i32
    %cond3A = arith.constant 0 : i32
    %cond3A_76 = arith.cmpi ne, %convert_element_type3A, %cond3A : i32
    scf.if %cond3A_76 {
      %sub3A_100 = arith.constant 1 : i32
      %sub3A_101 = arith.subi %add3A_20, %sub3A_100 : i32
      %dma_wait3A_102 = arith.constant 0 : i32
      %dma_wait3A_103 = arith.constant 0 : i32
      %dma_wait3A_104 = arith.constant 0 : i32
      %dma_wait3A_105 = arith.constant 0 : i32
      %dma_wait3A_106 = tpu.memref_slice %arg5[%dma_wait3A_102, %dma_wait3A_104, %dma_wait3A_105] : memref<2x64x256xf32, #tpu.memory_space<vmem>> -> memref<1x64x256xf32, #tpu.memory_space<vmem>>
      %dma_wait3A_107 = tpu.memref_squeeze %dma_wait3A_106 : memref<1x64x256xf32, #tpu.memory_space<vmem>> -> memref<64x256xf32, #tpu.memory_space<vmem>>
      %dma_wait3A_108 = arith.constant 0 : i32
      %dma_wait3A_109 = arith.constant 0 : i32
      %dma_wait3A_110 = tpu.memref_slice %arg2[%dma_wait3A_108, %dma_wait3A_109] : memref<64x1000000xf32, #tpu.memory_space<hbm>> -> memref<64x256xf32, #tpu.memory_space<hbm>>
      %dma_wait3A_111 = tpu.memref_slice %arg8[%dma_wait3A_103] : memref<2x!tpu.dma_semaphore, #tpu.memory_space<semaphore_mem>> -> memref<1x!tpu.dma_semaphore, #tpu.memory_space<semaphore_mem>>
      %dma_wait3A_112 = tpu.memref_squeeze %dma_wait3A_111 : memref<1x!tpu.dma_semaphore, #tpu.memory_space<semaphore_mem>> -> memref<!tpu.dma_semaphore, #tpu.memory_space<semaphore_mem>>
      %dma_wait3A_113 = arith.constant 0 : i32
      %dma_wait3A_114 = arith.constant 0 : i32
      %dma_wait3A_115 = tpu.memref_slice %arg5[%dma_wait3A_102, %dma_wait3A_113, %dma_wait3A_114] : memref<2x64x256xf32, #tpu.memory_space<vmem>> -> memref<1x64x256xf32, #tpu.memory_space<vmem>>
      %dma_wait3A_116 = tpu.memref_squeeze %dma_wait3A_115 : memref<1x64x256xf32, #tpu.memory_space<vmem>> -> memref<64x256xf32, #tpu.memory_space<vmem>>
      %dma_wait3A_117 = arith.constant 0 : i32
      %dma_wait3A_118 = arith.constant 0 : i32
      %dma_wait3A_119 = tpu.memref_slice %arg2[%dma_wait3A_117, %dma_wait3A_118] : memref<64x1000000xf32, #tpu.memory_space<hbm>> -> memref<64x256xf32, #tpu.memory_space<hbm>>
      tpu.wait_dma2 semaphore(%dma_wait3A_112 : memref<!tpu.dma_semaphore, #tpu.memory_space<semaphore_mem>>) src(%dma_wait3A_119 : memref<64x256xf32, #tpu.memory_space<hbm>>) dst(%dma_wait3A_116 : memref<64x256xf32, #tpu.memory_space<vmem>>)
      %dma_wait3A_120 = arith.constant 0 : i32
      %dma_wait3A_121 = arith.constant 0 : i32
      %dma_wait3A_122 = tpu.memref_slice %arg7[%dma_wait3A_121] : memref<32768xf32, #tpu.memory_space<vmem>> -> memref<16384xf32, #tpu.memory_space<vmem>>
      %dma_wait3A_123 = arith.constant 0 : i32
      %dma_wait3A_124 = tpu.memref_slice %arg4[%dma_wait3A_123] : memref<64000000xf32, #tpu.memory_space<hbm>> -> memref<16384xf32, #tpu.memory_space<hbm>>
      %dma_wait3A_125 = tpu.memref_slice %arg9[%dma_wait3A_120] : memref<2x!tpu.dma_semaphore, #tpu.memory_space<semaphore_mem>> -> memref<1x!tpu.dma_semaphore, #tpu.memory_space<semaphore_mem>>
      %dma_wait3A_126 = tpu.memref_squeeze %dma_wait3A_125 : memref<1x!tpu.dma_semaphore, #tpu.memory_space<semaphore_mem>> -> memref<!tpu.dma_semaphore, #tpu.memory_space<semaphore_mem>>
      %dma_wait3A_127 = arith.constant 0 : i32
      %dma_wait3A_128 = tpu.memref_slice %arg4[%dma_wait3A_127] : memref<64000000xf32, #tpu.memory_space<hbm>> -> memref<16384xf32, #tpu.memory_space<hbm>>
      %dma_wait3A_129 = arith.constant 0 : i32
      %dma_wait3A_130 = tpu.memref_slice %arg7[%dma_wait3A_129] : memref<32768xf32, #tpu.memory_space<vmem>> -> memref<16384xf32, #tpu.memory_space<vmem>>
      tpu.wait_dma2 semaphore(%dma_wait3A_126 : memref<!tpu.dma_semaphore, #tpu.memory_space<semaphore_mem>>) src(%dma_wait3A_130 : memref<16384xf32, #tpu.memory_space<vmem>>) dst(%dma_wait3A_128 : memref<16384xf32, #tpu.memory_space<hbm>>)
      %parallel_loop3A = arith.constant 0 : i32
      %parallel_loop3A_131 = arith.constant 256 : i32
      %parallel_loop3A_132 = arith.constant 1 : i32
      %parallel_loop3A_133 = arith.constant 0 : i32
      scf.for %parallel_loop3A_148 = %parallel_loop3A to %parallel_loop3A_131 step %parallel_loop3A_132  : i32 {
        %parallel_loop3A_149 = vector.broadcast %parallel_loop3A_148 : i32 to vector<16xi32>
        %parallel_loop3A_150 = arith.addi %parallel_loop3A_149, %iota3A : vector<16xi32>
        %parallel_loop3A_151 = arith.constant 255 : i32
        %parallel_loop3A_152 = vector.broadcast %parallel_loop3A_151 : i32 to vector<16xi32>
        %parallel_loop3A_153 = arith.andi %parallel_loop3A_150, %parallel_loop3A_152 : vector<16xi32>
        %parallel_loop3A_154 = arith.constant 64 : i32
        %parallel_loop3A_155 = vector.broadcast %parallel_loop3A_154 : i32 to vector<16xi32>
        %parallel_loop3A_156 = arith.muli %parallel_loop3A_153, %parallel_loop3A_155 : vector<16xi32>
        %parallel_loop3A_157 = arith.constant 0 : i32
        %parallel_loop3A_158 = vector.broadcast %parallel_loop3A_157 : i32 to vector<16xi32>
        %parallel_loop3A_159 = arith.addi %parallel_loop3A_158, %parallel_loop3A_156 : vector<16xi32>
        %parallel_loop3A_160 = arith.constant 0 : i32
        %parallel_loop3A_161 = vector.broadcast %parallel_loop3A_160 : i32 to vector<16xi32>
        %parallel_loop3A_162 = arith.addi %parallel_loop3A_161, %iota3A : vector<16xi32>
        %parallel_loop3A_163 = arith.constant 0 : i32
        %parallel_loop3A_164 = arith.constant 0 : i32
        %parallel_loop3A_165 = tpu.memref_slice %arg5[%parallel_loop3A_133, %parallel_loop3A_163, %parallel_loop3A_164] : memref<2x64x256xf32, #tpu.memory_space<vmem>> -> memref<1x64x256xf32, #tpu.memory_space<vmem>>
        %parallel_loop3A_166 = tpu.memref_squeeze %parallel_loop3A_165 : memref<1x64x256xf32, #tpu.memory_space<vmem>> -> memref<64x256xf32, #tpu.memory_space<vmem>>
        %parallel_loop3A_167 = tpu.vector_load_idx %parallel_loop3A_166[%parallel_loop3A_162, %parallel_loop3A_153] : memref<64x256xf32, #tpu.memory_space<vmem>>[vector<16xi32>, vector<16xi32>], vector<16xf32>,
        %parallel_loop3A_168 = arith.addi %parallel_loop3A_159, %parallel_loop3A_162 : vector<16xi32>
        tpu.vector_store_idx %arg7[%parallel_loop3A_168], %parallel_loop3A_167 : memref<32768xf32, #tpu.memory_space<vmem>>[vector<16xi32>], vector<16xf32>,
        %parallel_loop3A_169 = arith.constant 16 : i32
        %parallel_loop3A_170 = vector.broadcast %parallel_loop3A_169 : i32 to vector<16xi32>
        %parallel_loop3A_171 = arith.addi %parallel_loop3A_170, %iota3A : vector<16xi32>
        %parallel_loop3A_172 = arith.constant 0 : i32
        %parallel_loop3A_173 = arith.constant 0 : i32
        %parallel_loop3A_174 = tpu.memref_slice %arg5[%parallel_loop3A_133, %parallel_loop3A_172, %parallel_loop3A_173] : memref<2x64x256xf32, #tpu.memory_space<vmem>> -> memref<1x64x256xf32, #tpu.memory_space<vmem>>
        %parallel_loop3A_175 = tpu.memref_squeeze %parallel_loop3A_174 : memref<1x64x256xf32, #tpu.memory_space<vmem>> -> memref<64x256xf32, #tpu.memory_space<vmem>>
        %parallel_loop3A_176 = tpu.vector_load_idx %parallel_loop3A_175[%parallel_loop3A_171, %parallel_loop3A_153] : memref<64x256xf32, #tpu.memory_space<vmem>>[vector<16xi32>, vector<16xi32>], vector<16xf32>,
        %parallel_loop3A_177 = arith.addi %parallel_loop3A_159, %parallel_loop3A_171 : vector<16xi32>
        tpu.vector_store_idx %arg7[%parallel_loop3A_177], %parallel_loop3A_176 : memref<32768xf32, #tpu.memory_space<vmem>>[vector<16xi32>], vector<16xf32>,
        %parallel_loop3A_178 = arith.constant 32 : i32
        %parallel_loop3A_179 = vector.broadcast %parallel_loop3A_178 : i32 to vector<16xi32>
        %parallel_loop3A_180 = arith.addi %parallel_loop3A_179, %iota3A : vector<16xi32>
        %parallel_loop3A_181 = arith.constant 0 : i32
        %parallel_loop3A_182 = arith.constant 0 : i32
        %parallel_loop3A_183 = tpu.memref_slice %arg5[%parallel_loop3A_133, %parallel_loop3A_181, %parallel_loop3A_182] : memref<2x64x256xf32, #tpu.memory_space<vmem>> -> memref<1x64x256xf32, #tpu.memory_space<vmem>>
        %parallel_loop3A_184 = tpu.memref_squeeze %parallel_loop3A_183 : memref<1x64x256xf32, #tpu.memory_space<vmem>> -> memref<64x256xf32, #tpu.memory_space<vmem>>
        %parallel_loop3A_185 = tpu.vector_load_idx %parallel_loop3A_184[%parallel_loop3A_180, %parallel_loop3A_153] : memref<64x256xf32, #tpu.memory_space<vmem>>[vector<16xi32>, vector<16xi32>], vector<16xf32>,
        %parallel_loop3A_186 = arith.addi %parallel_loop3A_159, %parallel_loop3A_180 : vector<16xi32>
        tpu.vector_store_idx %arg7[%parallel_loop3A_186], %parallel_loop3A_185 : memref<32768xf32, #tpu.memory_space<vmem>>[vector<16xi32>], vector<16xf32>,
        %parallel_loop3A_187 = arith.constant 48 : i32
        %parallel_loop3A_188 = vector.broadcast %parallel_loop3A_187 : i32 to vector<16xi32>
        %parallel_loop3A_189 = arith.addi %parallel_loop3A_188, %iota3A : vector<16xi32>
        %parallel_loop3A_190 = arith.constant 0 : i32
        %parallel_loop3A_191 = arith.constant 0 : i32
        %parallel_loop3A_192 = tpu.memref_slice %arg5[%parallel_loop3A_133, %parallel_loop3A_190, %parallel_loop3A_191] : memref<2x64x256xf32, #tpu.memory_space<vmem>> -> memref<1x64x256xf32, #tpu.memory_space<vmem>>
        %parallel_loop3A_193 = tpu.memref_squeeze %parallel_loop3A_192 : memref<1x64x256xf32, #tpu.memory_space<vmem>> -> memref<64x256xf32, #tpu.memory_space<vmem>>
        %parallel_loop3A_194 = tpu.vector_load_idx %parallel_loop3A_193[%parallel_loop3A_189, %parallel_loop3A_153] : memref<64x256xf32, #tpu.memory_space<vmem>>[vector<16xi32>, vector<16xi32>], vector<16xf32>,
        %parallel_loop3A_195 = arith.addi %parallel_loop3A_159, %parallel_loop3A_189 : vector<16xi32>
        tpu.vector_store_idx %arg7[%parallel_loop3A_195], %parallel_loop3A_194 : memref<32768xf32, #tpu.memory_space<vmem>>[vector<16xi32>], vector<16xf32>,
      } {sc.loop_unroll_factor = 4 : i64, sc.parallel_access}
      %mul3A_134 = arith.constant 32 : i32
      %mul3A_135 = arith.muli %sub3A_101, %mul3A_134 : i32
      %add3A_136 = arith.addi %add3A, %mul3A_135 : i32
      %mul3A_137 = arith.constant 16384 : i32
      %mul3A_138 = arith.muli %add3A_136, %mul3A_137 : i32
      %dma_start3A_139 = arith.constant 0 : i32
      %dma_start3A_140 = arith.constant 0 : i32
      %dma_start3A_141 = tpu.memref_slice %arg7[%dma_start3A_140] : memref<32768xf32, #tpu.memory_space<vmem>> -> memref<16384xf32, #tpu.memory_space<vmem>>
      %dma_start3A_142 = tpu.memref_slice %arg4[%mul3A_138] : memref<64000000xf32, #tpu.memory_space<hbm>> -> memref<16384xf32, #tpu.memory_space<hbm>>
      %dma_start3A_143 = tpu.memref_slice %arg9[%dma_start3A_139] : memref<2x!tpu.dma_semaphore, #tpu.memory_space<semaphore_mem>> -> memref<1x!tpu.dma_semaphore, #tpu.memory_space<semaphore_mem>>
      %dma_start3A_144 = tpu.memref_squeeze %dma_start3A_143 : memref<1x!tpu.dma_semaphore, #tpu.memory_space<semaphore_mem>> -> memref<!tpu.dma_semaphore, #tpu.memory_space<semaphore_mem>>
      %dma_start3A_145 = tpu.memref_slice %arg4[%mul3A_138] : memref<64000000xf32, #tpu.memory_space<hbm>> -> memref<16384xf32, #tpu.memory_space<hbm>>
      %dma_start3A_146 = arith.constant 0 : i32
      %dma_start3A_147 = tpu.memref_slice %arg7[%dma_start3A_146] : memref<32768xf32, #tpu.memory_space<vmem>> -> memref<16384xf32, #tpu.memory_space<vmem>>
      tpu.enqueue_dma source(%dma_start3A_147 : memref<16384xf32, #tpu.memory_space<vmem>>) target(%dma_start3A_145 : memref<16384xf32, #tpu.memory_space<hbm>>) target_semaphore(%dma_start3A_144 : memref<!tpu.dma_semaphore, #tpu.memory_space<semaphore_mem>>)
    } else {
    }
    %eq3A_77 = arith.constant 0 : i32
    %eq3A_78 = arith.cmpi eq, %add3A, %eq3A_77 : i32
    %convert_element_type3A_79 = arith.extui %eq3A_78 : i1 to i32
    %cond3A_80 = arith.constant 0 : i32
    %cond3A_81 = arith.cmpi ne, %convert_element_type3A_79, %cond3A_80 : i32
    scf.if %cond3A_81 {
      "tpu.region"() ({
        %run_scoped3A = tpu.sem_alloc : memref<!tpu.dma_semaphore, #tpu.memory_space<semaphore_mem>>
        tpu.enqueue_dma source(%arg3 : memref<64x64xf32, #tpu.memory_space<hbm>>) target(%arg6 : memref<64x64xf32, #tpu.memory_space<vmem>>) target_semaphore(%run_scoped3A : memref<!tpu.dma_semaphore, #tpu.memory_space<semaphore_mem>>)
        tpu.wait_dma2 semaphore(%run_scoped3A : memref<!tpu.dma_semaphore, #tpu.memory_space<semaphore_mem>>) src(%arg3 : memref<64x64xf32, #tpu.memory_space<hbm>>) dst(%arg6 : memref<64x64xf32, #tpu.memory_space<vmem>>)
        tpu.yield
      }) : () -> ()
      %rem3A_100 = arith.constant 2 : i32
      %rem3A_101 = arith.remsi %add3A_20, %rem3A_100 : i32
      %mul3A_102 = arith.constant 16384 : i32
      %mul3A_103 = arith.muli %rem3A_101, %mul3A_102 : i32
      %dma_wait3A_104 = tpu.memref_slice %arg7[%mul3A_103] : memref<32768xf32, #tpu.memory_space<vmem>> -> memref<16384xf32, #tpu.memory_space<vmem>>
      %dma_wait3A_105 = arith.constant 0 : i32
      %dma_wait3A_106 = tpu.memref_slice %arg4[%dma_wait3A_105] : memref<64000000xf32, #tpu.memory_space<hbm>> -> memref<16384xf32, #tpu.memory_space<hbm>>
      %dma_wait3A_107 = tpu.memref_slice %arg9[%rem3A_101] : memref<2x!tpu.dma_semaphore, #tpu.memory_space<semaphore_mem>> -> memref<1x!tpu.dma_semaphore, #tpu.memory_space<semaphore_mem>>
      %dma_wait3A_108 = tpu.memref_squeeze %dma_wait3A_107 : memref<1x!tpu.dma_semaphore, #tpu.memory_space<semaphore_mem>> -> memref<!tpu.dma_semaphore, #tpu.memory_space<semaphore_mem>>
      %dma_wait3A_109 = arith.constant 0 : i32
      %dma_wait3A_110 = tpu.memref_slice %arg4[%dma_wait3A_109] : memref<64000000xf32, #tpu.memory_space<hbm>> -> memref<16384xf32, #tpu.memory_space<hbm>>
      %dma_wait3A_111 = tpu.memref_slice %arg7[%mul3A_103] : memref<32768xf32, #tpu.memory_space<vmem>> -> memref<16384xf32, #tpu.memory_space<vmem>>
      tpu.wait_dma2 semaphore(%dma_wait3A_108 : memref<!tpu.dma_semaphore, #tpu.memory_space<semaphore_mem>>) src(%dma_wait3A_111 : memref<16384xf32, #tpu.memory_space<vmem>>) dst(%dma_wait3A_110 : memref<16384xf32, #tpu.memory_space<hbm>>)
      %rem3A_112 = arith.constant 2 : i32
      %rem3A_113 = arith.remsi %add3A_20, %rem3A_112 : i32
      %mul3A_114 = arith.constant 16384 : i32
      %mul3A_115 = arith.muli %rem3A_113, %mul3A_114 : i32
      %parallel_loop3A = arith.constant 0 : i32
      %parallel_loop3A_116 = arith.constant 64 : i32
      %parallel_loop3A_117 = arith.constant 1 : i32
      scf.for %parallel_loop3A_146 = %parallel_loop3A to %parallel_loop3A_116 step %parallel_loop3A_117  : i32 {
        %parallel_loop3A_147 = vector.broadcast %parallel_loop3A_146 : i32 to vector<16xi32>
        %parallel_loop3A_148 = arith.addi %parallel_loop3A_147, %iota3A : vector<16xi32>
        %parallel_loop3A_149 = arith.constant 63 : i32
        %parallel_loop3A_150 = vector.broadcast %parallel_loop3A_149 : i32 to vector<16xi32>
        %parallel_loop3A_151 = arith.andi %parallel_loop3A_148, %parallel_loop3A_150 : vector<16xi32>
        %parallel_loop3A_152 = arith.constant 64 : i32
        %parallel_loop3A_153 = vector.broadcast %parallel_loop3A_152 : i32 to vector<16xi32>
        %parallel_loop3A_154 = arith.muli %parallel_loop3A_151, %parallel_loop3A_153 : vector<16xi32>
        %parallel_loop3A_155 = vector.broadcast %mul3A_115 : i32 to vector<16xi32>
        %parallel_loop3A_156 = arith.addi %parallel_loop3A_155, %parallel_loop3A_154 : vector<16xi32>
        %parallel_loop3A_157 = arith.constant 0 : i32
        %parallel_loop3A_158 = vector.broadcast %parallel_loop3A_157 : i32 to vector<16xi32>
        %parallel_loop3A_159 = arith.addi %parallel_loop3A_158, %iota3A : vector<16xi32>
        %parallel_loop3A_160 = tpu.vector_load_idx %arg6[%parallel_loop3A_159, %parallel_loop3A_151] : memref<64x64xf32, #tpu.memory_space<vmem>>[vector<16xi32>, vector<16xi32>], vector<16xf32>,
        %parallel_loop3A_161 = arith.addi %parallel_loop3A_156, %parallel_loop3A_159 : vector<16xi32>
        tpu.vector_store_idx %arg7[%parallel_loop3A_161], %parallel_loop3A_160 : memref<32768xf32, #tpu.memory_space<vmem>>[vector<16xi32>], vector<16xf32>,
        %parallel_loop3A_162 = arith.constant 16 : i32
        %parallel_loop3A_163 = vector.broadcast %parallel_loop3A_162 : i32 to vector<16xi32>
        %parallel_loop3A_164 = arith.addi %parallel_loop3A_163, %iota3A : vector<16xi32>
        %parallel_loop3A_165 = tpu.vector_load_idx %arg6[%parallel_loop3A_164, %parallel_loop3A_151] : memref<64x64xf32, #tpu.memory_space<vmem>>[vector<16xi32>, vector<16xi32>], vector<16xf32>,
        %parallel_loop3A_166 = arith.addi %parallel_loop3A_156, %parallel_loop3A_164 : vector<16xi32>
        tpu.vector_store_idx %arg7[%parallel_loop3A_166], %parallel_loop3A_165 : memref<32768xf32, #tpu.memory_space<vmem>>[vector<16xi32>], vector<16xf32>,
        %parallel_loop3A_167 = arith.constant 32 : i32
        %parallel_loop3A_168 = vector.broadcast %parallel_loop3A_167 : i32 to vector<16xi32>
        %parallel_loop3A_169 = arith.addi %parallel_loop3A_168, %iota3A : vector<16xi32>
        %parallel_loop3A_170 = tpu.vector_load_idx %arg6[%parallel_loop3A_169, %parallel_loop3A_151] : memref<64x64xf32, #tpu.memory_space<vmem>>[vector<16xi32>, vector<16xi32>], vector<16xf32>,
        %parallel_loop3A_171 = arith.addi %parallel_loop3A_156, %parallel_loop3A_169 : vector<16xi32>
        tpu.vector_store_idx %arg7[%parallel_loop3A_171], %parallel_loop3A_170 : memref<32768xf32, #tpu.memory_space<vmem>>[vector<16xi32>], vector<16xf32>,
        %parallel_loop3A_172 = arith.constant 48 : i32
        %parallel_loop3A_173 = vector.broadcast %parallel_loop3A_172 : i32 to vector<16xi32>
        %parallel_loop3A_174 = arith.addi %parallel_loop3A_173, %iota3A : vector<16xi32>
        %parallel_loop3A_175 = tpu.vector_load_idx %arg6[%parallel_loop3A_174, %parallel_loop3A_151] : memref<64x64xf32, #tpu.memory_space<vmem>>[vector<16xi32>, vector<16xi32>], vector<16xf32>,
        %parallel_loop3A_176 = arith.addi %parallel_loop3A_156, %parallel_loop3A_174 : vector<16xi32>
        tpu.vector_store_idx %arg7[%parallel_loop3A_176], %parallel_loop3A_175 : memref<32768xf32, #tpu.memory_space<vmem>>[vector<16xi32>], vector<16xf32>,
      } {sc.loop_unroll_factor = 4 : i64, sc.parallel_access}
      %rem3A_118 = arith.constant 2 : i32
      %rem3A_119 = arith.remsi %add3A_20, %rem3A_118 : i32
      %mul3A_120 = arith.constant 16384 : i32
      %mul3A_121 = arith.muli %rem3A_119, %mul3A_120 : i32
      %rem3A_122 = arith.constant 2 : i32
      %rem3A_123 = arith.remsi %add3A_20, %rem3A_122 : i32
      %dma_start3A_124 = tpu.memref_slice %arg7[%mul3A_121] : memref<32768xf32, #tpu.memory_space<vmem>> -> memref<4096xf32, #tpu.memory_space<vmem>>
      %dma_start3A_125 = arith.constant 63995904 : i32
      %dma_start3A_126 = tpu.memref_slice %arg4[%dma_start3A_125] : memref<64000000xf32, #tpu.memory_space<hbm>> -> memref<4096xf32, #tpu.memory_space<hbm>>
      %dma_start3A_127 = tpu.memref_slice %arg9[%rem3A_123] : memref<2x!tpu.dma_semaphore, #tpu.memory_space<semaphore_mem>> -> memref<1x!tpu.dma_semaphore, #tpu.memory_space<semaphore_mem>>
      %dma_start3A_128 = tpu.memref_squeeze %dma_start3A_127 : memref<1x!tpu.dma_semaphore, #tpu.memory_space<semaphore_mem>> -> memref<!tpu.dma_semaphore, #tpu.memory_space<semaphore_mem>>
      %dma_start3A_129 = arith.constant 63995904 : i32
      %dma_start3A_130 = tpu.memref_slice %arg4[%dma_start3A_129] : memref<64000000xf32, #tpu.memory_space<hbm>> -> memref<4096xf32, #tpu.memory_space<hbm>>
      %dma_start3A_131 = tpu.memref_slice %arg7[%mul3A_121] : memref<32768xf32, #tpu.memory_space<vmem>> -> memref<4096xf32, #tpu.memory_space<vmem>>
      tpu.enqueue_dma source(%dma_start3A_131 : memref<4096xf32, #tpu.memory_space<vmem>>) target(%dma_start3A_130 : memref<4096xf32, #tpu.memory_space<hbm>>) target_semaphore(%dma_start3A_128 : memref<!tpu.dma_semaphore, #tpu.memory_space<semaphore_mem>>)
      %rem3A_132 = arith.constant 2 : i32
      %rem3A_133 = arith.remsi %add3A_20, %rem3A_132 : i32
      %mul3A_134 = arith.constant 16384 : i32
      %mul3A_135 = arith.muli %rem3A_133, %mul3A_134 : i32
      %rem3A_136 = arith.constant 2 : i32
      %rem3A_137 = arith.remsi %add3A_20, %rem3A_136 : i32
      %dma_wait3A_138 = tpu.memref_slice %arg7[%mul3A_135] : memref<32768xf32, #tpu.memory_space<vmem>> -> memref<4096xf32, #tpu.memory_space<vmem>>
      %dma_wait3A_139 = arith.constant 0 : i32
      %dma_wait3A_140 = tpu.memref_slice %arg4[%dma_wait3A_139] : memref<64000000xf32, #tpu.memory_space<hbm>> -> memref<4096xf32, #tpu.memory_space<hbm>>
      %dma_wait3A_141 = tpu.memref_slice %arg9[%rem3A_137] : memref<2x!tpu.dma_semaphore, #tpu.memory_space<semaphore_mem>> -> memref<1x!tpu.dma_semaphore, #tpu.memory_space<semaphore_mem>>
      %dma_wait3A_142 = tpu.memref_squeeze %dma_wait3A_141 : memref<1x!tpu.dma_semaphore, #tpu.memory_space<semaphore_mem>> -> memref<!tpu.dma_semaphore, #tpu.memory_space<semaphore_mem>>
      %dma_wait3A_143 = arith.constant 0 : i32
      %dma_wait3A_144 = tpu.memref_slice %arg4[%dma_wait3A_143] : memref<64000000xf32, #tpu.memory_space<hbm>> -> memref<4096xf32, #tpu.memory_space<hbm>>
      %dma_wait3A_145 = tpu.memref_slice %arg7[%mul3A_135] : memref<32768xf32, #tpu.memory_space<vmem>> -> memref<4096xf32, #tpu.memory_space<vmem>>
      tpu.wait_dma2 semaphore(%dma_wait3A_142 : memref<!tpu.dma_semaphore, #tpu.memory_space<semaphore_mem>>) src(%dma_wait3A_145 : memref<4096xf32, #tpu.memory_space<vmem>>) dst(%dma_wait3A_144 : memref<4096xf32, #tpu.memory_space<hbm>>)
    } else {
    }
    %ne3A_82 = arith.constant 0 : i32
    %ne3A_83 = arith.cmpi ne, %add3A, %ne3A_82 : i32
    %convert_element_type3A_84 = arith.extui %ne3A_83 : i1 to i32
    %cond3A_85 = arith.constant 0 : i32
    %cond3A_86 = arith.cmpi ne, %convert_element_type3A_84, %cond3A_85 : i32
    scf.if %cond3A_86 {
      %rem3A_100 = arith.constant 2 : i32
      %rem3A_101 = arith.remsi %add3A_20, %rem3A_100 : i32
      %mul3A_102 = arith.constant 16384 : i32
      %mul3A_103 = arith.muli %rem3A_101, %mul3A_102 : i32
      %dma_wait3A_104 = tpu.memref_slice %arg7[%mul3A_103] : memref<32768xf32, #tpu.memory_space<vmem>> -> memref<16384xf32, #tpu.memory_space<vmem>>
      %dma_wait3A_105 = arith.constant 0 : i32
      %dma_wait3A_106 = tpu.memref_slice %arg4[%dma_wait3A_105] : memref<64000000xf32, #tpu.memory_space<hbm>> -> memref<16384xf32, #tpu.memory_space<hbm>>
      %dma_wait3A_107 = tpu.memref_slice %arg9[%rem3A_101] : memref<2x!tpu.dma_semaphore, #tpu.memory_space<semaphore_mem>> -> memref<1x!tpu.dma_semaphore, #tpu.memory_space<semaphore_mem>>
      %dma_wait3A_108 = tpu.memref_squeeze %dma_wait3A_107 : memref<1x!tpu.dma_semaphore, #tpu.memory_space<semaphore_mem>> -> memref<!tpu.dma_semaphore, #tpu.memory_space<semaphore_mem>>
      %dma_wait3A_109 = arith.constant 0 : i32
      %dma_wait3A_110 = tpu.memref_slice %arg4[%dma_wait3A_109] : memref<64000000xf32, #tpu.memory_space<hbm>> -> memref<16384xf32, #tpu.memory_space<hbm>>
      %dma_wait3A_111 = tpu.memref_slice %arg7[%mul3A_103] : memref<32768xf32, #tpu.memory_space<vmem>> -> memref<16384xf32, #tpu.memory_space<vmem>>
      tpu.wait_dma2 semaphore(%dma_wait3A_108 : memref<!tpu.dma_semaphore, #tpu.memory_space<semaphore_mem>>) src(%dma_wait3A_111 : memref<16384xf32, #tpu.memory_space<vmem>>) dst(%dma_wait3A_110 : memref<16384xf32, #tpu.memory_space<hbm>>)
    } else {
    }
    %add3A_87 = arith.constant 1 : i32
    %add3A_88 = arith.addi %add3A_20, %add3A_87 : i32
    %rem3A_89 = arith.constant 2 : i32
    %rem3A_90 = arith.remsi %add3A_88, %rem3A_89 : i32
    %mul3A_91 = arith.constant 16384 : i32
    %mul3A_92 = arith.muli %rem3A_90, %mul3A_91 : i32
    %dma_wait3A = tpu.memref_slice %arg7[%mul3A_92] : memref<32768xf32, #tpu.memory_space<vmem>> -> memref<16384xf32, #tpu.memory_space<vmem>>
    %dma_wait3A_93 = arith.constant 0 : i32
    %dma_wait3A_94 = tpu.memref_slice %arg4[%dma_wait3A_93] : memref<64000000xf32, #tpu.memory_space<hbm>> -> memref<16384xf32, #tpu.memory_space<hbm>>
    %dma_wait3A_95 = tpu.memref_slice %arg9[%rem3A_90] : memref<2x!tpu.dma_semaphore, #tpu.memory_space<semaphore_mem>> -> memref<1x!tpu.dma_semaphore, #tpu.memory_space<semaphore_mem>>
    %dma_wait3A_96 = tpu.memref_squeeze %dma_wait3A_95 : memref<1x!tpu.dma_semaphore, #tpu.memory_space<semaphore_mem>> -> memref<!tpu.dma_semaphore, #tpu.memory_space<semaphore_mem>>
    %dma_wait3A_97 = arith.constant 0 : i32
    %dma_wait3A_98 = tpu.memref_slice %arg4[%dma_wait3A_97] : memref<64000000xf32, #tpu.memory_space<hbm>> -> memref<16384xf32, #tpu.memory_space<hbm>>
    %dma_wait3A_99 = tpu.memref_slice %arg7[%mul3A_92] : memref<32768xf32, #tpu.memory_space<vmem>> -> memref<16384xf32, #tpu.memory_space<vmem>>
    tpu.wait_dma2 semaphore(%dma_wait3A_96 : memref<!tpu.dma_semaphore, #tpu.memory_space<semaphore_mem>>) src(%dma_wait3A_99 : memref<16384xf32, #tpu.memory_space<vmem>>) dst(%dma_wait3A_98 : memref<16384xf32, #tpu.memory_space<hbm>>)
    return
  }
}

</mosaic_0001>

<sc_bundles>
// kernel: kernel.4.cloned.1.call-start
scs
__scs_entry_jumppad:
0x0: {  	(pc) =	sbr.rel $0x88, $3  }
0x1: {  	(tag) =	ssettag $0x0;
	lr =	simm.s32 $0x1  }
0x2: {  	[smem:$0x3F9F] =	sst lr;
	_ =	strace $0xD0000000  }
0x3: {  	_ = 	snop  }
0x4: {  	_ = 	snop  }
0x5: {  	_ = 	snop  }
0x6: {  	_ = 	snop  }
0x7: {  	_ = 	snop  }
__scs_overlays_trampoline_lowered:
0x8: {  	[smem:$0x3FAE] =	sst s0  }
0x9: {  	[smem:$0x3FAF] =	sst s1  }
0xa: {  	[smem:$0x3FB0] =	sst s2  }
0xb: {  	[smem:$0x3FB1] =	sst s3  }
0xc: {  	[smem:$0x3FB2] =	sst s4  }
0xd: {  	[smem:$0x3FB3] =	sst s5  }
0xe: {  	[smem:$0x3FB4] =	sst s6  }
0xf: {  	[smem:$0x3FB5] =	sst s7  }
0x10: {  	[smem:$0x3FB6] =	sst s8  }
0x11: {  	[smem:$0x3FB7] =	sst s9;
	s0 =	simm.s32 @!p0 $0x0  }
0x12: {  	s1 =	sld [smem:$0x3F9D];
	s0 =	simm.s32 @p0 $0x1  }
0x13: {  	[smem:$0x3FB8] =	sst s0;
	s0 =	simm.s32 @!p1 $0x0  }
0x14: {  	s2 =	sld [smem:$0x3F9C];
	s0 =	simm.s32 @p1 $0x1  }
0x15: {  	[smem:$0x3FB9] =	sst s0;
	s0 =	simm.s32 @!p2 $0x0  }
0x16: {  	s3 =	sld [smem:$0x3FDB];
	s0 =	simm.s32 @p2 $0x1  }
0x17: {  	s4 =	simm.s32 $0x1BF5;
	[smem:$0x3FBB] =	sst s0  }
0x18: {  	s0 =	sld [smem:$0x3F9E];
	_ =	swait.ge [sflag:s4], $0x0  }
0x19: {  	s7 =	sld [smem:$0x3F9F]  }
0x1a: {  	s8 =	sadd.s32 $0xFFFFE003, lr  }
0x1b: {  	s9 =	sadd.s32 $0xFFFFFEF7, lr;
	s5 =	simm.s32 $0xFFFFFFFF;
	p2 =	slt.u32 s8, $0xFFFFF086  }
0x1c: {  	p1 =	slt.u32 s9, $0xF7A;
	s5 =	simm.s32 @!p2 $0x0  }
0x1d: {  	s5 =	simm.s32 @p1 $0x1;
	p0 =	seq.s32 s7, s2  }
0x1e: {  	s7 =	smul.u32 @!p0 $0xF7A, s2;
	p2 =	seq.s32 @!p0 s5, $0x0  }
0x1f: {  	s9 =	smul.u32 $0xF7A, s1;
	s8 =	simm.s32 @!p0 $0x1BF5;
	p2 =	por !p2, p0  }
0x20: {  	[sflag:s8] =	ssyncset.s32 @!p0 $0xFFFFF086;
	s6 =	sadd.s32 @!p0 s3, s7;
	s7 =	simm.s32 @!p0 $0x108  }
0x21: {  	s3 =	sadd.s32 s3, s9;
	s6 =	sadd.s32 @!p0 $0x88, s6;
	s7 =	simm.s32 @p2 $0x1082  }
0x22: {  	[simem:s7], [sflag:s8] =	dma.local @!p0 [hbm:s6], $0xF7A  }
0x23: {  	s9 =	sor.u32 $0xD0000000, s2;
	s6 =	simm.s32 $0x108;
	_ =	swait.ge @!p0 [sflag:s8], $0x0  }
0x24: {  	s3 =	sadd.s32 $0x88, s3;
	s6 =	simm.s32 @!p1 $0x1082;
	[sflag:s4] =	ssyncset.s32 $0xFFFFF086  }
0x25: {  	[simem:s6], [sflag:s4] =	dma.local [hbm:s3], $0xF7A  }
0x26: {  	[smem:$0x3F9F] =	sst s1;
	(tag) =	ssettag s2;
	_ =	strace s9  }
0x27: {  	s1 =	sld [smem:$0x3FAF]  }
0x28: {  	s2 =	sld [smem:$0x3FB0]  }
0x29: {  	s4 =	sld [smem:$0x3FB2]  }
0x2a: {  	p0 =	seq.s32 s5, $0x0;
	s5 =	sld [smem:$0x3FB3]  }
0x2b: {  	s6 =	sld [smem:$0x3FB4]  }
0x2c: {  	s7 =	sld [smem:$0x3FB5]  }
0x2d: {  	s3 =	simm.s32 $0x108;
	s8 =	sld [smem:$0x3FB6]  }
0x2e: {  	s3 =	simm.s32 @!p0 $0x1082;
	s9 =	sld [smem:$0x3FB7]  }
0x2f: {  	lr =	sadd.s32 s0, s3;
	s0 =	sld [smem:$0x3FAE]  }
0x30: {  	s3 =	sld [smem:$0x3FB1]  }
0x31: {  	[smem:$0x3FBA] =	sst s10  }
0x32: {  	s10 =	sld [smem:$0x3FB8];
	_ =	sdelay $0x3  }
0x33: {  	p0 =	seq.s32 s10, $0x1;
	s10 =	sld [smem:$0x3FBA];
	_ =	sdelay $0x3  }
0x34: {  	[smem:$0x3FBA] =	sst s10  }
0x35: {  	s10 =	sld [smem:$0x3FB9];
	_ =	sdelay $0x3  }
0x36: {  	p1 =	seq.s32 s10, $0x1;
	s10 =	sld [smem:$0x3FBA];
	_ =	sdelay $0x3  }
0x37: {  	[smem:$0x3FBA] =	sst s10  }
0x38: {  	s10 =	sld [smem:$0x3FBB]  }
0x39: {  	_ = 	snop;
	(pc) =	sbr.ind lr, $3  }
0x3a: {  	_ = 	snop  }
0x3b: {  	_ = 	snop  }
0x3c: {  	p2 =	seq.s32 s10, $0x1;
	s10 =	sld [smem:$0x3FBA]  }
0x3d: {  	_ =	shalt  }
0x3e: {  	_ =	shalt  }
0x3f: {  	_ =	shalt  }
0x40: {  	_ =	shalt  }
0x41: {  	_ =	shalt  }
0x42: {  	_ =	shalt  }
0x43: {  	_ =	shalt  }
0x44: {  	_ =	shalt  }
0x45: {  	_ =	shalt  }
0x46: {  	_ =	shalt  }
0x47: {  	_ =	shalt  }
0x48: {  	_ =	shalt  }
0x49: {  	_ =	shalt  }
0x4a: {  	_ =	shalt  }
0x4b: {  	_ =	shalt  }
0x4c: {  	_ =	shalt  }
0x4d: {  	_ =	shalt  }
0x4e: {  	_ =	shalt  }
0x4f: {  	_ =	shalt  }
0x50: {  	_ =	shalt  }
0x51: {  	_ =	shalt  }
0x52: {  	_ =	shalt  }
0x53: {  	_ =	shalt  }
0x54: {  	_ =	shalt  }
0x55: {  	_ =	shalt  }
0x56: {  	_ =	shalt  }
0x57: {  	_ =	shalt  }
0x58: {  	_ =	shalt  }
0x59: {  	_ =	shalt  }
0x5a: {  	_ =	shalt  }
0x5b: {  	_ =	shalt  }
0x5c: {  	_ =	shalt  }
0x5d: {  	_ =	shalt  }
0x5e: {  	_ =	shalt  }
0x5f: {  	_ =	shalt  }
0x60: {  	_ =	shalt  }
0x61: {  	_ =	shalt  }
0x62: {  	_ =	shalt  }
0x63: {  	_ =	shalt  }
0x64: {  	_ =	shalt  }
0x65: {  	_ =	shalt  }
0x66: {  	_ =	shalt  }
0x67: {  	_ =	shalt  }
0x68: {  	_ =	shalt  }
0x69: {  	_ =	shalt  }
0x6a: {  	_ =	shalt  }
0x6b: {  	_ =	shalt  }
0x6c: {  	_ =	shalt  }
0x6d: {  	_ =	shalt  }
0x6e: {  	_ =	shalt  }
0x6f: {  	_ =	shalt  }
0x70: {  	_ =	shalt  }
0x71: {  	_ =	shalt  }
0x72: {  	_ =	shalt  }
0x73: {  	_ =	shalt  }
0x74: {  	_ =	shalt  }
0x75: {  	_ =	shalt  }
0x76: {  	_ =	shalt  }
0x77: {  	_ =	shalt  }
0x78: {  	_ =	shalt  }
0x79: {  	_ =	shalt  }
0x7a: {  	_ =	shalt  }
0x7b: {  	_ =	shalt  }
0x7c: {  	_ =	shalt  }
0x7d: {  	_ =	shalt  }
0x7e: {  	_ =	shalt  }
0x7f: {  	_ =	shalt  }
0x80: {  	_ =	shalt  }
0x81: {  	_ =	shalt  }
0x82: {  	_ =	shalt  }
0x83: {  	_ =	shalt  }
0x84: {  	_ =	shalt  }
0x85: {  	_ =	shalt  }
0x86: {  	_ =	shalt  }
0x87: {  	_ =	shalt  }
.Lfunc_end0:
.L_simem_size_0:
called_computation.1_lowered:
.L_overlay_start_0:
0x88: {  	s2 =	sld [smem:$0x3FD9]  }
0x89: {  	s3 =	sld [smem:$0x3FFE];
	_ =	sdelay $0x1  }
0x8a: {  	s1 =	srdreg.scid  }
0x8b: {  	s0 =	sand.u32 $0x1, s1  }
0x8c: {  	s17 =	sshll.u32 s0, $0xA;
	s2 =	sadd.s32 s3, s2  }
0x8d: {  	s2 =	sadd.s32 s2, s17  }
0x8e: {  	[smem:$0x3FC6] =	sst s2  }
0x8f: {  	_ = 	snop  }
0x90: {  	s2 =	sld [smem:$0x3FC8]  }
0x91: {  	s18 =	sld [smem:$0x3FD0];
	(tm) =	ssettm $0x1  }
0x92: {  	s4 =	sld [smem:$0x3FFB];
	_ =	sdelay $0x3  }
0x93: {  	_ =	strace s4  }
0x94: {  	s4 =	sld [smem:$0x3FFC];
	_ =	sdelay $0x3  }
0x95: {  	_ =	strace s4  }
0x96: {  	s4 =	sld [smem:$0x3FFD];
	_ =	sdelay $0x3  }
0x97: {  	_ =	strace s4  }
0x98: {  	_ =	strace $0x8FFFFFFF  }
0x99: {  	s19 =	sld [smem:$0x3FDB];
	_ =	sdelay $0x1  }
0x9a: {  	s5 =	simm.s32 $_scs_section_size  }
0x9b: {  	s6 =	simm.s32 $_size__tile_overlayer_lowered;
	s7 =	simm.s32 $_tile_overlayer_lowered  }
0x9c: {  	s22 =	simm.s32 $0x1BFF;
	s21 =	sshll.u32 s7, $0x1;
	s4 =	sadd.s32 s5, s19  }
0x9d: {  	s8 =	simm.s32 $0x0;
	s20 =	sshll.u32 s6, $0x1;
	s6 =	sadd.s32 s21, s4  }
0x9e: {  	[timem:s8], [sflag:s22] =	dma.local [hbm:s6], s20  }
0x9f: {  	_ =	swait.ge [sflag:s22], s20  }
0xa0: {  	s5 =	ssub.s32 $0x0, s20;
	[sflag:s22] =	ssyncset.done $0x0  }
0xa1: {  	[sflag:s22] =	ssyncadd.s32 s5;
	_ =	sdelay $0x1  }
0xa2: {  	s23 =	simm.s32 $0x1B8B  }
0xa3: {  	_ =	swait.ge [sflag:s23], $0x1  }
0xa4: {  	[sflag:s23] =	ssyncset.done $0x0  }
0xa5: {  	s25 =	simm.s32 $0x1B8E;
	s24 =	sld [smem:$0x3FFE];
	[sflag:s23] =	ssyncadd.s32 $0xFFFFFFFF  }
0xa6: {  	s26 =	simm.s32 $execute0_lowered;
	[smem:$0x3FD2] =	sst s25  }
0xa7: {  	s6 =	sshll.u32 s26, $0x1;
	_ =	strace $0x80000046;
	[dreg:$0x1] =	wrdreg $0xFFFFFFFF  }
0xa8: {  	s28 =	simm.s32 $_size_execute0_lowered;
	s4 =	sadd.s32 s4, s6;
	[dreg:$0x0] =	wrdreg $0x0  }
0xa9: {  	s6 =	sshll.u32 s28, $0x1;
	[dreg:$0x2] =	wrdreg s4  }
0xaa: {  	[dreg:$0x3] =	wrdreg s6  }
0xab: {  	[dreg:$0x4] =	wrdreg $0xC0  }
0xac: {  	_ =	task [dreg:s8], $0x5FFFF  }
0xad: {  	[dreg:$0x1] =	wrdreg $0xFFFFFFFF  }
0xae: {  	[dreg:$0x0] =	wrdreg $0x60  }
0xaf: {  	[dreg:$0x2] =	wrdreg s2  }
0xb0: {  	[dreg:$0x3] =	wrdreg s18  }
0xb1: {  	[dreg:$0x4] =	wrdreg s24  }
0xb2: {  	[dreg:$0x5] =	wrdreg $0x9  }
0xb3: {  	_ =	task.clear_ibuf [dreg:s8], $0x6FFFF;
	_ =	strace $0x90000046  }
0xb4: {  	s29 =	simm.s32 $0x9;
	_ =	strace $0x80000048  }
0xb5: {  	_ =	swait.ge [sflag:s29], $0x1  }
0xb6: {  	[sflag:s29] =	ssyncadd.s32 $0xFFFFFFFF  }
0xb7: {  	_ =	strace $0x90000048  }
0xb8: {  	_ =	sfence  }
0xb9: {  	s30 =	sld [smem:$0x0];
	_ =	sdelay $0x2  }
0xba: {  	s31 =	sshll.u32 s1, $0xD;
	s1 =	sshrl.u32 s1, $0x2  }
0xbb: {  	s3 =	sand.u32 $0x4000, s31;
	s1 =	sadd.s32 s1, s30  }
0xbc: {  	s0 =	sor.u32 s3, s0;
	s1 =	sshll.u32 s1, $0x11  }
0xbd: {  	s0 =	sor.u32 s1, s0  }
0xbe: {  	s0 =	sadd.s32 $0x8F2B, s0  }
0xbf: {  	[sflag:s0] =	ssyncadd.remote.s32 $0x1  }
0xc0: {  	_ =	sfence.sel $0xFFFF  }
0xc1: {  	[dreg:$0x0] =	wrdreg $0xFFFFFFFF;
	(pc) =	sbr.abs _section_cstart, $3  }
0xc2: {  	[dreg:$0x1] =	wrdreg $0xFFFFFFFF  }
0xc3: {  	_ =	task.clear_ibuf [dreg:s8], $0x2FFFF;
	_ =	strace $0x9FFFFFFF  }
0xc4: {  	(tm) =	ssettm $0x7FFFFFFF  }
0xc5: {  	_ =	shalt  }
tec
execute0_lowered:
.L_overlay_start_1:
0x0: {  	(tag) =	ssettag $0x1  }
0x1: {  	v0 =	vimm.s32 $0xB80  }
0x2: {  	vm14 =	vcmask $0x300;
	vm13 =	vcmask $0x704;
	vm12 =	vcmask $0xB08  }
0x3: {  	vm11 =	vcmask $0xF0C;
	vm10 =	vcmask $0x1310;
	vm9 =	vcmask $0x1714  }
0x4: {  	vm8 =	vcmask $0x1B18;
	vm7 =	vcmask $0x1F1C;
	vm6 =	vcmask $0x2320  }
0x5: {  	vm5 =	vcmask $0x2724;
	vm4 =	vcmask $0x2B28;
	vm3 =	vcmask $0x2F2C  }
0x6: {  	vm2 =	vcmask $0x3330;
	vm1 =	vcmask $0x3734;
	vm0 =	vcmask $0x3B38  }
0x7: {  	v2 =	vimm.s32 $0x1B80;
	v3 =	vimm.s32 $0x2B80;
	v4 =	vimm.s32 $0x3B80  }
0x8: {  	v0 =	vsel vm14, $0x0, v0;
	v2 =	vsel vm14, $0x1000, v2;
	v3 =	vsel vm14, $0x2000, v3  }
0x9: {  	v4 =	vsel vm14, $0x3000, v4;
	v0 =	vsel vm13, $0x80, v0;
	v2 =	vsel vm13, $0x1080, v2  }
0xa: {  	v3 =	vsel vm13, $0x2080, v3;
	v4 =	vsel vm13, $0x3080, v4;
	v0 =	vsel vm12, $0x100, v0  }
0xb: {  	v2 =	vsel vm12, $0x1100, v2;
	v3 =	vsel vm12, $0x2100, v3;
	v4 =	vsel vm12, $0x3100, v4  }
0xc: {  	v0 =	vsel vm11, $0x180, v0;
	v2 =	vsel vm11, $0x1180, v2;
	v3 =	vsel vm11, $0x2180, v3  }
0xd: {  	v4 =	vsel vm11, $0x3180, v4;
	v0 =	vsel vm10, $0x200, v0;
	v2 =	vsel vm10, $0x1200, v2  }
0xe: {  	s5 =	rddreg [dreg:$0x0];
	v3 =	vsel vm10, $0x2200, v3;
	v4 =	vsel vm10, $0x3200, v4;
	v0 =	vsel vm9, $0x280, v0  }
0xf: {  	s0 =	rddreg [dreg:$0x1];
	v2 =	vsel vm9, $0x1280, v2;
	v3 =	vsel vm9, $0x2280, v3;
	v4 =	vsel vm9, $0x3280, v4  }
0x10: {  	s9 =	rddreg [dreg:$0x2];
	v0 =	vsel vm8, $0x300, v0;
	v2 =	vsel vm8, $0x1300, v2;
	v3 =	vsel vm8, $0x2300, v3  }
0x11: {  	s1 =	rddreg [dreg:$0x3];
	v4 =	vsel vm8, $0x3300, v4;
	v0 =	vsel vm7, $0x380, v0;
	v2 =	vsel vm7, $0x1380, v2  }
0x12: {  	s4 =	srdreg.scid;
	s2 =	stileid.u32;
	v3 =	vsel vm7, $0x2380, v3;
	v4 =	vsel vm7, $0x3380, v4;
	v0 =	vsel vm6, $0x800, v0  }
0x13: {  	s3 =	simm.s32 $0x0;
	s12 =	simm.s32 $0x800;
	s13 =	simm.s32 $0x7A1400;
	v2 =	vsel vm6, $0x1800, v2;
	v3 =	vsel vm6, $0x2800, v3;
	v4 =	vsel vm6, $0x3800, v4  }
0x14: {  	s14 =	simm.s32 $0x1;
	s15 =	simm.s32 $0x4000;
	s16 =	simm.s32 $0xA000;
	v0 =	vsel vm5, $0x880, v0;
	v2 =	vsel vm5, $0x1880, v2;
	v3 =	vsel vm5, $0x2880, v3  }
0x15: {  	s17 =	simm.s32 $0x2;
	s18 =	simm.s32 $0xE000;
	s21 =	simm.s32 $0x5;
	v4 =	vsel vm5, $0x3880, v4;
	v0 =	vsel vm4, $0x900, v0;
	v2 =	vsel vm4, $0x1900, v2  }
0x16: {  	s22 =	simm.s32 $0x0;
	s4 =	sand.u32 $0x1, s4;
	s6 =	sshll.u32 s2, $0x1;
	v3 =	vsel vm4, $0x2900, v3;
	v4 =	vsel vm4, $0x3900, v4;
	v0 =	vsel vm3, $0x980, v0  }
0x17: {  	s30 =	simm.s32 $0x1;
	[smem:$0x7FF] =	sst s3;
	s20 =	sor.u32 s4, s6;
	v2 =	vsel vm3, $0x1980, v2;
	v3 =	vsel vm3, $0x2980, v3;
	v4 =	vsel vm3, $0x3980, v4  }
0x18: {  	_ =	strace $0x80000047;
	s7 =	ssub.s32 $0x2, s4;
	s6 =	sshll.u32 s20, $0xB;
	v0 =	vsel vm2, $0xA00, v0;
	v2 =	vsel vm2, $0x1A00, v2;
	v5 =	vsel vm2, $0x2A00, v3  }
0x19: {  	s28 =	ssub.s32 $0xF41, s20;
	s8 =	sshrl.u32 s7, $0x1;
	s10 =	sshll.u32 s20, $0x8;
	v4 =	vsel vm2, $0x3A00, v4;
	v1 =	vsel vm1, $0xA80, v0;
	v0 =	vlaneseq.u32  }
0x1a: {  	p1 =	sne.s32 s20, $0x0;
	s20 =	simm.s32 $0x8000;
	s6 =	sadd.s32 s6, s9;
	v2 =	vsel vm1, $0x1A80, v2;
	v5 =	vsel vm1, $0x2A80, v5;
	v6 =	vsel vm1, $0x3A80, v4  }
.Ltmp0:
0x1b: {  	s4 =	sshrl.u32 s28, $0x5;
	s11 =	ssub.s32 s7, s8;
	v1 =	vsel vm0, $0xB00, v1;
	v2 =	vsel vm0, $0x1B00, v2;
	v3 =	vor.u32 $0x10, v0;
	(pc) =	sbr.rel .LBB2_1-.Ltmp0, $4  }
0x1c: {  	s5 =	sadd.s32 s5, s10;
	s9 =	sadd.s32 $0x7A1E00, s9;
	s19 =	sand.u32 $0x1, s4;
	v4 =	vsel vm0, $0x2B00, v5;
	v5 =	vor.u32 $0x20, v0;
	v6 =	vsel vm0, $0x3B00, v6  }
0x1d: {  	s6 =	sadd.s32 $0xE00, s6;
	s31 =	sshll.u32 s4, $0x10;
	s11 =	smax.u32 s11, $0x1;
	v7 =	vor.u32 $0x30, v0;
	v8 =	vor.u32 $0x4000, v0;
	v9 =	vmul.u32 $0x80, v0  }
0x1e: {  	s29 =	sxor.u32 $0x1, s19;
	s7 =	sadd.s32 s31, s6;
	s10 =	sadd.s32 $0x3, s19;
	v10 =	vor.u32 $0x4010, v0;
	v11 =	vor.u32 $0x4020, v0;
	v12 =	vor.u32 $0x4030, v0  }
0x1f: {  	p0 =	sne.s32 s19, $0x0;
	s19 =	simm.s32 $0x3;
	s8 =	sadd.s32 $0x3, s29;
	v13 =	vor.u32 $0x800, v9;
	v14 =	vor.u32 $0x1000, v9;
	v15 =	vor.u32 $0x1800, v9  }
.LBB2_11:
.Ltmp1:
0x20: {  	(pc) =	sbr.rel @!p1 .LBB2_12-.Ltmp1, $1  }
0x21: {  	_ =	sdelay $0x3  }
0x22: {  	_ =	swait.ge [sflag:s8], $0x4000  }
0x23: {  	[sflag:s8] =	ssyncset.done $0x0  }
0x24: {  	[sflag:s8] =	ssyncadd.s32 $0xFFFFC000  }
.LBB2_16:
0x25: {  	s22 =	sadd.s32 $0x1, s22  }
0x26: {  	p2 =	sne.s32 s22, s11  }
.Ltmp2:
0x27: {  	_ = 	snop;
	(pc) =	sbr.rel @!p2 .LBB2_17-.Ltmp2, $4  }
0x28: {  	_ = 	snop  }
0x29: {  	_ =	swait.ge [sflag:s10], $0x4000  }
0x2a: {  	[sflag:s10] =	ssyncset.done $0x0  }
0x2b: {  	[sflag:s10] =	ssyncadd.s32 $0xFFFFC000  }
.LBB2_1:
0x2c: {  	[tilespmem:s3], [sflag:$0x1] =	stream.strided.gather [hbm4b:s5+s12], $0x4000, s13, s12, $0x38;
	[tilespmem:$0x12000] =	vst v63  }
0x2d: {  	s23 =	simm.s32 $0x0  }
.LBB2_2:
0x2e: {  	s25 =	simm.s32 $0x0;
	s31 =	simm.s32 $0x3;
	s29 =	simm.s32 $0x2  }
0x2f: {  	v16 =	vadd.s32 s25, v0;
	v20 =	vadd.s32 s31, v0;
	v22 =	vadd.s32 s29, v0;
	s31 =	simm.s32 $0x1  }
0x30: {  	v17 =	vshll.u32 v16, $0x3;
	v18 =	vand.u32 $0x7F, v16;
	v23 =	vadd.s32 s31, v0  }
0x31: {  	v19 =	vshll.u32 v20, $0x3;
	v17 =	vand.u32 $0x400, v17;
	v26 =	vshll.u32 v23, $0x3  }
0x32: {  	_ =	swait.ge [sflag:s14], $0x4000;
	s24 =	sshllo.u32 s23, $0x1;
	v25 =	vor.u32 v18, v17;
	v17 =	vand.u32 $0x7F, v20;
	v18 =	vand.u32 $0x400, v19  }
0x33: {  	p2 =	seq.s32 s23, $0x0;
	[sflag:s14] =	ssyncset.done $0x0;
	s26 =	sshll.u32 s24, $0xD;
	v20 =	vand.u32 $0xFF, v20;
	v21 =	vor.u32 v1, v25;
	v27 =	vor.u32 v17, v18  }
0x34: {  	s25 =	simm.s32 @!p2 $0x3;
	[sflag:s14] =	ssyncadd.s32 $0xFFFFC000;
	s26 =	sadd.s32 s26, s5;
	v17 =	vshll.u32 v22, $0x3;
	v18 =	vand.u32 $0x7F, v22;
	v31 =	vor.u32 v2, v25  }
0x35: {  	[tilespmem:s15], [sflag:$0x2] =	stream.strided.gather [hbm4b:s26+s12], $0x4000, s13, s12, $0x38;
	v17 =	vand.u32 $0x400, v17;
	v24 =	vor.u32 v1, v27;
	v33 =	vor.u32 v2, v27;
	[tilespmem:$0x12000] =	vst v63  }
0x36: {  	_ =	swait.ge @!p2 [sflag:s25], $0x4000;
	v19 =	vor.u32 v18, v17;
	v17 =	vand.u32 $0x7F, v23;
	v18 =	vand.u32 $0x400, v26  }
0x37: {  	[sflag:s25] =	ssyncset.done @!p2 $0x0;
	v26 =	vshll.u32 v16, $0x6;
	v18 =	vor.u32 v17, v18;
	v16 =	vor.u32 v1, v19  }
0x38: {  	[sflag:s25] =	ssyncadd.s32 @!p2 $0xFFFFC000;
	v62 =	vor.u32 v4, v27;
	v17 =	vor.u32 v0, v26;
	v28 =	vor.u32 v1, v18  }
0x39: {  	v27 =	vor.u32 v6, v27;
	v23 =	vand.u32 $0xFF, v23;
	v30 =	vand.u32 $0x3FCF, v17;
	v29 =	vld.idx.msk [tilespmem:v21+s3+$0x0], $0xffff  }
0x3a: {  	v36 =	vor.u32 v2, v19;
	v17 =	vand.u32 $0xFF, v22;
	v21 =	vshll.u32 v20, $0x6  }
0x3b: {  	v38 =	vor.u32 v7, v26;
	v17 =	vshll.u32 v17, $0x6;
	v22 =	vld.idx.msk [tilespmem:v24+s3+$0x0], $0xffff;
	v24 =	vor.u32 v0, v21  }
0x3c: {  	s26 =	simm.s32 $0x4;
	v42 =	vor.u32 v4, v19;
	v32 =	vld.idx.msk [tilespmem:v16+s3+$0x0], $0xffff;
	v16 =	vshll.u32 v23, $0x6;
	v23 =	vor.u32 v0, v17  }
0x3d: {  	v37 =	vor.u32 v2, v18;
	v20 =	vadd.s32 s26, v0;
	v28 =	vld.idx.msk [tilespmem:v28+s3+$0x0], $0xffff;
	v35 =	vor.u32 v0, v16  }
0x3e: {  	v34 =	vand.u32 $0x7F, v20;
	[tilespmem:v30+s16+$0x0] =	vst.idx.msk $0xffff, v29;
	v29 =	vshll.u32 v20, $0x3;
	v30 =	vor.u32 v3, v26  }
0x3f: {  	v60 =	vor.u32 v3, v21;
	v31 =	vld.idx.msk [tilespmem:v31+s3+$0x0], $0xffff;
	v29 =	vand.u32 $0x400, v29;
	v30 =	vand.u32 $0x3FDF, v30  }
0x40: {  	[tilespmem:v24+s16+$0x0] =	vst.idx.msk $0xffff, v22;
	v24 =	vor.u32 v4, v25;
	v22 =	vor.u32 v34, v29  }
0x41: {  	v61 =	vor.u32 v3, v17;
	v58 =	vld.idx.msk [tilespmem:v33+s3+$0x0], $0xffff;
	v29 =	vor.u32 v1, v22;
	[tilespmem:v23+s16+$0x0] =	vst.idx.msk $0xffff, v32  }
0x42: {  	v20 =	vshll.u32 v20, $0x6;
	v26 =	vor.u32 v5, v26;
	[tilespmem:v35+s16+$0x0] =	vst.idx.msk $0xffff, v28;
	v59 =	vld.idx.msk [tilespmem:v36+s3+$0x0], $0xffff  }
0x43: {  	s29 =	simm.s32 $0x7;
	v41 =	vor.u32 v3, v16;
	v39 =	vor.u32 v0, v20;
	v33 =	vand.u32 $0x3FEF, v26;
	v40 =	vld.idx.msk [tilespmem:v37+s3+$0x0], $0xffff  }
0x44: {  	v26 =	vor.u32 v6, v25;
	v32 =	vor.u32 v4, v18;
	v28 =	vadd.s32 s29, v0;
	[tilespmem:v30+s16+$0x0] =	vst.idx.msk $0xffff, v31  }
0x45: {  	s31 =	simm.s32 $0x6;
	v34 =	vor.u32 v5, v21;
	v23 =	vand.u32 $0x3FFF, v38;
	v30 =	vshll.u32 v28, $0x3;
	v31 =	vld.idx.msk [tilespmem:v24+s3+$0x0], $0xffff  }
0x46: {  	v43 =	vand.u32 $0x400, v30;
	v30 =	vadd.s32 s31, v0;
	[tilespmem:v60+s16+$0x0] =	vst.idx.msk $0xffff, v58;
	v24 =	vld.idx.msk [tilespmem:v29+s3+$0x0], $0xffff;
	v29 =	vand.u32 $0x7F, v28  }
0x47: {  	v63 =	vshll.u32 v30, $0x3;
	v36 =	vld.idx.msk [tilespmem:v62+s3+$0x0], $0xffff;
	v38 =	vand.u32 $0x7F, v30;
	v25 =	vor.u32 v29, v43;
	[tilespmem:v61+s16+$0x0] =	vst.idx.msk $0xffff, v59  }
0x48: {  	s28 =	simm.s32 $0x5;
	s25 =	sshll.u32 s23, $0x1;
	s26 =	simm.s32 $0x8;
	v29 =	vand.u32 $0x3FCF, v39;
	v39 =	vand.u32 $0x400, v63;
	v37 =	vor.u32 v1, v25;
	[tilespmem:v41+s16+$0x0] =	vst.idx.msk $0xffff, v40;
	v35 =	vld.idx.msk [tilespmem:v42+s3+$0x0], $0xffff  }
.LBB2_3:
0x49: {  	p3 =	slt.u32 s26, $0xFC;
	v40 =	vadd.s32 s28, v0;
	v38 =	vor.u32 v38, v39;
	v32 =	vld.idx.msk [tilespmem:v32+s3+$0x0], $0xffff;
	v39 =	vor.u32 v5, v17;
	v41 =	vmovc v25  }
0x4a: {  	v25 =	vshll.u32 v40, $0x3;
	[tilespmem:v33+s16+$0x0] =	vst.idx.msk $0xffff, v31;
	v31 =	vor.u32 v5, v16;
	v33 =	vor.u32 v6, v19  }
0x4b: {  	v43 =	vor.u32 v6, v18;
	v42 =	vand.u32 $0x7F, v40;
	v19 =	vmovc v38;
	v25 =	vand.u32 $0x400, v25;
	v26 =	vld.idx.msk [tilespmem:v26+s3+$0x0], $0xffff  }
0x4c: {  	v28 =	vand.u32 $0xFF, v28;
	v18 =	vor.u32 v42, v25;
	v25 =	vor.u32 v1, v19  }
0x4d: {  	v28 =	vshll.u32 v28, $0x6;
	v38 =	vor.u32 v1, v18;
	v37 =	vld.idx.msk [tilespmem:v37+s3+$0x0], $0xffff;
	[tilespmem:v34+s16+$0x0] =	vst.idx.msk $0xffff, v36  }
0x4e: {  	v34 =	vadd.s32 s26, v0;
	v36 =	vor.u32 v0, v28;
	[tilespmem:v39+s16+$0x0] =	vst.idx.msk $0xffff, v35;
	v27 =	vld.idx.msk [tilespmem:v27+s3+$0x0], $0xffff  }
0x4f: {  	v35 =	vor.u32 v2, v22;
	[tilespmem:v31+s16+$0x0] =	vst.idx.msk $0xffff, v32;
	v31 =	vld.idx.msk [tilespmem:v33+s3+$0x0], $0xffff;
	v32 =	vor.u32 v7, v21  }
0x50: {  	v39 =	vand.u32 $0xFF, v30;
	v33 =	vand.u32 $0x7F, v34;
	[tilespmem:v29+s16+$0x0] =	vst.idx.msk $0xffff, v24;
	v24 =	vld.idx.msk [tilespmem:v43+s3+$0x0], $0xffff;
	v29 =	vor.u32 v7, v17  }
0x51: {  	v30 =	vand.u32 $0xFF, v40;
	v17 =	vshll.u32 v39, $0x6;
	v25 =	vld.idx.msk [tilespmem:v25+s3+$0x0], $0xffff;
	[tilespmem:v23+s16+$0x0] =	vst.idx.msk $0xffff, v26;
	v23 =	vor.u32 v7, v16  }
0x52: {  	v21 =	vmovc v28;
	v16 =	vshll.u32 v30, $0x6;
	v30 =	vor.u32 v0, v17;
	v26 =	vld.idx.msk [tilespmem:v38+s3+$0x0], $0xffff;
	v38 =	vor.u32 v2, v41  }
0x53: {  	v40 =	vor.u32 v2, v19;
	v28 =	vshll.u32 v34, $0x3;
	v39 =	vor.u32 v0, v16;
	[tilespmem:v36+s16+$0x0] =	vst.idx.msk $0xffff, v37  }
0x54: {  	v36 =	vor.u32 v3, v20;
	v37 =	vor.u32 v2, v18;
	v35 =	vld.idx.msk [tilespmem:v35+s3+$0x0], $0xffff;
	[tilespmem:v32+s16+$0x0] =	vst.idx.msk $0xffff, v27  }
0x55: {  	v27 =	vand.u32 $0x400, v28;
	v32 =	vand.u32 $0x3FDF, v36;
	v28 =	vor.u32 v7, v20;
	[tilespmem:v29+s16+$0x0] =	vst.idx.msk $0xffff, v31  }
0x56: {  	v29 =	vshll.u32 v34, $0x6;
	v27 =	vor.u32 v33, v27;
	v31 =	vor.u32 v4, v22;
	[tilespmem:v23+s16+$0x0] =	vst.idx.msk $0xffff, v24  }
0x57: {  	v33 =	vor.u32 v5, v20;
	v24 =	vor.u32 v1, v27;
	[tilespmem:v30+s16+$0x0] =	vst.idx.msk $0xffff, v25;
	v34 =	vld.idx.msk [tilespmem:v38+s3+$0x0], $0xffff  }
0x58: {  	v36 =	vor.u32 v0, v29;
	[tilespmem:v39+s16+$0x0] =	vst.idx.msk $0xffff, v26;
	v38 =	vld.idx.msk [tilespmem:v40+s3+$0x0], $0xffff;
	v39 =	vor.u32 v3, v21  }
0x59: {  	s28 =	sadd.s32 $0x3, s26;
	v42 =	vor.u32 v4, v41;
	v23 =	vand.u32 $0x3FFF, v28;
	v20 =	vmovc v29;
	v40 =	vld.idx.msk [tilespmem:v37+s3+$0x0], $0xffff;
	v37 =	vor.u32 v3, v17  }
0x5a: {  	v43 =	vor.u32 v4, v19;
	v28 =	vadd.s32 s28, v0;
	[tilespmem:v32+s16+$0x0] =	vst.idx.msk $0xffff, v35;
	v35 =	vor.u32 v3, v16  }
.Ltmp3:
0x5b: {  	v33 =	vand.u32 $0x3FEF, v33;
	v25 =	vshll.u32 v28, $0x3;
	v32 =	vor.u32 v4, v18;
	v31 =	vld.idx.msk [tilespmem:v31+s3+$0x0], $0xffff;
	(pc) =	sbr.rel @p3 .LBB2_3-.Ltmp3, $4  }
0x5c: {  	s28 =	sadd.s32 $0x2, s26;
	v29 =	vand.u32 $0x7F, v28;
	v25 =	vand.u32 $0x400, v25;
	v26 =	vor.u32 v6, v22;
	v22 =	vmovc v27;
	v24 =	vld.idx.msk [tilespmem:v24+s3+$0x0], $0xffff  }
0x5d: {  	v30 =	vadd.s32 s28, v0;
	v25 =	vor.u32 v29, v25;
	[tilespmem:v39+s16+$0x0] =	vst.idx.msk $0xffff, v34;
	v34 =	vor.u32 v5, v21  }
0x5e: {  	v27 =	vor.u32 v6, v41;
	v29 =	vand.u32 $0x3FCF, v36;
	v39 =	vshll.u32 v30, $0x3;
	[tilespmem:v37+s16+$0x0] =	vst.idx.msk $0xffff, v38;
	v36 =	vld.idx.msk [tilespmem:v42+s3+$0x0], $0xffff  }
0x5f: {  	s28 =	sadd.s32 $0x1, s26;
	s26 =	sadd.s32 $0x4, s26;
	v38 =	vand.u32 $0x7F, v30;
	v39 =	vand.u32 $0x400, v39;
	v37 =	vor.u32 v1, v25;
	[tilespmem:v35+s16+$0x0] =	vst.idx.msk $0xffff, v40;
	v35 =	vld.idx.msk [tilespmem:v43+s3+$0x0], $0xffff  }
0x60: {  	v40 =	vadd.s32 s28, v0  }
0x61: {  	v41 =	vshll.u32 v40, $0x3  }
0x62: {  	v38 =	vor.u32 v38, v39;
	v50 =	vand.u32 $0x7F, v40;
	v41 =	vand.u32 $0x400, v41  }
0x63: {  	v51 =	vor.u32 v1, v38;
	v39 =	vor.u32 v50, v41  }
0x64: {  	v42 =	vor.u32 v1, v39  }
0x65: {  	v28 =	vand.u32 $0xFF, v28  }
0x66: {  	v30 =	vand.u32 $0xFF, v30;
	v44 =	vor.u32 v2, v22;
	v28 =	vshll.u32 v28, $0x6  }
0x67: {  	v37 =	vld.idx.msk [tilespmem:v37+s3+$0x0], $0xffff;
	v40 =	vand.u32 $0xFF, v40;
	v30 =	vshll.u32 v30, $0x6;
	v43 =	vor.u32 v0, v28  }
0x68: {  	v46 =	vor.u32 v2, v25;
	v40 =	vshll.u32 v40, $0x6;
	v45 =	vor.u32 v0, v30;
	v41 =	vld.idx.msk [tilespmem:v51+s3+$0x0], $0xffff  }
0x69: {  	[tilespmem:v33+s16+$0x0] =	vst.idx.msk $0xffff, v31;
	v53 =	vor.u32 v2, v38;
	v52 =	vor.u32 v0, v40;
	v31 =	vld.idx.msk [tilespmem:v42+s3+$0x0], $0xffff  }
0x6a: {  	v54 =	vor.u32 v5, v17;
	[tilespmem:v29+s16+$0x0] =	vst.idx.msk $0xffff, v24;
	v55 =	vor.u32 v2, v39  }
0x6b: {  	v32 =	vld.idx.msk [tilespmem:v32+s3+$0x0], $0xffff;
	v24 =	vor.u32 v5, v16;
	v29 =	vor.u32 v3, v20;
	[tilespmem:v34+s16+$0x0] =	vst.idx.msk $0xffff, v36  }
0x6c: {  	v29 =	vand.u32 $0x3FDF, v29;
	v56 =	vld.idx.msk [tilespmem:v44+s3+$0x0], $0xffff;
	[tilespmem:v43+s16+$0x0] =	vst.idx.msk $0xffff, v37  }
0x6d: {  	v19 =	vor.u32 v6, v19;
	v58 =	vor.u32 v3, v28;
	v43 =	vld.idx.msk [tilespmem:v46+s3+$0x0], $0xffff;
	[tilespmem:v45+s16+$0x0] =	vst.idx.msk $0xffff, v41  }
0x6e: {  	v57 =	vor.u32 v4, v22;
	v59 =	vor.u32 v3, v30;
	[tilespmem:v52+s16+$0x0] =	vst.idx.msk $0xffff, v31;
	v31 =	vld.idx.msk [tilespmem:v53+s3+$0x0], $0xffff  }
0x6f: {  	v60 =	vor.u32 v4, v25;
	v62 =	vor.u32 v3, v40;
	[tilespmem:v54+s16+$0x0] =	vst.idx.msk $0xffff, v35;
	v61 =	vld.idx.msk [tilespmem:v55+s3+$0x0], $0xffff  }
0x70: {  	v26 =	vld.idx.msk [tilespmem:v26+s3+$0x0], $0xffff;
	[tilespmem:v24+s16+$0x0] =	vst.idx.msk $0xffff, v32;
	v24 =	vor.u32 v4, v39  }
0x71: {  	v21 =	vor.u32 v7, v21;
	v63 =	vor.u32 v4, v38;
	v27 =	vld.idx.msk [tilespmem:v27+s3+$0x0], $0xffff;
	[tilespmem:v29+s16+$0x0] =	vst.idx.msk $0xffff, v56  }
0x72: {  	v17 =	vor.u32 v7, v17;
	v19 =	vld.idx.msk [tilespmem:v19+s3+$0x0], $0xffff;
	v45 =	vor.u32 v5, v20;
	[tilespmem:v58+s16+$0x0] =	vst.idx.msk $0xffff, v43  }
0x73: {  	v18 =	vor.u32 v6, v18;
	v29 =	vld.idx.msk [tilespmem:v57+s3+$0x0], $0xffff;
	v32 =	vand.u32 $0x3FEF, v45;
	[tilespmem:v59+s16+$0x0] =	vst.idx.msk $0xffff, v31  }
0x74: {  	v22 =	vor.u32 v6, v22;
	v46 =	vor.u32 v5, v28;
	v31 =	vld.idx.msk [tilespmem:v60+s3+$0x0], $0xffff;
	[tilespmem:v62+s16+$0x0] =	vst.idx.msk $0xffff, v61  }
0x75: {  	v25 =	vor.u32 v6, v25;
	[tilespmem:v23+s16+$0x0] =	vst.idx.msk $0xffff, v26;
	v23 =	vld.idx.msk [tilespmem:v24+s3+$0x0], $0xffff;
	v24 =	vor.u32 v5, v40  }
0x76: {  	v47 =	vor.u32 v5, v30;
	[tilespmem:v21+s16+$0x0] =	vst.idx.msk $0xffff, v27;
	v21 =	vor.u32 v6, v39;
	v33 =	vld.idx.msk [tilespmem:v63+s3+$0x0], $0xffff  }
0x77: {  	v26 =	vor.u32 v6, v38;
	[tilespmem:v17+s16+$0x0] =	vst.idx.msk $0xffff, v19  }
0x78: {  	v16 =	vor.u32 v7, v16;
	v18 =	vld.idx.msk [tilespmem:v18+s3+$0x0], $0xffff;
	v20 =	vor.u32 v7, v20;
	[tilespmem:v32+s16+$0x0] =	vst.idx.msk $0xffff, v29  }
0x79: {  	v20 =	vand.u32 $0x3FFF, v20;
	v22 =	vld.idx.msk [tilespmem:v22+s3+$0x0], $0xffff;
	[tilespmem:v46+s16+$0x0] =	vst.idx.msk $0xffff, v31  }
0x7a: {  	v27 =	vor.u32 v7, v28;
	v25 =	vld.idx.msk [tilespmem:v25+s3+$0x0], $0xffff;
	[tilespmem:v24+s16+$0x0] =	vst.idx.msk $0xffff, v23  }
0x7b: {  	v19 =	vor.u32 v7, v40;
	[tilespmem:v47+s16+$0x0] =	vst.idx.msk $0xffff, v33;
	v17 =	vld.idx.msk [tilespmem:v21+s3+$0x0], $0xffff  }
0x7c: {  	v23 =	vld.idx.msk [tilespmem:v26+s3+$0x0], $0xffff;
	v24 =	vor.u32 v7, v30  }
0x7d: {  	[tilespmem:v16+s16+$0x0] =	vst.idx.msk $0xffff, v18  }
0x7e: {  	[tilespmem:v20+s16+$0x0] =	vst.idx.msk $0xffff, v22  }
0x7f: {  	s31 =	simm.s32 $0x0;
	[tilespmem:v27+s16+$0x0] =	vst.idx.msk $0xffff, v25  }
0x80: {  	s26 =	sshll.u32 s23, $0x11;
	s25 =	sadd.s32 $0x2, s25;
	[tilespmem:v19+s16+$0x0] =	vst.idx.msk $0xffff, v17;
	v17 =	vadd.s32 s31, v0  }
0x81: {  	s29 =	simm.s32 $0x3;
	s26 =	sadd.s32 s26, s6;
	p3 =	sgt.u32 s25, s4;
	[tilespmem:v24+s16+$0x0] =	vst.idx.msk $0xffff, v23;
	v16 =	vshll.u32 v17, $0x3  }
0x82: {  	v19 =	vadd.s32 s29, v0;
	[hbm4b:s26+s3] =	stream.linear.scatter [tilespmem:s16], [sflag:$0x3], $0x4000, $0x38;
	v18 =	vand.u32 $0x7F, v17;
	v16 =	vand.u32 $0x400, v16;
	[tilespmem:$0x12000] =	vst v63  }
0x83: {  	s25 =	sshll.u32 @!p3 s25, $0xD;
	v23 =	vadd.s32 s30, v0;
	s31 =	simm.s32 $0x2;
	_ =	swait.ge [sflag:s17], $0x4000;
	v22 =	vor.u32 v18, v16;
	v16 =	vshll.u32 v19, $0x3  }
0x84: {  	s28 =	simm.s32 @!p3 $0x800;
	s25 =	sadd.s32 @!p3 s25, s5;
	v21 =	vadd.s32 s31, v0;
	[sflag:s17] =	ssyncset.done $0x0;
	v18 =	vand.u32 $0x7F, v19;
	v16 =	vand.u32 $0x400, v16  }
0x85: {  	s29 =	simm.s32 @!p3 $0x0;
	v26 =	vand.u32 $0x7F, v23;
	s26 =	simm.s32 @!p3 $0x7A1400;
	[sflag:s17] =	ssyncadd.s32 $0xFFFFC000;
	v29 =	vor.u32 v18, v16;
	v16 =	vshll.u32 v21, $0x3  }
0x86: {  	v20 =	vor.u32 v1, v22;
	[tilespmem:s29], [sflag:$0x1] =	stream.strided.gather @!p3 [hbm4b:s25+s28], $0x4000, s26, s28, $0x38;
	v18 =	vand.u32 $0x7F, v21;
	v16 =	vand.u32 $0x400, v16;
	[tilespmem:$0x12000] =	vst v63  }
0x87: {  	s25 =	simm.s32 @!p2 $0x4;
	v24 =	vor.u32 v1, v29;
	v16 =	vor.u32 v18, v16;
	v18 =	vshll.u32 v23, $0x3  }
0x88: {  	v31 =	vor.u32 v2, v22;
	v57 =	vor.u32 v4, v22;
	_ =	swait.ge @!p2 [sflag:s25], $0x4000;
	v18 =	vand.u32 $0x400, v18  }
0x89: {  	v51 =	vor.u32 v2, v29;
	[sflag:s25] =	ssyncset.done @!p2 $0x0;
	v25 =	vor.u32 v1, v16;
	v18 =	vor.u32 v26, v18  }
0x8a: {  	[sflag:s25] =	ssyncadd.s32 @!p2 $0xFFFFC000;
	v26 =	vshll.u32 v17, $0x6;
	v17 =	vand.u32 $0xFF, v19;
	v27 =	vor.u32 v1, v18  }
0x8b: {  	v61 =	vor.u32 v4, v29;
	v30 =	vld.idx.msk [tilespmem:v20+s15+$0x0], $0xffff;
	v28 =	vor.u32 v8, v26;
	v20 =	vshll.u32 v17, $0x6  }
0x8c: {  	v29 =	vor.u32 v6, v29;
	v17 =	vand.u32 $0xFF, v21;
	v24 =	vld.idx.msk [tilespmem:v24+s15+$0x0], $0xffff;
	v48 =	vor.u32 v8, v20  }
0x8d: {  	v54 =	vor.u32 v2, v16;
	v21 =	vshll.u32 v17, $0x6;
	v17 =	vand.u32 $0xFF, v23  }
0x8e: {  	v32 =	vor.u32 v4, v16;
	v50 =	vor.u32 v8, v21;
	v17 =	vshll.u32 v17, $0x6;
	v25 =	vld.idx.msk [tilespmem:v25+s15+$0x0], $0xffff  }
0x8f: {  	s28 =	simm.s32 $0x4;
	v55 =	vor.u32 v2, v18;
	v56 =	vor.u32 v10, v26;
	v53 =	vor.u32 v8, v17;
	v52 =	vld.idx.msk [tilespmem:v27+s15+$0x0], $0xffff  }
0x90: {  	v49 =	vadd.s32 s28, v0;
	v35 =	vor.u32 v4, v18;
	v23 =	vor.u32 v12, v26;
	[tilespmem:v28+s16+$0x0] =	vst.idx.msk $0xffff, v30  }
0x91: {  	v59 =	vor.u32 v10, v20;
	v30 =	vshll.u32 v49, $0x3;
	[tilespmem:v48+s16+$0x0] =	vst.idx.msk $0xffff, v24;
	v31 =	vld.idx.msk [tilespmem:v31+s15+$0x0], $0xffff  }
0x92: {  	s31 =	simm.s32 $0x6;
	v33 =	vor.u32 v11, v20;
	v27 =	vand.u32 $0x7F, v49;
	v24 =	vand.u32 $0x400, v30;
	v58 =	vld.idx.msk [tilespmem:v51+s15+$0x0], $0xffff  }
0x93: {  	v37 =	vadd.s32 s31, v0;
	s29 =	simm.s32 $0x7;
	v63 =	vor.u32 v10, v21;
	v24 =	vor.u32 v27, v24;
	[tilespmem:v50+s16+$0x0] =	vst.idx.msk $0xffff, v25  }
0x94: {  	v19 =	vshll.u32 v49, $0x6;
	v30 =	vadd.s32 s29, v0;
	v62 =	vor.u32 v1, v24;
	v60 =	vld.idx.msk [tilespmem:v54+s15+$0x0], $0xffff;
	[tilespmem:v53+s16+$0x0] =	vst.idx.msk $0xffff, v52  }
0x95: {  	v40 =	vor.u32 v10, v17;
	v27 =	vor.u32 v6, v22;
	v22 =	vshll.u32 v30, $0x3;
	v34 =	vld.idx.msk [tilespmem:v55+s15+$0x0], $0xffff  }
0x96: {  	v28 =	vor.u32 v11, v26;
	v22 =	vand.u32 $0x400, v22;
	[tilespmem:v56+s16+$0x0] =	vst.idx.msk $0xffff, v31;
	v31 =	vand.u32 $0x7F, v30  }
0x97: {  	v26 =	vor.u32 v8, v19;
	v36 =	vld.idx.msk [tilespmem:v57+s15+$0x0], $0xffff;
	v22 =	vor.u32 v31, v22;
	[tilespmem:v59+s16+$0x0] =	vst.idx.msk $0xffff, v58  }
0x98: {  	v25 =	vor.u32 v2, v24;
	v31 =	vshll.u32 v37, $0x3;
	v41 =	vor.u32 v1, v22;
	v38 =	vld.idx.msk [tilespmem:v61+s15+$0x0], $0xffff  }
0x99: {  	v42 =	vand.u32 $0x7F, v37;
	s26 =	simm.s32 $0x5;
	s25 =	simm.s32 $0x8;
	v39 =	vld.idx.msk [tilespmem:v62+s15+$0x0], $0xffff;
	v43 =	vand.u32 $0x400, v31;
	v31 =	vor.u32 v11, v21;
	[tilespmem:v63+s16+$0x0] =	vst.idx.msk $0xffff, v60  }
.LBB2_5:
0x9a: {  	p2 =	slt.u32 s25, $0xFC;
	v44 =	vadd.s32 s26, v0;
	v42 =	vor.u32 v42, v43;
	[tilespmem:v40+s16+$0x0] =	vst.idx.msk $0xffff, v34;
	v32 =	vld.idx.msk [tilespmem:v32+s15+$0x0], $0xffff  }
0x9b: {  	v43 =	vor.u32 v6, v16;
	v34 =	vshll.u32 v44, $0x3;
	v40 =	vor.u32 v1, v42;
	v35 =	vld.idx.msk [tilespmem:v35+s15+$0x0], $0xffff;
	v16 =	vmovc v42  }
0x9c: {  	v42 =	vand.u32 $0x7F, v44;
	v34 =	vand.u32 $0x400, v34;
	[tilespmem:v28+s16+$0x0] =	vst.idx.msk $0xffff, v36;
	v28 =	vor.u32 v11, v17  }
0x9d: {  	v30 =	vand.u32 $0xFF, v30;
	v36 =	vor.u32 v6, v18;
	v27 =	vld.idx.msk [tilespmem:v27+s15+$0x0], $0xffff;
	v18 =	vor.u32 v42, v34  }
0x9e: {  	v30 =	vshll.u32 v30, $0x6;
	v34 =	vor.u32 v1, v18;
	v41 =	vld.idx.msk [tilespmem:v41+s15+$0x0], $0xffff;
	[tilespmem:v33+s16+$0x0] =	vst.idx.msk $0xffff, v38  }
0x9f: {  	v33 =	vadd.s32 s25, v0;
	[tilespmem:v26+s16+$0x0] =	vst.idx.msk $0xffff, v39;
	v26 =	vand.u32 $0xFF, v37;
	v37 =	vor.u32 v8, v30;
	v29 =	vld.idx.msk [tilespmem:v29+s15+$0x0], $0xffff  }
0xa0: {  	v38 =	vshll.u32 v33, $0x6;
	v39 =	vshll.u32 v26, $0x6;
	v40 =	vld.idx.msk [tilespmem:v40+s15+$0x0], $0xffff;
	[tilespmem:v31+s16+$0x0] =	vst.idx.msk $0xffff, v32;
	v26 =	vor.u32 v12, v20  }
0xa1: {  	v31 =	vor.u32 v12, v19;
	v32 =	vor.u32 v8, v39;
	[tilespmem:v28+s16+$0x0] =	vst.idx.msk $0xffff, v35;
	v35 =	vld.idx.msk [tilespmem:v43+s15+$0x0], $0xffff  }
0xa2: {  	v21 =	vor.u32 v12, v21;
	v42 =	vor.u32 v2, v22;
	v20 =	vmovc v30;
	v28 =	vand.u32 $0xFF, v44;
	v36 =	vld.idx.msk [tilespmem:v36+s15+$0x0], $0xffff  }
0xa3: {  	v30 =	vand.u32 $0x7F, v33;
	v34 =	vld.idx.msk [tilespmem:v34+s15+$0x0], $0xffff;
	[tilespmem:v23+s16+$0x0] =	vst.idx.msk $0xffff, v27;
	v23 =	vor.u32 v12, v17;
	v17 =	vshll.u32 v28, $0x6  }
0xa4: {  	v43 =	vor.u32 v2, v16;
	v27 =	vshll.u32 v33, $0x3;
	v33 =	vor.u32 v8, v17;
	[tilespmem:v37+s16+$0x0] =	vst.idx.msk $0xffff, v41  }
0xa5: {  	v28 =	vor.u32 v11, v19;
	v41 =	vor.u32 v2, v18;
	v37 =	vld.idx.msk [tilespmem:v25+s15+$0x0], $0xffff;
	[tilespmem:v26+s16+$0x0] =	vst.idx.msk $0xffff, v29  }
0xa6: {  	v25 =	vand.u32 $0x400, v27;
	v26 =	vor.u32 v8, v38;
	v29 =	vor.u32 v10, v19;
	[tilespmem:v32+s16+$0x0] =	vst.idx.msk $0xffff, v40  }
0xa7: {  	v45 =	vor.u32 v4, v24;
	v44 =	vor.u32 v30, v25;
	v42 =	vld.idx.msk [tilespmem:v42+s15+$0x0], $0xffff;
	[tilespmem:v21+s16+$0x0] =	vst.idx.msk $0xffff, v35  }
0xa8: {  	v46 =	vor.u32 v10, v20;
	v27 =	vor.u32 v6, v24;
	v19 =	vmov v38;
	[tilespmem:v23+s16+$0x0] =	vst.idx.msk $0xffff, v36  }
0xa9: {  	s26 =	sadd.s32 $0x3, s25;
	v38 =	vor.u32 v4, v22;
	v25 =	vor.u32 v2, v44;
	[tilespmem:v33+s16+$0x0] =	vst.idx.msk $0xffff, v34;
	v47 =	vld.idx.msk [tilespmem:v43+s15+$0x0], $0xffff  }
0xaa: {  	v48 =	vor.u32 v10, v39;
	v30 =	vadd.s32 s26, v0;
	v21 =	vmovc v39;
	v43 =	vor.u32 v1, v44;
	v34 =	vld.idx.msk [tilespmem:v41+s15+$0x0], $0xffff  }
.Ltmp4:
0xab: {  	v40 =	vor.u32 v10, v17;
	v32 =	vor.u32 v4, v16;
	v39 =	vshll.u32 v30, $0x3;
	[tilespmem:v29+s16+$0x0] =	vst.idx.msk $0xffff, v37;
	(pc) =	sbr.rel @p2 .LBB2_5-.Ltmp4, $4  }
0xac: {  	s26 =	sadd.s32 $0x2, s25;
	v35 =	vor.u32 v4, v18;
	v24 =	vmovc v44;
	v23 =	vmovc v31;
	v33 =	vand.u32 $0x400, v39;
	v29 =	vand.u32 $0x7F, v30;
	v36 =	vld.idx.msk [tilespmem:v45+s15+$0x0], $0xffff  }
0xad: {  	v37 =	vadd.s32 s26, v0;
	v31 =	vor.u32 v29, v33;
	v33 =	vor.u32 v11, v20;
	[tilespmem:v46+s16+$0x0] =	vst.idx.msk $0xffff, v42  }
0xae: {  	v44 =	vshll.u32 v37, $0x3;
	v29 =	vor.u32 v6, v22;
	v41 =	vor.u32 v1, v31;
	v22 =	vmovc v31;
	v38 =	vld.idx.msk [tilespmem:v38+s15+$0x0], $0xffff  }
0xaf: {  	s26 =	sadd.s32 $0x1, s25;
	s25 =	sadd.s32 $0x4, s25;
	v42 =	vand.u32 $0x7F, v37;
	v31 =	vor.u32 v11, v21;
	v39 =	vld.idx.msk [tilespmem:v43+s15+$0x0], $0xffff;
	v43 =	vand.u32 $0x400, v44;
	[tilespmem:v48+s16+$0x0] =	vst.idx.msk $0xffff, v47  }
0xb0: {  	v44 =	vadd.s32 s26, v0  }
0xb1: {  	v45 =	vshll.u32 v44, $0x3  }
0xb2: {  	v42 =	vor.u32 v42, v43;
	v61 =	vand.u32 $0x7F, v44;
	v45 =	vand.u32 $0x400, v45  }
0xb3: {  	v46 =	vor.u32 v1, v42;
	v43 =	vor.u32 v61, v45  }
0xb4: {  	v45 =	vor.u32 v1, v43  }
0xb5: {  	v30 =	vand.u32 $0xFF, v30  }
0xb6: {  	v37 =	vand.u32 $0xFF, v37;
	v30 =	vshll.u32 v30, $0x6  }
0xb7: {  	[tilespmem:v40+s16+$0x0] =	vst.idx.msk $0xffff, v34;
	v62 =	vld.idx.msk [tilespmem:v41+s15+$0x0], $0xffff;
	v37 =	vshll.u32 v37, $0x6;
	v48 =	vand.u32 $0xFF, v44;
	v63 =	vor.u32 v8, v30  }
0xb8: {  	v47 =	vor.u32 v2, v22;
	v50 =	vor.u32 v8, v37;
	v41 =	vshll.u32 v48, $0x6;
	v49 =	vld.idx.msk [tilespmem:v46+s15+$0x0], $0xffff  }
0xb9: {  	[tilespmem:v28+s16+$0x0] =	vst.idx.msk $0xffff, v36;
	v53 =	vor.u32 v2, v42;
	v52 =	vor.u32 v8, v41;
	v51 =	vld.idx.msk [tilespmem:v45+s15+$0x0], $0xffff  }
0xba: {  	v32 =	vld.idx.msk [tilespmem:v32+s15+$0x0], $0xffff;
	[tilespmem:v33+s16+$0x0] =	vst.idx.msk $0xffff, v38;
	v54 =	vor.u32 v2, v43  }
0xbb: {  	v56 =	vor.u32 v11, v17;
	v55 =	vld.idx.msk [tilespmem:v35+s15+$0x0], $0xffff;
	[tilespmem:v26+s16+$0x0] =	vst.idx.msk $0xffff, v39  }
0xbc: {  	v57 =	vor.u32 v10, v19;
	v25 =	vld.idx.msk [tilespmem:v25+s15+$0x0], $0xffff;
	[tilespmem:v63+s16+$0x0] =	vst.idx.msk $0xffff, v62  }
0xbd: {  	v58 =	vor.u32 v4, v24;
	v60 =	vor.u32 v10, v30;
	v59 =	vld.idx.msk [tilespmem:v47+s15+$0x0], $0xffff;
	[tilespmem:v50+s16+$0x0] =	vst.idx.msk $0xffff, v49  }
0xbe: {  	v62 =	vor.u32 v4, v22;
	v63 =	vor.u32 v10, v37;
	v61 =	vld.idx.msk [tilespmem:v53+s15+$0x0], $0xffff;
	[tilespmem:v52+s16+$0x0] =	vst.idx.msk $0xffff, v51  }
0xbf: {  	[tilespmem:v31+s16+$0x0] =	vst.idx.msk $0xffff, v32;
	v46 =	vor.u32 v10, v41;
	v47 =	vor.u32 v4, v42;
	v45 =	vld.idx.msk [tilespmem:v54+s15+$0x0], $0xffff  }
0xc0: {  	v27 =	vld.idx.msk [tilespmem:v27+s15+$0x0], $0xffff;
	v48 =	vor.u32 v4, v43;
	[tilespmem:v56+s16+$0x0] =	vst.idx.msk $0xffff, v55  }
0xc1: {  	v16 =	vor.u32 v6, v16;
	v20 =	vor.u32 v12, v20;
	v29 =	vld.idx.msk [tilespmem:v29+s15+$0x0], $0xffff;
	[tilespmem:v57+s16+$0x0] =	vst.idx.msk $0xffff, v25  }
0xc2: {  	v18 =	vor.u32 v6, v18;
	v49 =	vor.u32 v11, v19;
	v34 =	vld.idx.msk [tilespmem:v58+s15+$0x0], $0xffff;
	[tilespmem:v60+s16+$0x0] =	vst.idx.msk $0xffff, v59  }
0xc3: {  	v50 =	vor.u32 v6, v24;
	v51 =	vor.u32 v11, v30;
	v36 =	vld.idx.msk [tilespmem:v62+s15+$0x0], $0xffff;
	[tilespmem:v63+s16+$0x0] =	vst.idx.msk $0xffff, v61  }
0xc4: {  	v53 =	vor.u32 v11, v37;
	v52 =	vor.u32 v6, v22;
	v54 =	vld.idx.msk [tilespmem:v47+s15+$0x0], $0xffff;
	[tilespmem:v46+s16+$0x0] =	vst.idx.msk $0xffff, v45  }
0xc5: {  	v56 =	vor.u32 v6, v42;
	[tilespmem:v23+s16+$0x0] =	vst.idx.msk $0xffff, v27;
	v57 =	vor.u32 v11, v41;
	v55 =	vld.idx.msk [tilespmem:v48+s15+$0x0], $0xffff  }
0xc6: {  	v21 =	vor.u32 v12, v21;
	v16 =	vld.idx.msk [tilespmem:v16+s15+$0x0], $0xffff;
	[tilespmem:v20+s16+$0x0] =	vst.idx.msk $0xffff, v29;
	v58 =	vor.u32 v6, v43  }
0xc7: {  	v17 =	vor.u32 v12, v17;
	v18 =	vld.idx.msk [tilespmem:v18+s15+$0x0], $0xffff;
	[tilespmem:v49+s16+$0x0] =	vst.idx.msk $0xffff, v34  }
0xc8: {  	v59 =	vor.u32 v12, v19;
	v24 =	vld.idx.msk [tilespmem:v50+s15+$0x0], $0xffff;
	[tilespmem:v51+s16+$0x0] =	vst.idx.msk $0xffff, v36  }
0xc9: {  	v60 =	vor.u32 v12, v30;
	v22 =	vld.idx.msk [tilespmem:v52+s15+$0x0], $0xffff;
	[tilespmem:v53+s16+$0x0] =	vst.idx.msk $0xffff, v54  }
0xca: {  	v62 =	vor.u32 v12, v37;
	v61 =	vld.idx.msk [tilespmem:v56+s15+$0x0], $0xffff;
	[tilespmem:v57+s16+$0x0] =	vst.idx.msk $0xffff, v55  }
0xcb: {  	s23 =	sadd.s32 $0x1, s23;
	[tilespmem:v21+s16+$0x0] =	vst.idx.msk $0xffff, v16;
	v63 =	vor.u32 v12, v41;
	v16 =	vld.idx.msk [tilespmem:v58+s15+$0x0], $0xffff  }
0xcc: {  	p2 =	sne.s32 s23, $0x3D;
	[tilespmem:v17+s16+$0x0] =	vst.idx.msk $0xffff, v18  }
.Ltmp5:
0xcd: {  	[tilespmem:v59+s16+$0x0] =	vst.idx.msk $0xffff, v24;
	(pc) =	sbr.rel @p2 .LBB2_2-.Ltmp5, $4  }
0xce: {  	[tilespmem:v60+s16+$0x0] =	vst.idx.msk $0xffff, v22  }
0xcf: {  	s24 =	sshll.u32 s24, $0x10;
	[tilespmem:v62+s16+$0x0] =	vst.idx.msk $0xffff, v61  }
0xd0: {  	s24 =	sadd.s32 s24, s6;
	[tilespmem:v63+s16+$0x0] =	vst.idx.msk $0xffff, v16  }
0xd1: {  	[hbm4b:s24+s3] =	stream.linear.scatter [tilespmem:s18], [sflag:$0x4], $0x4000, $0x38;
	[tilespmem:$0x12000] =	vst v63  }
.Ltmp6:
0xd2: {  	(pc) =	sbr.rel @p0 .LBB2_11-.Ltmp6, $1  }
0xd3: {  	_ =	sdelay $0x3  }
0xd4: {  	s23 =	simm.s32 $0x0;
	s24 =	simm.s32 $0x3;
	s25 =	simm.s32 $0x2  }
0xd5: {  	s26 =	simm.s32 $0x1;
	v16 =	vadd.s32 s23, v0;
	v20 =	vadd.s32 s24, v0;
	v22 =	vadd.s32 s25, v0  }
0xd6: {  	v23 =	vadd.s32 s26, v0;
	v17 =	vshll.u32 v16, $0x3;
	v18 =	vand.u32 $0x7F, v16  }
0xd7: {  	v19 =	vshll.u32 v20, $0x3;
	v26 =	vshll.u32 v23, $0x3;
	v17 =	vand.u32 $0x400, v17  }
0xd8: {  	v25 =	vor.u32 v18, v17;
	v17 =	vand.u32 $0x7F, v20;
	v18 =	vand.u32 $0x400, v19  }
0xd9: {  	_ =	swait.ge [sflag:s14], $0x4000;
	v20 =	vand.u32 $0xFF, v20;
	v21 =	vor.u32 v1, v25;
	v27 =	vor.u32 v17, v18  }
0xda: {  	[sflag:s14] =	ssyncset.done $0x0;
	v17 =	vshll.u32 v22, $0x3;
	v18 =	vand.u32 $0x7F, v22;
	v31 =	vor.u32 v2, v25  }
0xdb: {  	[sflag:s14] =	ssyncadd.s32 $0xFFFFC000;
	v17 =	vand.u32 $0x400, v17;
	v24 =	vor.u32 v1, v27;
	v33 =	vor.u32 v2, v27  }
0xdc: {  	_ =	swait.ge [sflag:s19], $0x4000;
	v19 =	vor.u32 v18, v17;
	v17 =	vand.u32 $0x7F, v23;
	v18 =	vand.u32 $0x400, v26  }
0xdd: {  	[sflag:s19] =	ssyncset.done $0x0;
	v26 =	vshll.u32 v16, $0x6;
	v18 =	vor.u32 v17, v18;
	v16 =	vor.u32 v1, v19  }
0xde: {  	[sflag:s19] =	ssyncadd.s32 $0xFFFFC000;
	v62 =	vor.u32 v4, v27;
	v17 =	vor.u32 v0, v26;
	v28 =	vor.u32 v1, v18  }
0xdf: {  	v27 =	vor.u32 v6, v27;
	v23 =	vand.u32 $0xFF, v23;
	v30 =	vand.u32 $0x3FCF, v17;
	v29 =	vld.idx.msk [tilespmem:v21+s3+$0x0], $0xffff  }
0xe0: {  	v36 =	vor.u32 v2, v19;
	v17 =	vand.u32 $0xFF, v22;
	v21 =	vshll.u32 v20, $0x6  }
0xe1: {  	v38 =	vor.u32 v7, v26;
	v17 =	vshll.u32 v17, $0x6;
	v22 =	vld.idx.msk [tilespmem:v24+s3+$0x0], $0xffff;
	v24 =	vor.u32 v0, v21  }
0xe2: {  	s28 =	simm.s32 $0x4;
	v42 =	vor.u32 v4, v19;
	v32 =	vld.idx.msk [tilespmem:v16+s3+$0x0], $0xffff;
	v16 =	vshll.u32 v23, $0x6;
	v23 =	vor.u32 v0, v17  }
0xe3: {  	v37 =	vor.u32 v2, v18;
	v20 =	vadd.s32 s28, v0;
	v28 =	vld.idx.msk [tilespmem:v28+s3+$0x0], $0xffff;
	v35 =	vor.u32 v0, v16  }
0xe4: {  	v34 =	vand.u32 $0x7F, v20;
	[tilespmem:v30+s16+$0x0] =	vst.idx.msk $0xffff, v29;
	v29 =	vshll.u32 v20, $0x3;
	v30 =	vor.u32 v3, v26  }
0xe5: {  	v60 =	vor.u32 v3, v21;
	v31 =	vld.idx.msk [tilespmem:v31+s3+$0x0], $0xffff;
	v29 =	vand.u32 $0x400, v29;
	v30 =	vand.u32 $0x3FDF, v30  }
0xe6: {  	[tilespmem:v24+s16+$0x0] =	vst.idx.msk $0xffff, v22;
	v24 =	vor.u32 v4, v25;
	v22 =	vor.u32 v34, v29  }
0xe7: {  	v61 =	vor.u32 v3, v17;
	v58 =	vld.idx.msk [tilespmem:v33+s3+$0x0], $0xffff;
	v29 =	vor.u32 v1, v22;
	[tilespmem:v23+s16+$0x0] =	vst.idx.msk $0xffff, v32  }
0xe8: {  	v20 =	vshll.u32 v20, $0x6;
	v26 =	vor.u32 v5, v26;
	[tilespmem:v35+s16+$0x0] =	vst.idx.msk $0xffff, v28;
	v59 =	vld.idx.msk [tilespmem:v36+s3+$0x0], $0xffff  }
0xe9: {  	s29 =	simm.s32 $0x7;
	v41 =	vor.u32 v3, v16;
	v39 =	vor.u32 v0, v20;
	v34 =	vand.u32 $0x3FEF, v26;
	v40 =	vld.idx.msk [tilespmem:v37+s3+$0x0], $0xffff  }
0xea: {  	v26 =	vor.u32 v6, v25;
	v28 =	vadd.s32 s29, v0;
	[tilespmem:v30+s16+$0x0] =	vst.idx.msk $0xffff, v31;
	v31 =	vor.u32 v4, v18  }
0xeb: {  	s31 =	simm.s32 $0x6;
	v23 =	vand.u32 $0x3FFF, v38;
	v32 =	vor.u32 v5, v21;
	v30 =	vshll.u32 v28, $0x3;
	v33 =	vld.idx.msk [tilespmem:v24+s3+$0x0], $0xffff  }
0xec: {  	v43 =	vand.u32 $0x400, v30;
	v30 =	vadd.s32 s31, v0;
	[tilespmem:v60+s16+$0x0] =	vst.idx.msk $0xffff, v58;
	v24 =	vld.idx.msk [tilespmem:v29+s3+$0x0], $0xffff;
	v29 =	vand.u32 $0x7F, v28  }
0xed: {  	v63 =	vshll.u32 v30, $0x3;
	v35 =	vld.idx.msk [tilespmem:v62+s3+$0x0], $0xffff;
	v38 =	vand.u32 $0x7F, v30;
	v25 =	vor.u32 v29, v43;
	[tilespmem:v61+s16+$0x0] =	vst.idx.msk $0xffff, v59  }
0xee: {  	s24 =	simm.s32 $0x5;
	s23 =	simm.s32 $0x8;
	v29 =	vand.u32 $0x3FCF, v39;
	v39 =	vand.u32 $0x400, v63;
	v37 =	vor.u32 v1, v25;
	[tilespmem:v41+s16+$0x0] =	vst.idx.msk $0xffff, v40;
	v36 =	vld.idx.msk [tilespmem:v42+s3+$0x0], $0xffff  }
.LBB2_9:
0xef: {  	p2 =	slt.u32 s23, $0xFC;
	v40 =	vadd.s32 s24, v0;
	v38 =	vor.u32 v38, v39;
	v31 =	vld.idx.msk [tilespmem:v31+s3+$0x0], $0xffff;
	v39 =	vor.u32 v5, v17;
	v41 =	vmovc v25  }
0xf0: {  	v25 =	vshll.u32 v40, $0x3;
	[tilespmem:v34+s16+$0x0] =	vst.idx.msk $0xffff, v33;
	v33 =	vor.u32 v5, v16;
	v34 =	vor.u32 v6, v19  }
0xf1: {  	v43 =	vor.u32 v6, v18;
	v42 =	vand.u32 $0x7F, v40;
	v19 =	vmovc v38;
	v25 =	vand.u32 $0x400, v25;
	v26 =	vld.idx.msk [tilespmem:v26+s3+$0x0], $0xffff  }
0xf2: {  	v28 =	vand.u32 $0xFF, v28;
	v18 =	vor.u32 v42, v25;
	v25 =	vor.u32 v1, v19  }
0xf3: {  	v28 =	vshll.u32 v28, $0x6;
	v38 =	vor.u32 v1, v18;
	v37 =	vld.idx.msk [tilespmem:v37+s3+$0x0], $0xffff;
	[tilespmem:v32+s16+$0x0] =	vst.idx.msk $0xffff, v35  }
0xf4: {  	v32 =	vadd.s32 s23, v0;
	v35 =	vor.u32 v0, v28;
	[tilespmem:v39+s16+$0x0] =	vst.idx.msk $0xffff, v36;
	v27 =	vld.idx.msk [tilespmem:v27+s3+$0x0], $0xffff  }
0xf5: {  	v36 =	vor.u32 v2, v22;
	[tilespmem:v33+s16+$0x0] =	vst.idx.msk $0xffff, v31;
	v31 =	vld.idx.msk [tilespmem:v34+s3+$0x0], $0xffff;
	v33 =	vor.u32 v7, v21  }
0xf6: {  	v39 =	vand.u32 $0xFF, v30;
	v34 =	vand.u32 $0x7F, v32;
	[tilespmem:v29+s16+$0x0] =	vst.idx.msk $0xffff, v24;
	v24 =	vld.idx.msk [tilespmem:v43+s3+$0x0], $0xffff;
	v29 =	vor.u32 v7, v17  }
0xf7: {  	v30 =	vand.u32 $0xFF, v40;
	v17 =	vshll.u32 v39, $0x6;
	v25 =	vld.idx.msk [tilespmem:v25+s3+$0x0], $0xffff;
	[tilespmem:v23+s16+$0x0] =	vst.idx.msk $0xffff, v26;
	v23 =	vor.u32 v7, v16  }
0xf8: {  	v21 =	vmovc v28;
	v16 =	vshll.u32 v30, $0x6;
	v30 =	vor.u32 v0, v17;
	v26 =	vld.idx.msk [tilespmem:v38+s3+$0x0], $0xffff;
	v38 =	vor.u32 v2, v41  }
0xf9: {  	v40 =	vor.u32 v2, v19;
	v28 =	vshll.u32 v32, $0x3;
	v39 =	vor.u32 v0, v16;
	[tilespmem:v35+s16+$0x0] =	vst.idx.msk $0xffff, v37  }
0xfa: {  	v37 =	vor.u32 v2, v18;
	v35 =	vld.idx.msk [tilespmem:v36+s3+$0x0], $0xffff;
	v36 =	vor.u32 v3, v20;
	[tilespmem:v33+s16+$0x0] =	vst.idx.msk $0xffff, v27  }
0xfb: {  	v27 =	vand.u32 $0x400, v28;
	v28 =	vor.u32 v7, v20;
	v33 =	vand.u32 $0x3FDF, v36;
	[tilespmem:v29+s16+$0x0] =	vst.idx.msk $0xffff, v31  }
0xfc: {  	v29 =	vshll.u32 v32, $0x6;
	v27 =	vor.u32 v34, v27;
	v31 =	vor.u32 v4, v22;
	[tilespmem:v23+s16+$0x0] =	vst.idx.msk $0xffff, v24  }
0xfd: {  	v32 =	vor.u32 v5, v20;
	v24 =	vor.u32 v1, v27;
	[tilespmem:v30+s16+$0x0] =	vst.idx.msk $0xffff, v25;
	v36 =	vld.idx.msk [tilespmem:v38+s3+$0x0], $0xffff  }
0xfe: {  	v38 =	vor.u32 v0, v29;
	[tilespmem:v39+s16+$0x0] =	vst.idx.msk $0xffff, v26;
	v39 =	vld.idx.msk [tilespmem:v40+s3+$0x0], $0xffff;
	v40 =	vor.u32 v3, v21  }
0xff: {  	s24 =	sadd.s32 $0x3, s23;
	v43 =	vor.u32 v4, v41;
	v23 =	vand.u32 $0x3FFF, v28;
	v20 =	vmovc v29;
	v42 =	vld.idx.msk [tilespmem:v37+s3+$0x0], $0xffff;
	v37 =	vor.u32 v3, v17  }
0x100: {  	v45 =	vor.u32 v4, v19;
	v44 =	vor.u32 v3, v16;
	v28 =	vadd.s32 s24, v0;
	[tilespmem:v33+s16+$0x0] =	vst.idx.msk $0xffff, v35  }
.Ltmp7:
0x101: {  	v34 =	vand.u32 $0x3FEF, v32;
	v25 =	vshll.u32 v28, $0x3;
	v33 =	vld.idx.msk [tilespmem:v31+s3+$0x0], $0xffff;
	v31 =	vor.u32 v4, v18;
	(pc) =	sbr.rel @p2 .LBB2_9-.Ltmp7, $4  }
0x102: {  	s24 =	sadd.s32 $0x2, s23;
	v29 =	vand.u32 $0x7F, v28;
	v25 =	vand.u32 $0x400, v25;
	v26 =	vor.u32 v6, v22;
	v22 =	vmovc v27;
	v24 =	vld.idx.msk [tilespmem:v24+s3+$0x0], $0xffff  }
0x103: {  	v32 =	vor.u32 v5, v21;
	v30 =	vadd.s32 s24, v0;
	v25 =	vor.u32 v29, v25;
	[tilespmem:v40+s16+$0x0] =	vst.idx.msk $0xffff, v36  }
0x104: {  	v27 =	vor.u32 v6, v41;
	v29 =	vand.u32 $0x3FCF, v38;
	v36 =	vshll.u32 v30, $0x3;
	[tilespmem:v37+s16+$0x0] =	vst.idx.msk $0xffff, v39;
	v35 =	vld.idx.msk [tilespmem:v43+s3+$0x0], $0xffff  }
0x105: {  	s24 =	sadd.s32 $0x1, s23;
	s23 =	sadd.s32 $0x4, s23;
	v38 =	vand.u32 $0x7F, v30;
	v39 =	vand.u32 $0x400, v36;
	v37 =	vor.u32 v1, v25;
	[tilespmem:v44+s16+$0x0] =	vst.idx.msk $0xffff, v42;
	v36 =	vld.idx.msk [tilespmem:v45+s3+$0x0], $0xffff  }
0x106: {  	v40 =	vadd.s32 s24, v0  }
0x107: {  	v41 =	vshll.u32 v40, $0x3  }
0x108: {  	v38 =	vor.u32 v38, v39;
	v62 =	vand.u32 $0x7F, v40;
	v41 =	vand.u32 $0x400, v41  }
0x109: {  	v63 =	vor.u32 v1, v38;
	v39 =	vor.u32 v62, v41  }
0x10a: {  	v42 =	vor.u32 v1, v39  }
0x10b: {  	v28 =	vand.u32 $0xFF, v28  }
0x10c: {  	v45 =	vor.u32 v2, v22;
	v30 =	vand.u32 $0xFF, v30;
	v28 =	vshll.u32 v28, $0x6  }
0x10d: {  	v48 =	vld.idx.msk [tilespmem:v37+s3+$0x0], $0xffff;
	v50 =	vand.u32 $0xFF, v40;
	v30 =	vshll.u32 v30, $0x6;
	v49 =	vor.u32 v0, v28  }
0x10e: {  	v46 =	vor.u32 v2, v25;
	v37 =	vshll.u32 v50, $0x6;
	v52 =	vor.u32 v0, v30;
	v51 =	vld.idx.msk [tilespmem:v63+s3+$0x0], $0xffff  }
0x10f: {  	[tilespmem:v34+s16+$0x0] =	vst.idx.msk $0xffff, v33;
	v55 =	vor.u32 v2, v38;
	v54 =	vor.u32 v0, v37;
	v53 =	vld.idx.msk [tilespmem:v42+s3+$0x0], $0xffff  }
0x110: {  	v43 =	vor.u32 v5, v17;
	[tilespmem:v29+s16+$0x0] =	vst.idx.msk $0xffff, v24;
	v57 =	vor.u32 v2, v39  }
0x111: {  	v44 =	vor.u32 v5, v16;
	v31 =	vld.idx.msk [tilespmem:v31+s3+$0x0], $0xffff;
	v56 =	vor.u32 v3, v20;
	[tilespmem:v32+s16+$0x0] =	vst.idx.msk $0xffff, v35  }
0x112: {  	v24 =	vand.u32 $0x3FDF, v56;
	v58 =	vld.idx.msk [tilespmem:v45+s3+$0x0], $0xffff;
	[tilespmem:v49+s16+$0x0] =	vst.idx.msk $0xffff, v48  }
0x113: {  	v59 =	vor.u32 v4, v22;
	v60 =	vor.u32 v3, v28;
	v34 =	vld.idx.msk [tilespmem:v46+s3+$0x0], $0xffff;
	[tilespmem:v52+s16+$0x0] =	vst.idx.msk $0xffff, v51  }
0x114: {  	v62 =	vor.u32 v3, v30;
	v63 =	vor.u32 v4, v25;
	v61 =	vld.idx.msk [tilespmem:v55+s3+$0x0], $0xffff;
	[tilespmem:v54+s16+$0x0] =	vst.idx.msk $0xffff, v53  }
0x115: {  	[tilespmem:v43+s16+$0x0] =	vst.idx.msk $0xffff, v36;
	v45 =	vor.u32 v3, v37;
	v46 =	vor.u32 v4, v38;
	v29 =	vld.idx.msk [tilespmem:v57+s3+$0x0], $0xffff  }
0x116: {  	v19 =	vor.u32 v6, v19;
	v26 =	vld.idx.msk [tilespmem:v26+s3+$0x0], $0xffff;
	v47 =	vor.u32 v4, v39;
	[tilespmem:v44+s16+$0x0] =	vst.idx.msk $0xffff, v31  }
0x117: {  	v21 =	vor.u32 v7, v21;
	v27 =	vld.idx.msk [tilespmem:v27+s3+$0x0], $0xffff;
	v48 =	vor.u32 v5, v20;
	[tilespmem:v24+s16+$0x0] =	vst.idx.msk $0xffff, v58  }
0x118: {  	v18 =	vor.u32 v6, v18;
	v36 =	vand.u32 $0x3FEF, v48;
	v33 =	vld.idx.msk [tilespmem:v59+s3+$0x0], $0xffff;
	[tilespmem:v60+s16+$0x0] =	vst.idx.msk $0xffff, v34  }
0x119: {  	v50 =	vor.u32 v5, v28;
	v49 =	vor.u32 v6, v22;
	v51 =	vld.idx.msk [tilespmem:v63+s3+$0x0], $0xffff;
	[tilespmem:v62+s16+$0x0] =	vst.idx.msk $0xffff, v61  }
0x11a: {  	v52 =	vor.u32 v6, v25;
	v54 =	vor.u32 v5, v30;
	v53 =	vld.idx.msk [tilespmem:v46+s3+$0x0], $0xffff;
	[tilespmem:v45+s16+$0x0] =	vst.idx.msk $0xffff, v29  }
0x11b: {  	v56 =	vor.u32 v5, v37;
	[tilespmem:v23+s16+$0x0] =	vst.idx.msk $0xffff, v26;
	v57 =	vor.u32 v6, v38;
	v55 =	vld.idx.msk [tilespmem:v47+s3+$0x0], $0xffff  }
0x11c: {  	v17 =	vor.u32 v7, v17;
	v19 =	vld.idx.msk [tilespmem:v19+s3+$0x0], $0xffff;
	[tilespmem:v21+s16+$0x0] =	vst.idx.msk $0xffff, v27;
	v58 =	vor.u32 v6, v39  }
0x11d: {  	v16 =	vor.u32 v7, v16;
	v18 =	vld.idx.msk [tilespmem:v18+s3+$0x0], $0xffff;
	v59 =	vor.u32 v7, v20;
	[tilespmem:v36+s16+$0x0] =	vst.idx.msk $0xffff, v33  }
0x11e: {  	v20 =	vand.u32 $0x3FFF, v59;
	v22 =	vld.idx.msk [tilespmem:v49+s3+$0x0], $0xffff;
	[tilespmem:v50+s16+$0x0] =	vst.idx.msk $0xffff, v51  }
0x11f: {  	v60 =	vor.u32 v7, v28;
	v25 =	vld.idx.msk [tilespmem:v52+s3+$0x0], $0xffff;
	[tilespmem:v54+s16+$0x0] =	vst.idx.msk $0xffff, v53  }
0x120: {  	v62 =	vor.u32 v7, v30;
	v61 =	vld.idx.msk [tilespmem:v57+s3+$0x0], $0xffff;
	[tilespmem:v56+s16+$0x0] =	vst.idx.msk $0xffff, v55  }
0x121: {  	[tilespmem:v17+s16+$0x0] =	vst.idx.msk $0xffff, v19;
	v63 =	vor.u32 v7, v37;
	v17 =	vld.idx.msk [tilespmem:v58+s3+$0x0], $0xffff  }
0x122: {  	[tilespmem:v16+s16+$0x0] =	vst.idx.msk $0xffff, v18  }
.Ltmp8:
0x123: {  	[tilespmem:v20+s16+$0x0] =	vst.idx.msk $0xffff, v22;
	(pc) =	sbr.rel .LBB2_11-.Ltmp8, $4  }
0x124: {  	[tilespmem:v60+s16+$0x0] =	vst.idx.msk $0xffff, v25  }
0x125: {  	[tilespmem:v62+s16+$0x0] =	vst.idx.msk $0xffff, v61  }
0x126: {  	[tilespmem:v63+s16+$0x0] =	vst.idx.msk $0xffff, v17  }
0x127: {  	[hbm4b:s7+s3] =	stream.linear.scatter [tilespmem:s16], [sflag:$0x3], $0x4000, $0x38;
	[tilespmem:$0x12000] =	vst v63  }
.LBB2_12:
0x128: {  	s23 =	simm.s32 $0x1  }
0x129: {  	s24 =	simm.s32 $0x2;
	s25 =	simm.s32 $0x3;
	v16 =	vadd.s32 s23, v0  }
0x12a: {  	v17 =	vadd.s32 s24, v0;
	v18 =	vadd.s32 s25, v0;
	v16 =	vand.u32 $0x3F, v16  }
0x12b: {  	v17 =	vand.u32 $0x3F, v17;
	v18 =	vand.u32 $0x3F, v18;
	v19 =	vor.u32 v9, v16  }
0x12c: {  	v20 =	vor.u32 v9, v17;
	v21 =	vshll.u32 v16, $0x6;
	v23 =	vshll.u32 v17, $0x6  }
0x12d: {  	v28 =	vor.u32 v9, v18;
	v31 =	vshll.u32 v18, $0x6;
	v33 =	vor.u32 v13, v16  }
0x12e: {  	s26 =	simm.s32 $0x0;
	v34 =	vor.u32 v13, v17;
	v39 =	vor.u32 v14, v16;
	v40 =	vor.u32 v14, v17  }
0x12f: {  	v41 =	vor.u32 v15, v16;
	v16 =	vadd.s32 s26, v0;
	v22 =	vor.u32 v0, v21  }
0x130: {  	v24 =	vand.u32 $0xF80, v21;
	v25 =	vor.u32 v7, v21;
	v26 =	vand.u32 $0xF80, v23  }
0x131: {  	v29 =	vor.u32 v0, v23;
	v36 =	vor.u32 v0, v31;
	v37 =	vor.u32 v3, v21  }
0x132: {  	v38 =	vor.u32 v5, v31;
	v21 =	vor.u32 v5, v21;
	v24 =	vor.u32 $0x4000, v24  }
0x133: {  	[tilespmem:s20], [sflag:$0x5] =	stream.linear.gather [hbm4b:s0+s26], $0x2000, $0x38;
	v27 =	vand.u32 $0x4F, v22;
	v22 =	vor.u32 v7, v23;
	v32 =	vor.u32 $0x4000, v26;
	[tilespmem:$0x12000] =	vst v63  }
0x134: {  	_ =	swait.ge [sflag:s21], $0x2000;
	v29 =	vand.u32 $0x4F, v29;
	v36 =	vand.u32 $0x4F, v36;
	v37 =	vand.u32 $0x5F, v37  }
0x135: {  	[sflag:s21] =	ssyncset.done $0x0;
	v53 =	vand.u32 $0x6F, v38;
	v21 =	vand.u32 $0x6F, v21;
	v25 =	vand.u32 $0x7F, v25  }
0x136: {  	[sflag:s21] =	ssyncadd.s32 $0xFFFFE000;
	v38 =	vor.u32 v15, v17;
	v17 =	vand.u32 $0x3F, v16;
	v30 =	vand.u32 $0x7F, v22  }
0x137: {  	_ =	swait.ge [sflag:s8], $0x4000;
	v22 =	vor.u32 v7, v31;
	v35 =	vor.u32 v27, v24;
	v27 =	vand.u32 $0xF80, v31  }
0x138: {  	v29 =	vor.u32 v29, v32;
	[sflag:s8] =	ssyncset.done $0x0;
	v31 =	vor.u32 v3, v31;
	v37 =	vor.u32 v37, v24  }
0x139: {  	v21 =	vor.u32 v21, v24;
	v42 =	vor.u32 v25, v24;
	v24 =	vor.u32 v15, v18;
	[sflag:s8] =	ssyncadd.s32 $0xFFFFC000  }
0x13a: {  	v25 =	vshll.u32 v17, $0x6;
	v16 =	vor.u32 v15, v17;
	v44 =	vor.u32 v14, v17;
	v20 =	vld.idx.msk [tilespmem:v20+s20+$0x0], $0xffff  }
0x13b: {  	v46 =	vor.u32 v13, v17;
	v22 =	vand.u32 $0x7F, v22;
	v26 =	vor.u32 v30, v32;
	v19 =	vld.idx.msk [tilespmem:v19+s20+$0x0], $0xffff  }
0x13c: {  	v30 =	vor.u32 v3, v23;
	v27 =	vor.u32 $0x4000, v27;
	v23 =	vor.u32 v5, v23  }
0x13d: {  	v31 =	vand.u32 $0x5F, v31;
	v54 =	vor.u32 v0, v25;
	v55 =	vand.u32 $0xF80, v25  }
0x13e: {  	v43 =	vor.u32 v5, v25;
	v56 =	vor.u32 v3, v25;
	v30 =	vand.u32 $0x5F, v30  }
0x13f: {  	v36 =	vor.u32 v36, v27;
	v31 =	vor.u32 v31, v27;
	v28 =	vld.idx.msk [tilespmem:v28+s20+$0x0], $0xffff;
	[tilespmem:v29+s16+$0x0] =	vst.idx.msk $0xffff, v20  }
0x140: {  	v23 =	vand.u32 $0x6F, v23;
	v45 =	vor.u32 $0x4000, v55;
	v30 =	vor.u32 v30, v32;
	[tilespmem:v35+s16+$0x0] =	vst.idx.msk $0xffff, v19;
	v19 =	vld.idx.msk [tilespmem:v34+s20+$0x0], $0xffff  }
0x141: {  	v43 =	vand.u32 $0x6F, v43;
	v20 =	vor.u32 v14, v18;
	v18 =	vor.u32 v13, v18;
	v33 =	vld.idx.msk [tilespmem:v33+s20+$0x0], $0xffff  }
0x142: {  	v23 =	vor.u32 v23, v32;
	v32 =	vor.u32 v53, v27;
	v29 =	vor.u32 v9, v17  }
0x143: {  	s29 =	simm.s32 $0x6;
	v35 =	vand.u32 $0x5F, v56;
	v17 =	vor.u32 v7, v25;
	v34 =	vand.u32 $0x4F, v54  }
0x144: {  	s28 =	simm.s32 $0x5;
	v25 =	vadd.s32 s29, v0;
	[tilespmem:v36+s16+$0x0] =	vst.idx.msk $0xffff, v28;
	v17 =	vand.u32 $0x7F, v17;
	v34 =	vor.u32 v34, v45  }
0x145: {  	s25 =	simm.s32 $0x7;
	v17 =	vor.u32 v17, v45;
	[tilespmem:v30+s16+$0x0] =	vst.idx.msk $0xffff, v19;
	v19 =	vadd.s32 s28, v0;
	v30 =	vor.u32 v35, v45  }
0x146: {  	v18 =	vld.idx.msk [tilespmem:v18+s20+$0x0], $0xffff;
	[tilespmem:v37+s16+$0x0] =	vst.idx.msk $0xffff, v33;
	v37 =	vand.u32 $0x3F, v25;
	v35 =	vand.u32 $0x3F, v19;
	v19 =	vadd.s32 s25, v0  }
0x147: {  	v25 =	vld.idx.msk [tilespmem:v29+s20+$0x0], $0xffff;
	v58 =	vor.u32 v9, v37;
	v28 =	vshll.u32 v37, $0x6;
	v56 =	vor.u32 v14, v37  }
0x148: {  	v57 =	vld.idx.msk [tilespmem:v40+s20+$0x0], $0xffff;
	v40 =	vor.u32 v43, v45;
	v29 =	vor.u32 v9, v35;
	v47 =	vand.u32 $0x3F, v19  }
0x149: {  	v36 =	vshll.u32 v35, $0x6;
	v50 =	vand.u32 $0xF80, v28;
	v61 =	vor.u32 v7, v28  }
0x14a: {  	v55 =	vor.u32 v14, v35;
	v59 =	vor.u32 v0, v36;
	v48 =	vand.u32 $0xF80, v36  }
0x14b: {  	v49 =	vor.u32 v7, v36;
	v51 =	vor.u32 v9, v47;
	v62 =	vand.u32 $0x7F, v61  }
0x14c: {  	v19 =	vld.idx.msk [tilespmem:v39+s20+$0x0], $0xffff;
	v63 =	vshll.u32 v47, $0x6;
	v54 =	vor.u32 v3, v36;
	v60 =	vand.u32 $0x4F, v59;
	[tilespmem:v31+s16+$0x0] =	vst.idx.msk $0xffff, v18  }
0x14d: {  	v31 =	vor.u32 v13, v35;
	v59 =	vor.u32 v3, v28;
	v52 =	vor.u32 v0, v63  }
0x14e: {  	v61 =	vor.u32 v5, v63;
	v39 =	vor.u32 v3, v63;
	[tilespmem:v34+s16+$0x0] =	vst.idx.msk $0xffff, v25;
	v20 =	vld.idx.msk [tilespmem:v20+s20+$0x0], $0xffff  }
0x14f: {  	v25 =	vor.u32 v0, v28;
	[tilespmem:v23+s16+$0x0] =	vst.idx.msk $0xffff, v57;
	v23 =	vor.u32 $0x4000, v48;
	v46 =	vld.idx.msk [tilespmem:v46+s20+$0x0], $0xffff;
	v48 =	vor.u32 $0x4000, v50  }
0x150: {  	v25 =	vand.u32 $0x4F, v25;
	v50 =	vor.u32 v13, v37;
	v34 =	vld.idx.msk [tilespmem:v58+s20+$0x0], $0xffff;
	v57 =	vor.u32 v5, v36  }
0x151: {  	v58 =	vand.u32 $0x7F, v49;
	[tilespmem:v21+s16+$0x0] =	vst.idx.msk $0xffff, v19;
	v19 =	vor.u32 v7, v63;
	v33 =	vor.u32 v60, v23  }
0x152: {  	v21 =	vand.u32 $0xF80, v63;
	v29 =	vld.idx.msk [tilespmem:v29+s20+$0x0], $0xffff;
	v53 =	vor.u32 v25, v48;
	v25 =	vand.u32 $0x5F, v59  }
0x153: {  	v60 =	vor.u32 v5, v28;
	v28 =	vand.u32 $0x4F, v52;
	v38 =	vld.idx.msk [tilespmem:v38+s20+$0x0], $0xffff;
	v18 =	vand.u32 $0x7F, v19  }
0x154: {  	v19 =	vor.u32 v62, v48;
	v21 =	vor.u32 $0x4000, v21;
	v63 =	vor.u32 v25, v48;
	[tilespmem:v32+s16+$0x0] =	vst.idx.msk $0xffff, v20  }
0x155: {  	v28 =	vor.u32 v28, v21;
	v20 =	vand.u32 $0x5F, v39;
	[tilespmem:v30+s16+$0x0] =	vst.idx.msk $0xffff, v46;
	v30 =	vand.u32 $0x6F, v60  }
0x156: {  	v41 =	vld.idx.msk [tilespmem:v41+s20+$0x0], $0xffff;
	v32 =	vor.u32 v15, v35;
	v35 =	vor.u32 v22, v27;
	v25 =	vor.u32 v30, v48  }
0x157: {  	v62 =	vand.u32 $0x5F, v54;
	v30 =	vld.idx.msk [tilespmem:v24+s20+$0x0], $0xffff;
	[tilespmem:v53+s16+$0x0] =	vst.idx.msk $0xffff, v34;
	v24 =	vor.u32 v20, v21;
	v20 =	vand.u32 $0x6F, v61  }
0x158: {  	s31 =	simm.s32 $0x4;
	[tilespmem:v33+s16+$0x0] =	vst.idx.msk $0xffff, v29;
	v61 =	vor.u32 v62, v23;
	v34 =	vor.u32 v58, v23;
	v59 =	vld.idx.msk [tilespmem:v50+s20+$0x0], $0xffff  }
0x159: {  	v29 =	vand.u32 $0x6F, v57;
	v62 =	vadd.s32 s31, v0;
	[tilespmem:v26+s16+$0x0] =	vst.idx.msk $0xffff, v38;
	v20 =	vor.u32 v20, v21;
	v60 =	vld.idx.msk [tilespmem:v31+s20+$0x0], $0xffff  }
0x15a: {  	v36 =	vld.idx.msk [tilespmem:v44+s20+$0x0], $0xffff;
	v33 =	vor.u32 v29, v23;
	v31 =	vor.u32 v15, v37;
	v29 =	vor.u32 v14, v47  }
0x15b: {  	v38 =	vld.idx.msk [tilespmem:v51+s20+$0x0], $0xffff;
	v23 =	vor.u32 v15, v47;
	v44 =	vand.u32 $0x3F, v62;
	v37 =	vor.u32 v13, v47  }
0x15c: {  	[tilespmem:v42+s16+$0x0] =	vst.idx.msk $0xffff, v41;
	v39 =	vshll.u32 v44, $0x6;
	v45 =	vor.u32 v9, v44;
	v27 =	vor.u32 v15, v44  }
0x15d: {  	v26 =	vor.u32 v0, v39;
	v22 =	vand.u32 $0xF80, v39;
	v46 =	vor.u32 v5, v39;
	[tilespmem:v63+s16+$0x0] =	vst.idx.msk $0xffff, v59  }
0x15e: {  	v22 =	vor.u32 $0x4000, v22;
	v26 =	vand.u32 $0x4F, v26;
	v63 =	vor.u32 v3, v39;
	[tilespmem:v61+s16+$0x0] =	vst.idx.msk $0xffff, v60;
	v42 =	vld.idx.msk [tilespmem:v56+s20+$0x0], $0xffff  }
0x15f: {  	s23 =	simm.s32 $0x8;
	v41 =	vor.u32 v26, v22;
	v26 =	vor.u32 v14, v44;
	v47 =	vand.u32 $0x5F, v63;
	v43 =	vld.idx.msk [tilespmem:v55+s20+$0x0], $0xffff  }
.LBB2_13:
0x160: {  	s24 =	sadd.s32 $0x1, s23;
	s25 =	sadd.s32 $0x2, s23;
	s26 =	sadd.s32 $0x3, s23;
	v44 =	vor.u32 v13, v44;
	v46 =	vand.u32 $0x6F, v46;
	v39 =	vor.u32 v7, v39;
	[tilespmem:v40+s16+$0x0] =	vst.idx.msk $0xffff, v36  }
0x161: {  	p2 =	slt.u32 s23, $0x3C;
	v47 =	vor.u32 v47, v22;
	v36 =	vadd.s32 s24, v0;
	v40 =	vadd.s32 s25, v0;
	v45 =	vld.idx.msk [tilespmem:v45+s20+$0x0], $0xffff;
	[tilespmem:v35+s16+$0x0] =	vst.idx.msk $0xffff, v30;
	s24 =	smov.u32 s23;
	s23 =	sadd.s32 $0x4, s23  }
0x162: {  	v30 =	vadd.s32 s26, v0;
	v35 =	vand.u32 $0x3F, v36;
	v36 =	vand.u32 $0x3F, v40;
	[tilespmem:v28+s16+$0x0] =	vst.idx.msk $0xffff, v38;
	v28 =	vld.idx.msk [tilespmem:v16+s20+$0x0], $0xffff;
	v38 =	vmovc v21  }
0x163: {  	v49 =	vmovc v34;
	v48 =	vand.u32 $0x3F, v30;
	v40 =	vor.u32 v9, v35;
	v21 =	vor.u32 v9, v36;
	v30 =	vld.idx.msk [tilespmem:v37+s20+$0x0], $0xffff  }
0x164: {  	v39 =	vand.u32 $0x7F, v39;
	v16 =	vmovc v27;
	v34 =	vshll.u32 v35, $0x6;
	v37 =	vshll.u32 v36, $0x6;
	[tilespmem:v25+s16+$0x0] =	vst.idx.msk $0xffff, v42  }
0x165: {  	v39 =	vor.u32 v39, v22;
	v25 =	vor.u32 v0, v34;
	v27 =	vand.u32 $0xF80, v34;
	[tilespmem:v33+s16+$0x0] =	vst.idx.msk $0xffff, v43  }
0x166: {  	v42 =	vand.u32 $0xF80, v37;
	v33 =	vor.u32 v7, v34;
	v43 =	vor.u32 v9, v48;
	v50 =	vld.idx.msk [tilespmem:v32+s20+$0x0], $0xffff  }
0x167: {  	v27 =	vor.u32 $0x4000, v27;
	v25 =	vand.u32 $0x4F, v25;
	v32 =	vor.u32 v7, v37;
	[tilespmem:v41+s16+$0x0] =	vst.idx.msk $0xffff, v45;
	v41 =	vld.idx.msk [tilespmem:v31+s20+$0x0], $0xffff  }
0x168: {  	v31 =	vor.u32 v0, v37;
	v32 =	vand.u32 $0x7F, v32;
	v45 =	vshll.u32 v48, $0x6;
	v44 =	vld.idx.msk [tilespmem:v44+s20+$0x0], $0xffff;
	[tilespmem:v17+s16+$0x0] =	vst.idx.msk $0xffff, v28  }
0x169: {  	v42 =	vor.u32 $0x4000, v42;
	v28 =	vand.u32 $0x4F, v31;
	v31 =	vor.u32 v7, v45;
	v17 =	vmovc v39;
	[tilespmem:v24+s16+$0x0] =	vst.idx.msk $0xffff, v30  }
0x16a: {  	v51 =	vor.u32 v13, v36;
	v39 =	vor.u32 v13, v35;
	v52 =	vand.u32 $0x7F, v31;
	v24 =	vld.idx.msk [tilespmem:v29+s20+$0x0], $0xffff  }
0x16b: {  	v53 =	vor.u32 v32, v42;
	v29 =	vor.u32 v25, v27;
	v25 =	vand.u32 $0xF80, v45  }
0x16c: {  	v32 =	vor.u32 v0, v45;
	v30 =	vor.u32 v3, v37;
	v31 =	vld.idx.msk [tilespmem:v21+s20+$0x0], $0xffff;
	v21 =	vor.u32 $0x4000, v25  }
0x16d: {  	v54 =	vor.u32 v28, v42;
	v25 =	vand.u32 $0x5F, v30;
	v30 =	vor.u32 v5, v37;
	v40 =	vld.idx.msk [tilespmem:v40+s20+$0x0], $0xffff  }
0x16e: {  	v28 =	vand.u32 $0x4F, v32;
	v32 =	vor.u32 v5, v45;
	v37 =	vor.u32 v3, v34;
	[tilespmem:v47+s16+$0x0] =	vst.idx.msk $0xffff, v44  }
0x16f: {  	v55 =	vor.u32 v14, v35;
	v28 =	vor.u32 v28, v21;
	v47 =	vor.u32 v14, v36  }
0x170: {  	v37 =	vand.u32 $0x5F, v37;
	v30 =	vand.u32 $0x6F, v30;
	v44 =	vor.u32 v3, v45;
	[tilespmem:v20+s16+$0x0] =	vst.idx.msk $0xffff, v24  }
0x171: {  	v56 =	vor.u32 v25, v42;
	v25 =	vor.u32 v30, v42;
	v20 =	vand.u32 $0x5F, v44;
	v30 =	vld.idx.msk [tilespmem:v23+s20+$0x0], $0xffff  }
0x172: {  	v23 =	vor.u32 v5, v34;
	v24 =	vor.u32 v20, v21;
	v20 =	vand.u32 $0x6F, v32;
	[tilespmem:v54+s16+$0x0] =	vst.idx.msk $0xffff, v31  }
0x173: {  	v23 =	vand.u32 $0x6F, v23;
	v20 =	vor.u32 v20, v21;
	[tilespmem:v29+s16+$0x0] =	vst.idx.msk $0xffff, v40;
	v29 =	vand.u32 $0x7F, v33;
	v42 =	vld.idx.msk [tilespmem:v51+s20+$0x0], $0xffff  }
0x174: {  	v54 =	vor.u32 v37, v27;
	v31 =	vor.u32 v15, v36;
	v33 =	vor.u32 v23, v27;
	v51 =	vld.idx.msk [tilespmem:v39+s20+$0x0], $0xffff  }
0x175: {  	v32 =	vor.u32 v15, v35;
	v34 =	vor.u32 v29, v27;
	v29 =	vor.u32 v14, v48;
	v36 =	vld.idx.msk [tilespmem:v26+s20+$0x0], $0xffff  }
0x176: {  	v35 =	vor.u32 v18, v38;
	v23 =	vor.u32 v15, v48;
	v26 =	vadd.s32 s24, v0;
	[tilespmem:v19+s16+$0x0] =	vst.idx.msk $0xffff, v41  }
.Ltmp9:
0x177: {  	v18 =	vmovc v52;
	v37 =	vor.u32 v13, v48;
	v40 =	vor.u32 v46, v22;
	v44 =	vand.u32 $0x3F, v26;
	v38 =	vld.idx.msk [tilespmem:v43+s20+$0x0], $0xffff;
	(pc) =	sbr.rel @p2 .LBB2_13-.Ltmp9, $4  }
0x178: {  	v39 =	vshll.u32 v44, $0x6;
	v45 =	vor.u32 v9, v44;
	v27 =	vor.u32 v15, v44;
	[tilespmem:v49+s16+$0x0] =	vst.idx.msk $0xffff, v50  }
0x179: {  	v49 =	vor.u32 v0, v39;
	v22 =	vand.u32 $0xF80, v39;
	v46 =	vor.u32 v5, v39;
	[tilespmem:v56+s16+$0x0] =	vst.idx.msk $0xffff, v42  }
0x17a: {  	v26 =	vor.u32 v3, v39;
	v22 =	vor.u32 $0x4000, v22;
	v48 =	vand.u32 $0x4F, v49;
	[tilespmem:v54+s16+$0x0] =	vst.idx.msk $0xffff, v51;
	v42 =	vld.idx.msk [tilespmem:v47+s20+$0x0], $0xffff  }
0x17b: {  	v19 =	vmovc v53;
	v41 =	vor.u32 v48, v22;
	v47 =	vand.u32 $0x5F, v26;
	v26 =	vor.u32 v14, v44;
	v43 =	vld.idx.msk [tilespmem:v55+s20+$0x0], $0xffff  }
0x17c: {  	_ =	sdelay $0x3  }
0x17d: {  	v45 =	vld.idx.msk [tilespmem:v45+s20+$0x0], $0xffff  }
0x17e: {  	v44 =	vor.u32 v13, v44;
	_ =	sdelay $0x2  }
0x17f: {  	[tilespmem:v28+s16+$0x0] =	vst.idx.msk $0xffff, v38  }
0x180: {  	v28 =	vld.idx.msk [tilespmem:v37+s20+$0x0], $0xffff;
	[tilespmem:v41+s16+$0x0] =	vst.idx.msk $0xffff, v45  }
0x181: {  	v57 =	vor.u32 v47, v22;
	v58 =	vld.idx.msk [tilespmem:v44+s20+$0x0], $0xffff;
	_ =	sdelay $0x3  }
0x182: {  	[tilespmem:v24+s16+$0x0] =	vst.idx.msk $0xffff, v28  }
0x183: {  	v59 =	vand.u32 $0x6F, v46;
	v28 =	vld.idx.msk [tilespmem:v29+s20+$0x0], $0xffff;
	[tilespmem:v57+s16+$0x0] =	vst.idx.msk $0xffff, v58  }
0x184: {  	v24 =	vor.u32 v59, v22;
	v26 =	vld.idx.msk [tilespmem:v26+s20+$0x0], $0xffff  }
0x185: {  	[tilespmem:v40+s16+$0x0] =	vst.idx.msk $0xffff, v36  }
0x186: {  	v16 =	vld.idx.msk [tilespmem:v16+s20+$0x0], $0xffff;
	[tilespmem:v25+s16+$0x0] =	vst.idx.msk $0xffff, v42  }
0x187: {  	[tilespmem:v33+s16+$0x0] =	vst.idx.msk $0xffff, v43;
	v25 =	vld.idx.msk [tilespmem:v31+s20+$0x0], $0xffff  }
0x188: {  	v60 =	vor.u32 v7, v39;
	v61 =	vld.idx.msk [tilespmem:v32+s20+$0x0], $0xffff;
	[tilespmem:v20+s16+$0x0] =	vst.idx.msk $0xffff, v28  }
0x189: {  	v18 =	vor.u32 v18, v21;
	v62 =	vand.u32 $0x7F, v60;
	v23 =	vld.idx.msk [tilespmem:v23+s20+$0x0], $0xffff;
	[tilespmem:v24+s16+$0x0] =	vst.idx.msk $0xffff, v26  }
0x18a: {  	[tilespmem:v35+s16+$0x0] =	vst.idx.msk $0xffff, v30;
	v20 =	vor.u32 v62, v22;
	v63 =	vld.idx.msk [tilespmem:v27+s20+$0x0], $0xffff  }
0x18b: {  	[tilespmem:v17+s16+$0x0] =	vst.idx.msk $0xffff, v16  }
0x18c: {  	[tilespmem:v19+s16+$0x0] =	vst.idx.msk $0xffff, v25  }
0x18d: {  	[tilespmem:v34+s16+$0x0] =	vst.idx.msk $0xffff, v61  }
0x18e: {  	[tilespmem:v18+s16+$0x0] =	vst.idx.msk $0xffff, v23  }
.Ltmp10:
0x18f: {  	[tilespmem:v20+s16+$0x0] =	vst.idx.msk $0xffff, v63;
	(pc) =	sbr.rel .LBB2_16-.Ltmp10, $4  }
0x190: {  	[hbm4b:s9+s3] =	stream.linear.scatter [tilespmem:s18], [sflag:s8], $0x1000, $0x38;
	[tilespmem:$0x12000] =	vst v63  }
0x191: {  	_ =	swait.ge [sflag:s8], $0x1000  }
0x192: {  	[sflag:s8] =	ssyncset.done $0x0  }
0x193: {  	[sflag:s8] =	ssyncadd.s32 $0xFFFFF000  }
.LBB2_17:
0x194: {  	_ =	sfence.sel $0x180000  }
0x195: {  	[bflag:$0x0] =	sbarrier.arrive $0xFFFF  }
0x196: {  	p0 =	sne.s32 s2, $0x0;
	_ =	strace $0x90000047  }
0x197: {  	s0 =	sadd.s32 @!p0 $0x100000, s1;
	[bflag:$0x2] =	sbarrier.arrive $0xFFFF  }
0x198: {  	[sflag:s0] =	ssyncadd.tile.s32 @!p0 $0x1;
	_ =	shalt  }
.Lfunc_end2:
_tile_overlayer_lowered:
.L_overlay_start_2:
0x199: {  	(tag) =	ssettag $0x2  }
0x19a: {  	s0 =	rddreg [dreg:$0x0];
	s2 =	stileid.u32  }
0x19b: {  	s1 =	rddreg [dreg:$0x1];
	p0 =	sne.s32 s2, $0x0  }
0x19c: {  	s3 =	rddreg [dreg:$0x2];
	[bflag:$0x3] =	sbarrier.arrive $0xFFFF;
	s2 =	simm.s32 @!p0 $0x1C05  }
0x19d: {  	[timem:s3], [sflag:s2] =	dma.local @!p0 [hbm:s0], s1  }
0x19e: {  	s0 =	simm.s32 @!p0 $0x5  }
0x19f: {  	_ =	swait.ge @!p0 [sflag:s0], s1  }
0x1a0: {  	s1 =	ssub.s32 @!p0 $0x0, s1;
	[sflag:s0] =	ssyncset.done @!p0 $0x0  }
0x1a1: {  	[sflag:s0] =	ssyncadd.s32 @!p0 s1  }
0x1a2: {  	[bflag:$0x3] =	sbarrier.arrive $0xFFFF  }
0x1a3: {  	_ =	shalt  }

// kernel: kernel.7.cloned.1.call-start
scs
__scs_entry_jumppad:
0x0: {  	(pc) =	sbr.rel $0x88, $3  }
0x1: {  	(tag) =	ssettag $0x0;
	lr =	simm.s32 $0x1  }
0x2: {  	[smem:$0x3F9F] =	sst lr;
	_ =	strace $0xD0000000  }
0x3: {  	_ = 	snop  }
0x4: {  	_ = 	snop  }
0x5: {  	_ = 	snop  }
0x6: {  	_ = 	snop  }
0x7: {  	_ = 	snop  }
__scs_overlays_trampoline_lowered:
0x8: {  	[smem:$0x3FAE] =	sst s0  }
0x9: {  	[smem:$0x3FAF] =	sst s1  }
0xa: {  	[smem:$0x3FB0] =	sst s2  }
0xb: {  	[smem:$0x3FB1] =	sst s3  }
0xc: {  	[smem:$0x3FB2] =	sst s4  }
0xd: {  	[smem:$0x3FB3] =	sst s5  }
0xe: {  	[smem:$0x3FB4] =	sst s6  }
0xf: {  	[smem:$0x3FB5] =	sst s7  }
0x10: {  	[smem:$0x3FB6] =	sst s8  }
0x11: {  	[smem:$0x3FB7] =	sst s9;
	s0 =	simm.s32 @!p0 $0x0  }
0x12: {  	s1 =	sld [smem:$0x3F9D];
	s0 =	simm.s32 @p0 $0x1  }
0x13: {  	[smem:$0x3FB8] =	sst s0;
	s0 =	simm.s32 @!p1 $0x0  }
0x14: {  	s2 =	sld [smem:$0x3F9C];
	s0 =	simm.s32 @p1 $0x1  }
0x15: {  	[smem:$0x3FB9] =	sst s0;
	s0 =	simm.s32 @!p2 $0x0  }
0x16: {  	s3 =	sld [smem:$0x3FDB];
	s0 =	simm.s32 @p2 $0x1  }
0x17: {  	s4 =	simm.s32 $0x1BF5;
	[smem:$0x3FBB] =	sst s0  }
0x18: {  	s0 =	sld [smem:$0x3F9E];
	_ =	swait.ge [sflag:s4], $0x0  }
0x19: {  	s7 =	sld [smem:$0x3F9F]  }
0x1a: {  	s8 =	sadd.s32 $0xFFFFE003, lr  }
0x1b: {  	s9 =	sadd.s32 $0xFFFFFEF7, lr;
	s5 =	simm.s32 $0xFFFFFFFF;
	p2 =	slt.u32 s8, $0xFFFFF086  }
0x1c: {  	p1 =	slt.u32 s9, $0xF7A;
	s5 =	simm.s32 @!p2 $0x0  }
0x1d: {  	s5 =	simm.s32 @p1 $0x1;
	p0 =	seq.s32 s7, s2  }
0x1e: {  	s7 =	smul.u32 @!p0 $0xF7A, s2;
	p2 =	seq.s32 @!p0 s5, $0x0  }
0x1f: {  	s9 =	smul.u32 $0xF7A, s1;
	s8 =	simm.s32 @!p0 $0x1BF5;
	p2 =	por !p2, p0  }
0x20: {  	[sflag:s8] =	ssyncset.s32 @!p0 $0xFFFFF086;
	s6 =	sadd.s32 @!p0 s3, s7;
	s7 =	simm.s32 @!p0 $0x108  }
0x21: {  	s3 =	sadd.s32 s3, s9;
	s6 =	sadd.s32 @!p0 $0x88, s6;
	s7 =	simm.s32 @p2 $0x1082  }
0x22: {  	[simem:s7], [sflag:s8] =	dma.local @!p0 [hbm:s6], $0xF7A  }
0x23: {  	s9 =	sor.u32 $0xD0000000, s2;
	s6 =	simm.s32 $0x108;
	_ =	swait.ge @!p0 [sflag:s8], $0x0  }
0x24: {  	s3 =	sadd.s32 $0x88, s3;
	s6 =	simm.s32 @!p1 $0x1082;
	[sflag:s4] =	ssyncset.s32 $0xFFFFF086  }
0x25: {  	[simem:s6], [sflag:s4] =	dma.local [hbm:s3], $0xF7A  }
0x26: {  	[smem:$0x3F9F] =	sst s1;
	(tag) =	ssettag s2;
	_ =	strace s9  }
0x27: {  	s1 =	sld [smem:$0x3FAF]  }
0x28: {  	s2 =	sld [smem:$0x3FB0]  }
0x29: {  	s4 =	sld [smem:$0x3FB2]  }
0x2a: {  	p0 =	seq.s32 s5, $0x0;
	s5 =	sld [smem:$0x3FB3]  }
0x2b: {  	s6 =	sld [smem:$0x3FB4]  }
0x2c: {  	s7 =	sld [smem:$0x3FB5]  }
0x2d: {  	s3 =	simm.s32 $0x108;
	s8 =	sld [smem:$0x3FB6]  }
0x2e: {  	s3 =	simm.s32 @!p0 $0x1082;
	s9 =	sld [smem:$0x3FB7]  }
0x2f: {  	lr =	sadd.s32 s0, s3;
	s0 =	sld [smem:$0x3FAE]  }
0x30: {  	s3 =	sld [smem:$0x3FB1]  }
0x31: {  	[smem:$0x3FBA] =	sst s10  }
0x32: {  	s10 =	sld [smem:$0x3FB8];
	_ =	sdelay $0x3  }
0x33: {  	p0 =	seq.s32 s10, $0x1;
	s10 =	sld [smem:$0x3FBA];
	_ =	sdelay $0x3  }
0x34: {  	[smem:$0x3FBA] =	sst s10  }
0x35: {  	s10 =	sld [smem:$0x3FB9];
	_ =	sdelay $0x3  }
0x36: {  	p1 =	seq.s32 s10, $0x1;
	s10 =	sld [smem:$0x3FBA];
	_ =	sdelay $0x3  }
0x37: {  	[smem:$0x3FBA] =	sst s10  }
0x38: {  	s10 =	sld [smem:$0x3FBB]  }
0x39: {  	_ = 	snop;
	(pc) =	sbr.ind lr, $3  }
0x3a: {  	_ = 	snop  }
0x3b: {  	_ = 	snop  }
0x3c: {  	p2 =	seq.s32 s10, $0x1;
	s10 =	sld [smem:$0x3FBA]  }
0x3d: {  	_ =	shalt  }
0x3e: {  	_ =	shalt  }
0x3f: {  	_ =	shalt  }
0x40: {  	_ =	shalt  }
0x41: {  	_ =	shalt  }
0x42: {  	_ =	shalt  }
0x43: {  	_ =	shalt  }
0x44: {  	_ =	shalt  }
0x45: {  	_ =	shalt  }
0x46: {  	_ =	shalt  }
0x47: {  	_ =	shalt  }
0x48: {  	_ =	shalt  }
0x49: {  	_ =	shalt  }
0x4a: {  	_ =	shalt  }
0x4b: {  	_ =	shalt  }
0x4c: {  	_ =	shalt  }
0x4d: {  	_ =	shalt  }
0x4e: {  	_ =	shalt  }
0x4f: {  	_ =	shalt  }
0x50: {  	_ =	shalt  }
0x51: {  	_ =	shalt  }
0x52: {  	_ =	shalt  }
0x53: {  	_ =	shalt  }
0x54: {  	_ =	shalt  }
0x55: {  	_ =	shalt  }
0x56: {  	_ =	shalt  }
0x57: {  	_ =	shalt  }
0x58: {  	_ =	shalt  }
0x59: {  	_ =	shalt  }
0x5a: {  	_ =	shalt  }
0x5b: {  	_ =	shalt  }
0x5c: {  	_ =	shalt  }
0x5d: {  	_ =	shalt  }
0x5e: {  	_ =	shalt  }
0x5f: {  	_ =	shalt  }
0x60: {  	_ =	shalt  }
0x61: {  	_ =	shalt  }
0x62: {  	_ =	shalt  }
0x63: {  	_ =	shalt  }
0x64: {  	_ =	shalt  }
0x65: {  	_ =	shalt  }
0x66: {  	_ =	shalt  }
0x67: {  	_ =	shalt  }
0x68: {  	_ =	shalt  }
0x69: {  	_ =	shalt  }
0x6a: {  	_ =	shalt  }
0x6b: {  	_ =	shalt  }
0x6c: {  	_ =	shalt  }
0x6d: {  	_ =	shalt  }
0x6e: {  	_ =	shalt  }
0x6f: {  	_ =	shalt  }
0x70: {  	_ =	shalt  }
0x71: {  	_ =	shalt  }
0x72: {  	_ =	shalt  }
0x73: {  	_ =	shalt  }
0x74: {  	_ =	shalt  }
0x75: {  	_ =	shalt  }
0x76: {  	_ =	shalt  }
0x77: {  	_ =	shalt  }
0x78: {  	_ =	shalt  }
0x79: {  	_ =	shalt  }
0x7a: {  	_ =	shalt  }
0x7b: {  	_ =	shalt  }
0x7c: {  	_ =	shalt  }
0x7d: {  	_ =	shalt  }
0x7e: {  	_ =	shalt  }
0x7f: {  	_ =	shalt  }
0x80: {  	_ =	shalt  }
0x81: {  	_ =	shalt  }
0x82: {  	_ =	shalt  }
0x83: {  	_ =	shalt  }
0x84: {  	_ =	shalt  }
0x85: {  	_ =	shalt  }
0x86: {  	_ =	shalt  }
0x87: {  	_ =	shalt  }
.Lfunc_end0:
.L_simem_size_0:
called_computation.2_lowered:
.L_overlay_start_0:
0x88: {  	s2 =	sld [smem:$0x3FD9]  }
0x89: {  	s3 =	sld [smem:$0x3FFE];
	_ =	sdelay $0x1  }
0x8a: {  	s1 =	srdreg.scid  }
0x8b: {  	s0 =	sand.u32 $0x1, s1  }
0x8c: {  	s17 =	sshll.u32 s0, $0xA;
	s2 =	sadd.s32 s3, s2  }
0x8d: {  	s2 =	sadd.s32 s2, s17  }
0x8e: {  	[smem:$0x3FC6] =	sst s2  }
0x8f: {  	_ = 	snop  }
0x90: {  	s2 =	sld [smem:$0x3FD0];
	(tm) =	ssettm $0x1  }
0x91: {  	s18 =	sld [smem:$0x3FFB];
	_ =	sdelay $0x3  }
0x92: {  	_ =	strace s18  }
0x93: {  	s3 =	sld [smem:$0x3FFC];
	_ =	sdelay $0x3  }
0x94: {  	_ =	strace s3  }
0x95: {  	s3 =	sld [smem:$0x3FFD];
	_ =	sdelay $0x3  }
0x96: {  	_ =	strace s3  }
0x97: {  	_ =	strace $0x8FFFFFFF  }
0x98: {  	s19 =	sld [smem:$0x3FDB];
	_ =	sdelay $0x1  }
0x99: {  	s4 =	simm.s32 $_scs_section_size  }
0x9a: {  	s5 =	simm.s32 $_size__tile_overlayer_lowered;
	s6 =	simm.s32 $_tile_overlayer_lowered  }
0x9b: {  	s22 =	simm.s32 $0x1BFF;
	s21 =	sshll.u32 s6, $0x1;
	s3 =	sadd.s32 s4, s19  }
0x9c: {  	s7 =	simm.s32 $0x0;
	s20 =	sshll.u32 s5, $0x1;
	s5 =	sadd.s32 s21, s3  }
0x9d: {  	[timem:s7], [sflag:s22] =	dma.local [hbm:s5], s20  }
0x9e: {  	_ =	swait.ge [sflag:s22], s20  }
0x9f: {  	s4 =	ssub.s32 $0x0, s20;
	[sflag:s22] =	ssyncset.done $0x0  }
0xa0: {  	[sflag:s22] =	ssyncadd.s32 s4;
	_ =	sdelay $0x1  }
0xa1: {  	s23 =	simm.s32 $0x1B8B  }
0xa2: {  	_ =	swait.ge [sflag:s23], $0x1  }
0xa3: {  	[sflag:s23] =	ssyncset.done $0x0  }
0xa4: {  	s25 =	simm.s32 $0x1B8E;
	s24 =	sld [smem:$0x3FFE];
	[sflag:s23] =	ssyncadd.s32 $0xFFFFFFFF  }
0xa5: {  	s26 =	simm.s32 $execute0_lowered;
	[smem:$0x3FD2] =	sst s25  }
0xa6: {  	s5 =	sshll.u32 s26, $0x1;
	_ =	strace $0x80000049;
	[dreg:$0x1] =	wrdreg $0xFFFFFFFF  }
0xa7: {  	s28 =	simm.s32 $_size_execute0_lowered;
	s3 =	sadd.s32 s3, s5;
	[dreg:$0x0] =	wrdreg $0x0  }
0xa8: {  	s5 =	sshll.u32 s28, $0x1;
	[dreg:$0x2] =	wrdreg s3  }
0xa9: {  	[dreg:$0x3] =	wrdreg s5  }
0xaa: {  	[dreg:$0x4] =	wrdreg $0xC0  }
0xab: {  	_ =	task [dreg:s7], $0x5FFFF  }
0xac: {  	[dreg:$0x1] =	wrdreg $0xFFFFFFFF  }
0xad: {  	[dreg:$0x0] =	wrdreg $0x60  }
0xae: {  	[dreg:$0x2] =	wrdreg s24  }
0xaf: {  	[dreg:$0x3] =	wrdreg s2  }
0xb0: {  	[dreg:$0x4] =	wrdreg $0x9  }
0xb1: {  	_ =	task.clear_ibuf [dreg:s7], $0x5FFFF;
	_ =	strace $0x90000049  }
0xb2: {  	s29 =	simm.s32 $0x9;
	_ =	strace $0x8000004B  }
0xb3: {  	_ =	swait.ge [sflag:s29], $0x1  }
0xb4: {  	[sflag:s29] =	ssyncadd.s32 $0xFFFFFFFF  }
0xb5: {  	_ =	strace $0x9000004B  }
0xb6: {  	_ =	sfence  }
0xb7: {  	s30 =	sld [smem:$0x0];
	_ =	sdelay $0x2  }
0xb8: {  	s31 =	sshll.u32 s1, $0xD;
	s1 =	sshrl.u32 s1, $0x2  }
0xb9: {  	s3 =	sand.u32 $0x4000, s31;
	s1 =	sadd.s32 s1, s30  }
0xba: {  	s0 =	sor.u32 s3, s0;
	s1 =	sshll.u32 s1, $0x11  }
0xbb: {  	s0 =	sor.u32 s1, s0  }
0xbc: {  	s0 =	sadd.s32 $0x8F2B, s0  }
0xbd: {  	[sflag:s0] =	ssyncadd.remote.s32 $0x1  }
0xbe: {  	_ =	sfence.sel $0xFFFF  }
0xbf: {  	[dreg:$0x0] =	wrdreg $0xFFFFFFFF;
	(pc) =	sbr.abs _section_cstart, $3  }
0xc0: {  	[dreg:$0x1] =	wrdreg $0xFFFFFFFF  }
0xc1: {  	_ =	task.clear_ibuf [dreg:s7], $0x2FFFF;
	_ =	strace $0x9FFFFFFF  }
0xc2: {  	(tm) =	ssettm $0x7FFFFFFF  }
0xc3: {  	_ =	shalt  }
tec
execute0_lowered:
.L_overlay_start_1:
0x0: {  	(tag) =	ssettag $0x1  }
0x1: {  	s1 =	srdreg.scid  }
0x2: {  	s3 =	rddreg [dreg:$0x0];
	s0 =	stileid.u32  }
0x3: {  	s9 =	rddreg [dreg:$0x1];
	s2 =	simm.s32 $0x0;
	s12 =	simm.s32 $0x5  }
0x4: {  	s13 =	simm.s32 $0x3400;
	s14 =	simm.s32 $0xB400;
	s15 =	simm.s32 $0x1  }
0x5: {  	s16 =	simm.s32 $0x40;
	s17 =	simm.s32 $0x680;
	s18 =	simm.s32 $0x3  }
0x6: {  	s19 =	simm.s32 $0x2;
	s20 =	simm.s32 $0x4;
	s21 =	simm.s32 $0x0  }
0x7: {  	s4 =	sand.u32 $0x1, s1;
	s5 =	sshll.u32 s0, $0xA;
	s1 =	rddreg [dreg:$0x2]  }
0x8: {  	[smem:$0x7FF] =	sst s2;
	s8 =	smul.u32 $0x1A0000, s0;
	s6 =	sshll.u32 s4, $0x9  }
0x9: {  	s7 =	ssub.s32 $0x2, s4;
	s11 =	smul.u32 $0xD0000, s4;
	s5 =	sor.u32 s6, s5  }
0xa: {  	_ =	strace $0x8000004A;
	s10 =	sshrl.u32 s7, $0x1;
	s6 =	smul.u32 $0x680, s5  }
0xb: {  	s5 =	sshrl.u32 s5, $0x3;
	s28 =	ssub.s32 s7, s10;
	s29 =	sadd.s32 s11, s8  }
0xc: {  	s26 =	sadd.s32 s5, s3;
	s3 =	sadd.s32 $0xE00, s3;
	s5 =	smax.u32 s28, $0x1  }
0xd: {  	s31 =	sor.u32 $0x40, s29;
	s11 =	sshrl.u32 s29, $0x3;
	s6 =	sshrl.u32 s6, $0x3  }
0xe: {  	s4 =	sadd.s32 $0x7A2000, s26;
	s10 =	sshrl.u32 s31, $0x3;
	s30 =	sadd.s32 s6, s9  }
0xf: {  	s8 =	sadd.s32 s10, s9;
	s9 =	sadd.s32 s11, s9;
	s10 =	simm.s32 $0x200  }
0x10: {  	s11 =	simm.s32 $0x4000;
	s6 =	sadd.s32 $0xC0, s30;
	s7 =	sadd.s32 $0xC8, s30  }
.LBB2_1:
0x11: {  	[tilespmem:s2], [sflag:$0x5] =	stream.strided.gather [hbm4b:s4+s10], $0x3400, s11, s10, $0x38;
	[tilespmem:$0x13400] =	vst v63  }
0x12: {  	_ =	swait.ge [sflag:s12], $0x3400  }
0x13: {  	[sflag:s12] =	ssyncset.done $0x0  }
0x14: {  	[sflag:s12] =	ssyncadd.s32 $0xFFFFCC00  }
0x15: {  	[tilespmem:s13], [sflag:$0x1] =	stream.indirect.gather [hbm4b:s3+s10], $0x40, s2, s10, $0xb8;
	[tilespmem:$0x13400] =	vst v63  }
0x16: {  	_ = 	snop  }
0x17: {  	[tilespmem:s14], [sflag:$0x2] =	stream.indirect.gather [hbm4b:s3+s10], $0x40, s10, s10, $0xb8;
	[tilespmem:$0x13400] =	vst v63  }
0x18: {  	_ =	swait.ge [sflag:s15], $0x8000  }
0x19: {  	[sflag:s15] =	ssyncset.done $0x0  }
0x1a: {  	s22 =	sadd.s32 $0x0, s9;
	[sflag:s15] =	ssyncadd.s32 $0xFFFF8000  }
0x1b: {  	[hbm4b:s22+s16] =	stream.strided.scatter [tilespmem:s13], [sflag:$0x3], $0x8000, s17, s16, $0x38;
	[tilespmem:$0x13400] =	vst v63  }
0x1c: {  	_ =	swait.ge [sflag:s18], $0x8000  }
0x1d: {  	[sflag:s18] =	ssyncset.done $0x0  }
0x1e: {  	s30 =	simm.s32 $0x400;
	[sflag:s18] =	ssyncadd.s32 $0xFFFF8000  }
0x1f: {  	[tilespmem:s13], [sflag:$0x1] =	stream.indirect.gather [hbm4b:s3+s10], $0x40, s30, s10, $0xb8;
	[tilespmem:$0x13400] =	vst v63  }
0x20: {  	_ =	swait.ge [sflag:s19], $0x8000  }
0x21: {  	[sflag:s19] =	ssyncset.done $0x0  }
0x22: {  	s31 =	sadd.s32 $0x0, s8;
	[sflag:s19] =	ssyncadd.s32 $0xFFFF8000  }
0x23: {  	[hbm4b:s31+s16] =	stream.strided.scatter [tilespmem:s14], [sflag:$0x4], $0x8000, s17, s16, $0x38;
	[tilespmem:$0x13400] =	vst v63  }
0x24: {  	_ =	swait.ge [sflag:s20], $0x8000  }
0x25: {  	s23 =	simm.s32 $0x10;
	[sflag:s20] =	ssyncset.done $0x0  }
0x26: {  	s24 =	simm.s32 $0xA00;
	s22 =	simm.s32 $0x600;
	[sflag:s20] =	ssyncadd.s32 $0xFFFF8000  }
.LBB2_2:
0x27: {  	[tilespmem:s14], [sflag:$0x2] =	stream.indirect.gather [hbm4b:s3+s10], $0x40, s22, s10, $0xb8;
	[tilespmem:$0x13400] =	vst v63  }
0x28: {  	s25 =	smov.u32 s23;
	s22 =	smov.u32 s24  }
0x29: {  	p0 =	sne.s32 s23, $0xB0;
	s23 =	sadd.s32 $0x10, s23;
	_ =	swait.ge [sflag:s15], $0x8000  }
0x2a: {  	[sflag:s15] =	ssyncset.done $0x0  }
0x2b: {  	s26 =	sadd.s32 s25, s9;
	[sflag:s15] =	ssyncadd.s32 $0xFFFF8000  }
0x2c: {  	[hbm4b:s26+s16] =	stream.strided.scatter [tilespmem:s13], [sflag:$0x3], $0x8000, s17, s16, $0x38;
	[tilespmem:$0x13400] =	vst v63  }
0x2d: {  	_ =	swait.ge [sflag:s18], $0x8000  }
0x2e: {  	[sflag:s18] =	ssyncset.done $0x0  }
0x2f: {  	s26 =	sadd.s32 $0xFFFFFE00, s24;
	[sflag:s18] =	ssyncadd.s32 $0xFFFF8000  }
0x30: {  	[tilespmem:s13], [sflag:$0x1] =	stream.indirect.gather [hbm4b:s3+s10], $0x40, s26, s10, $0xb8;
	[tilespmem:$0x13400] =	vst v63  }
0x31: {  	_ =	swait.ge [sflag:s19], $0x8000  }
0x32: {  	[sflag:s19] =	ssyncset.done $0x0  }
.Ltmp0:
0x33: {  	s25 =	sadd.s32 s25, s8;
	[sflag:s19] =	ssyncadd.s32 $0xFFFF8000;
	(pc) =	sbr.rel @p0 .LBB2_2-.Ltmp0, $4  }
0x34: {  	[hbm4b:s25+s16] =	stream.strided.scatter [tilespmem:s14], [sflag:$0x4], $0x8000, s17, s16, $0x38;
	[tilespmem:$0x13400] =	vst v63  }
0x35: {  	_ =	swait.ge [sflag:s20], $0x8000  }
0x36: {  	[sflag:s20] =	ssyncset.done $0x0  }
0x37: {  	s24 =	sadd.s32 $0x400, s24;
	[sflag:s20] =	ssyncadd.s32 $0xFFFF8000  }
0x38: {  	[tilespmem:s14], [sflag:$0x2] =	stream.indirect.gather [hbm4b:s3+s10], $0x40, s22, s10, $0xb8;
	[tilespmem:$0x13400] =	vst v63  }
0x39: {  	_ =	swait.ge [sflag:s15], $0x8000  }
0x3a: {  	[sflag:s15] =	ssyncset.done $0x0  }
0x3b: {  	[sflag:s15] =	ssyncadd.s32 $0xFFFF8000  }
0x3c: {  	[hbm4b:s6+s16] =	stream.strided.scatter [tilespmem:s13], [sflag:$0x3], $0x8000, s17, s16, $0x38;
	[tilespmem:$0x13400] =	vst v63  }
0x3d: {  	_ =	swait.ge [sflag:s19], $0x8000  }
0x3e: {  	[sflag:s19] =	ssyncset.done $0x0  }
0x3f: {  	s21 =	sadd.s32 $0x1, s21;
	[sflag:s19] =	ssyncadd.s32 $0xFFFF8000  }
0x40: {  	[hbm4b:s7+s16] =	stream.strided.scatter [tilespmem:s14], [sflag:$0x4], $0x8000, s17, s16, $0x38;
	[tilespmem:$0x13400] =	vst v63  }
0x41: {  	p0 =	sne.s32 s21, s5;
	_ =	swait.ge [sflag:s18], $0x8000  }
.Ltmp1:
0x42: {  	[sflag:s18] =	ssyncset.done $0x0;
	(pc) =	sbr.rel @p0 .LBB2_1-.Ltmp1, $4  }
0x43: {  	[sflag:s18] =	ssyncadd.s32 $0xFFFF8000  }
0x44: {  	_ =	swait.ge [sflag:s20], $0x8000  }
0x45: {  	[sflag:s20] =	ssyncset.done $0x0  }
0x46: {  	[sflag:s20] =	ssyncadd.s32 $0xFFFF8000  }
0x47: {  	_ =	sfence.sel $0x180000  }
0x48: {  	[bflag:$0x0] =	sbarrier.arrive $0xFFFF  }
0x49: {  	p0 =	sne.s32 s0, $0x0;
	_ =	strace $0x9000004A  }
0x4a: {  	s0 =	sadd.s32 @!p0 $0x100000, s1;
	[bflag:$0x2] =	sbarrier.arrive $0xFFFF  }
0x4b: {  	[sflag:s0] =	ssyncadd.tile.s32 @!p0 $0x1;
	_ =	shalt  }
.Lfunc_end2:
_tile_overlayer_lowered:
.L_overlay_start_2:
0x4c: {  	(tag) =	ssettag $0x2  }
0x4d: {  	s0 =	rddreg [dreg:$0x0];
	s2 =	stileid.u32  }
0x4e: {  	s1 =	rddreg [dreg:$0x1];
	p0 =	sne.s32 s2, $0x0  }
0x4f: {  	s3 =	rddreg [dreg:$0x2];
	[bflag:$0x3] =	sbarrier.arrive $0xFFFF;
	s2 =	simm.s32 @!p0 $0x1C05  }
0x50: {  	[timem:s3], [sflag:s2] =	dma.local @!p0 [hbm:s0], s1  }
0x51: {  	s0 =	simm.s32 @!p0 $0x5  }
0x52: {  	_ =	swait.ge @!p0 [sflag:s0], s1  }
0x53: {  	s1 =	ssub.s32 @!p0 $0x0, s1;
	[sflag:s0] =	ssyncset.done @!p0 $0x0  }
0x54: {  	[sflag:s0] =	ssyncadd.s32 @!p0 s1  }
0x55: {  	[bflag:$0x3] =	sbarrier.arrive $0xFFFF  }
0x56: {  	_ =	shalt  }

// kernel: sparse-core-data-format-call.cloned.1.call-start
scs
called_computation_lowered:
.L_overlay_start_0:
0x0: {  	s2 =	sld [smem:$0x3FD9]  }
0x1: {  	s3 =	sld [smem:$0x3FFE];
	_ =	sdelay $0x1  }
0x2: {  	s1 =	srdreg.scid  }
0x3: {  	s0 =	sand.u32 $0x1, s1  }
0x4: {  	s18 =	sshll.u32 s0, $0xA;
	s2 =	sadd.s32 s3, s2  }
0x5: {  	s2 =	sadd.s32 s2, s18  }
0x6: {  	[smem:$0x3FC6] =	sst s2  }
0x7: {  	_ = 	snop  }
0x8: {  	s2 =	sld [smem:$0x3FD0];
	(tm) =	ssettm $0x1  }
0x9: {  	s19 =	sld [smem:$0x3FFB];
	_ =	sdelay $0x3  }
0xa: {  	_ =	strace s19  }
0xb: {  	s3 =	sld [smem:$0x3FFC];
	_ =	sdelay $0x3  }
0xc: {  	_ =	strace s3  }
0xd: {  	s3 =	sld [smem:$0x3FFD];
	_ =	sdelay $0x3  }
0xe: {  	_ =	strace s3  }
0xf: {  	_ =	strace $0x8FFFFFFF  }
0x10: {  	s20 =	sld [smem:$0x3FDB];
	_ =	sdelay $0x1  }
0x11: {  	s4 =	simm.s32 $_scs_section_size  }
0x12: {  	s5 =	simm.s32 $_size__tile_overlayer_lowered;
	s6 =	simm.s32 $_tile_overlayer_lowered  }
0x13: {  	s23 =	simm.s32 $0x1BFF;
	s22 =	sshll.u32 s6, $0x1;
	s3 =	sadd.s32 s4, s20  }
0x14: {  	s7 =	simm.s32 $0x0;
	s21 =	sshll.u32 s5, $0x1;
	s5 =	sadd.s32 s22, s3  }
0x15: {  	[timem:s7], [sflag:s23] =	dma.local [hbm:s5], s21  }
0x16: {  	_ =	swait.ge [sflag:s23], s21  }
0x17: {  	s4 =	ssub.s32 $0x0, s21;
	[sflag:s23] =	ssyncset.done $0x0  }
0x18: {  	[sflag:s23] =	ssyncadd.s32 s4;
	_ =	sdelay $0x1  }
0x19: {  	s24 =	simm.s32 $0x1B8B  }
0x1a: {  	_ =	swait.ge [sflag:s24], $0x1  }
0x1b: {  	[sflag:s24] =	ssyncset.done $0x0  }
0x1c: {  	s26 =	simm.s32 $0x1B8E;
	s25 =	sld [smem:$0x3FFE];
	[sflag:s24] =	ssyncadd.s32 $0xFFFFFFFF  }
0x1d: {  	s27 =	simm.s32 $execute0_lowered;
	[smem:$0x3FD2] =	sst s26  }
0x1e: {  	s5 =	sshll.u32 s27, $0x1;
	_ =	strace $0x8000004C;
	[dreg:$0x1] =	wrdreg $0xFFFFFFFF  }
0x1f: {  	s28 =	simm.s32 $_size_execute0_lowered;
	s3 =	sadd.s32 s3, s5;
	[dreg:$0x0] =	wrdreg $0x0  }
0x20: {  	s5 =	sshll.u32 s28, $0x1;
	[dreg:$0x2] =	wrdreg s3  }
0x21: {  	[dreg:$0x3] =	wrdreg s5  }
0x22: {  	[dreg:$0x4] =	wrdreg $0xC0  }
0x23: {  	_ =	task [dreg:s7], $0x5FFFF  }
0x24: {  	[dreg:$0x1] =	wrdreg $0xFFFFFFFF  }
0x25: {  	[dreg:$0x0] =	wrdreg $0x60  }
0x26: {  	[dreg:$0x2] =	wrdreg s25  }
0x27: {  	[dreg:$0x3] =	wrdreg s2  }
0x28: {  	[dreg:$0x4] =	wrdreg $0x9  }
0x29: {  	_ =	task.clear_ibuf [dreg:s7], $0x5FFFF;
	_ =	strace $0x9000004C  }
0x2a: {  	s29 =	simm.s32 $0x9;
	_ =	strace $0x8000004E  }
0x2b: {  	_ =	swait.ge [sflag:s29], $0x1  }
0x2c: {  	[sflag:s29] =	ssyncadd.s32 $0xFFFFFFFF  }
0x2d: {  	_ =	strace $0x9000004E  }
0x2e: {  	_ =	sfence  }
0x2f: {  	s30 =	sld [smem:$0x0];
	_ =	sdelay $0x2  }
0x30: {  	s31 =	sshll.u32 s1, $0xD;
	s1 =	sshrl.u32 s1, $0x2  }
0x31: {  	s3 =	sand.u32 $0x4000, s31;
	s1 =	sadd.s32 s1, s30  }
0x32: {  	s0 =	sor.u32 s3, s0;
	s1 =	sshll.u32 s1, $0x11  }
0x33: {  	s0 =	sor.u32 s1, s0  }
0x34: {  	s0 =	sadd.s32 $0x8F2B, s0  }
0x35: {  	[sflag:s0] =	ssyncadd.remote.s32 $0x1  }
0x36: {  	_ =	sfence.sel $0xFFFF  }
0x37: {  	[dreg:$0x0] =	wrdreg $0xFFFFFFFF;
	(pc) =	sbr.abs _section_cstart, $3  }
0x38: {  	[dreg:$0x1] =	wrdreg $0xFFFFFFFF  }
0x39: {  	_ =	task.clear_ibuf [dreg:s7], $0x2FFFF;
	_ =	strace $0x9FFFFFFF  }
0x3a: {  	(tm) =	ssettm $0x7FFFFFFF  }
0x3b: {  	_ =	shalt  }
tec
execute0_lowered:
.L_overlay_start_1:
0x0: {  	(tag) =	ssettag $0x1  }
0x1: {  	s0 =	srdreg.scid  }
0x2: {  	s1 =	sshll.u32 s0, $0x4  }
0x3: {  	s0 =	stileid.u32;
	s1 =	sand.u32 $0x10, s1  }
0x4: {  	s1 =	sor.u32 s0, s1  }
0x5: {  	s6 =	rddreg [dreg:$0x0];
	s4 =	simm.s32 $0x1;
	s2 =	sshll.u32 s1, $0x7  }
0x6: {  	s7 =	simm.s32 $0x2;
	s12 =	simm.s32 $0x0;
	s1 =	ssub.s32 $0x4000, s2  }
0x7: {  	s8 =	simm.s32 $0x20000;
	s13 =	simm.s32 $0x0;
	s3 =	sand.u32 $0xF80, s1  }
0x8: {  	s9 =	simm.s32 $0x0;
	s5 =	sshrl.u32 s1, $0xC;
	p0 =	sne.s32 s3, $0x0  }
.Ltmp0:
0x9: {  	s1 =	rddreg [dreg:$0x2];
	s4 =	simm.s32 @!p0 $0x0;
	(pc) =	sbr.rel .LBB1_1-.Ltmp0, $4  }
0xa: {  	s11 =	simm.s32 $0x0;
	s3 =	rddreg [dreg:$0x1];
	s5 =	sadd.s32 s4, s5  }
0xb: {  	_ =	strace $0x8000004D;
	s4 =	simm.s32 $0x1;
	s5 =	smul.u32 $0x1A, s5  }
0xc: {  	s6 =	sadd.s32 $0xE00, s6;
	s10 =	smov.u32 s2;
	[sflag:s4] =	ssyncpa.u1 $0x0  }
0xd: {  	p0 =	por $0x0, $0x0;
	[sflag:s7] =	ssyncpa.u1 $0x0;
	s7 =	sor.u32 $0x1, s5  }
.LBB1_4:
0xe: {  	s16 =	sshll.u32 s13, $0x3;
	s17 =	sand.u32 $0x78, s13  }
0xf: {  	s30 =	sand.u32 $0x1F800, s13;
	s12 =	sshll.u32 s12, $0x11;
	s16 =	sand.u32 $0x3C00, s16  }
0x10: {  	[tilespmem:s15+$0x810 ss:$0x81] =	vst.msk $0xffff, v2;
	s31 =	sand.u32 $0x7, s13;
	s16 =	sor.u32 s17, s16;
	s17 =	sadd.s32 s3, s30  }
0x11: {  	[tilespmem:s15+$0x1020 ss:$0x81] =	vst.msk $0xffff, v0;
	s13 =	sshll.u32 s31, $0x12;
	s12 =	sadd.s32 s12, s17;
	s16 =	sshrl.u32 s16, $0x3  }
0x12: {  	[tilespmem:s15+$0x0 ss:$0x81] =	vst.msk $0xffff, v1;
	s13 =	sor.u32 $0x400, s13;
	s12 =	sadd.s32 s16, s12  }
0x13: {  	[hbm4b:s12+s13] =	stream.strided.scatter [tilespmem:s14], [sflag:$0x2], $0x2000, s8, s13, $0x20;
	[tilespmem:$0x8080] =	vst v63  }
.LBB1_5:
0x14: {  	s14 =	sadd.s32 $0x1, s9  }
0x15: {  	s12 =	sadd.s32 $0x1000, s10;
	s16 =	smov.u32 s10;
	p2 =	sgt.s32 s14, $0x19  }
0x16: {  	s16 =	smov.u32 @p2 s12  }
0x17: {  	s14 =	simm.s32 @p2 $0x0;
	p2 =	sgt.s32 s16, $0x3FFF  }
0x18: {  	s16 =	smov.u32 @p2 s2;
	p2 =	sne.s32 s11, s7  }
.Ltmp1:
0x19: {  	p1 =	slt.u32 s11, $0x2;
	(pc) =	sbr.rel @!p2 .LBB1_6-.Ltmp1, $4  }
0x1a: {  	s15 =	simm.s32 @!p1 $0x2  }
0x1b: {  	s13 =	smov.u32 s10;
	p0 =	por !p0, !p0;
	_ =	swait.ge @!p1 [sflag:s15], $0x2000  }
0x1c: {  	s12 =	smov.u32 s9;
	[sflag:s15] =	ssyncset.done @!p1 $0x0;
	s9 =	smov.u32 s14  }
0x1d: {  	s11 =	sadd.s32 $0x1, s11;
	[sflag:s15] =	ssyncadd.s32 @!p1 $0xFFFFE000;
	s10 =	smov.u32 s16  }
.LBB1_1:
0x1e: {  	p1 =	sge.u32 s11, s5  }
0x1f: {  	s31 =	sadd.s32 $0xFFFFFFFF, s11;
	s14 =	sxor.u32 @!p1 $0xFFFFFFFF, s11  }
0x20: {  	s15 =	sshll.u32 @!p1 s10, $0x9;
	s16 =	sshll.u32 @!p1 s9, $0x4;
	s17 =	simm.s32 @!p1 $0x1000  }
0x21: {  	s14 =	sshll.u32 @!p1 s14, $0xD;
	s16 =	sand.u32 @!p1 $0x1F0, s16;
	s15 =	sadd.s32 @!p1 s6, s15  }
0x22: {  	s14 =	sand.u32 @!p1 $0x2000, s14;
	s15 =	sadd.s32 @!p1 s16, s15;
	s16 =	simm.s32 @!p1 $0x40  }
0x23: {  	[tilespmem:s14], [sflag:$0x1] =	stream.strided.gather @!p1 [hbm4b:s15+s16], $0x2000, s17, s16, $0x38;
	[tilespmem:$0x8080] =	vst v63  }
0x24: {  	p1 =	sge.u32 s31, s5  }
.Ltmp2:
0x25: {  	_ = 	snop;
	(pc) =	sbr.rel @p1 .LBB1_5-.Ltmp2, $1  }
0x26: {  	_ =	sdelay $0x3  }
0x27: {  	s14 =	simm.s32 $0x1  }
0x28: {  	_ =	swait.ge [sflag:s4], $0x2000;
	s14 =	simm.s32 @!p0 $0x0  }
0x29: {  	[sflag:s4] =	ssyncset.done $0x0;
	s15 =	sshll.u32 s14, $0xD  }
0x2a: {  	[sflag:s4] =	ssyncadd.s32 $0xFFFFE000;
	s18 =	sor.u32 $0x20, s15  }
0x2b: {  	s14 =	smul.u32 $0x8100, s14;
	v3 =	vld [tilespmem:s18+$0x10]  }
0x2c: {  	s30 =	sand.u32 $0x1, s11;
	v2 =	vld [tilespmem:s18+$0xFFFFFFF0]  }
0x2d: {  	s15 =	smul.u32 $0x8100, s30;
	s14 =	sshrl.u32 s14, $0x2;
	v0 =	vld [tilespmem:s18+$0x0]  }
0x2e: {  	v1 =	vld [tilespmem:s18+$0xFFFFFFE0];
	s16 =	sor.u32 $0x4000, s14  }
0x2f: {  	s31 =	sshrl.u32 s15, $0x2;
	s15 =	sadd.s32 $0x0, s16  }
0x30: {  	s17 =	simm.s32 $0x4;
	s18 =	sadd.s32 $0x40, s18;
	s14 =	sor.u32 $0x4000, s31;
	[tilespmem:s15+$0x1830 ss:$0x81] =	vst.msk $0xffff, v3  }
.LBB1_3:
0x31: {  	v3 =	vld [tilespmem:s18+$0x10];
	p1 =	sne.s32 s17, $0x1FC;
	[tilespmem:s15+$0x810 ss:$0x81] =	vst.msk $0xffff, v2;
	s19 =	smov.u32 s17;
	s17 =	sadd.s32 $0x4, s17  }
.Ltmp3:
0x32: {  	v2 =	vld [tilespmem:s18+$0xFFFFFFF0];
	[tilespmem:s15+$0x1020 ss:$0x81] =	vst.msk $0xffff, v0;
	(pc) =	sbr.rel @p1 .LBB1_3-.Ltmp3, $4  }
0x33: {  	v0 =	vld [tilespmem:s18+$0x0];
	[tilespmem:s15+$0x0 ss:$0x81] =	vst.msk $0xffff, v1  }
0x34: {  	s15 =	sshra.s32 s19, $0x2;
	v1 =	vld [tilespmem:s18+$0xFFFFFFE0]  }
0x35: {  	s15 =	sadd.s32 s15, s16  }
0x36: {  	s18 =	sadd.s32 $0x40, s18;
	[tilespmem:s15+$0x1830 ss:$0x81] =	vst.msk $0xffff, v3  }
.Ltmp4:
0x37: {  	_ = 	snop;
	(pc) =	sbr.rel .LBB1_4-.Ltmp4, $1  }
0x38: {  	_ =	sdelay $0x3  }
.LBB1_6:
0x39: {  	_ =	sfence.sel $0x180000  }
0x3a: {  	s2 =	simm.s32 $0x1;
	[bflag:$0x0] =	sbarrier.arrive $0xFFFF  }
0x3b: {  	s31 =	simm.s32 $0x2;
	[sflag:s2] =	ssyncpa.u1 $0x1  }
0x3c: {  	[sflag:s31] =	ssyncpa.u1 $0x1  }
0x3d: {  	p0 =	sne.s32 s0, $0x0;
	_ =	strace $0x9000004D  }
0x3e: {  	s0 =	sadd.s32 @!p0 $0x100000, s1;
	[bflag:$0x2] =	sbarrier.arrive $0xFFFF  }
0x3f: {  	[sflag:s0] =	ssyncadd.tile.s32 @!p0 $0x1;
	_ =	shalt  }
.Lfunc_end1:
_tile_overlayer_lowered:
.L_overlay_start_2:
0x40: {  	(tag) =	ssettag $0x2  }
0x41: {  	s0 =	rddreg [dreg:$0x0];
	s2 =	stileid.u32  }
0x42: {  	s1 =	rddreg [dreg:$0x1];
	p0 =	sne.s32 s2, $0x0  }
0x43: {  	s3 =	rddreg [dreg:$0x2];
	[bflag:$0x3] =	sbarrier.arrive $0xFFFF;
	s2 =	simm.s32 @!p0 $0x1C01  }
0x44: {  	[timem:s3], [sflag:s2] =	dma.local @!p0 [hbm:s0], s1  }
0x45: {  	s0 =	simm.s32 @!p0 $0x1  }
0x46: {  	_ =	swait.ge @!p0 [sflag:s0], s1  }
0x47: {  	s1 =	ssub.s32 @!p0 $0x0, s1;
	[sflag:s0] =	ssyncset.done @!p0 $0x0  }
0x48: {  	[sflag:s0] =	ssyncadd.s32 @!p0 s1  }
0x49: {  	[bflag:$0x3] =	sbarrier.arrive $0xFFFF  }
0x4a: {  	_ =	shalt  }

</sc_bundles>
